<compile_context>
chip_gen: v7x
topology: tpu7x:2x2x1
jax: 0.10.2.dev20260603
libtpu: 0.0.44.dev20260713+nightly
codegen_flags: <defaults>
</compile_context>

<pallas_src>
import functools

import jax
import jax.numpy as jnp
from jax import lax
from jax.experimental import pallas as pl
from jax.experimental.pallas import tpu as pltpu
from jax.experimental.pallas import tpu_sc as plsc

VOCAB = 1000000
HID = 64
PAD = 0
SCALE = float(HID) ** 0.5

NC, NS, LANES = 2, 16, 16
NW = NC * NS
B_TOTAL = 4096 * 200
PER_W = B_TOTAL // NW
CHUNK = 320
NBUF = 2
N_CHUNKS = PER_W // CHUNK
assert N_CHUNKS % NBUF == 0


def _body(idx_hbm, table_hbm, out_hbm, idx_all,
          r0, r1, o0, o1, gs0, gs1, ss0, ss1):
  rbufs = [r0, r1]
  obufs = [o0, o1]
  gsems = [gs0, gs1]
  ssems = [ss0, ss1]

  wid = lax.axis_index("s") * NC + lax.axis_index("c")
  base = pl.multiple_of(wid * PER_W, 1024)

  pltpu.sync_copy(idx_hbm.at[pl.ds(base, PER_W)], idx_all)

  def start_gather(chunk, b):
    pltpu.async_copy(
        table_hbm.at[idx_all.at[pl.ds(chunk * CHUNK, CHUNK)]],
        rbufs[b], gsems[b])

  dnums = lax.GatherDimensionNumbers(
      offset_dims=(), collapsed_slice_dims=(0,), start_index_map=(0,))

  def splat(vec, j):
    return lax.gather(vec, jnp.full((LANES, 1), j, jnp.int32), dnums, (1,),
                      mode=lax.GatherScatterMode.PROMISE_IN_BOUNDS)

  def scale_chunk(chunk, b):
    rows = rbufs[b]
    dst = obufs[b]

    def group(g, carry):
      idxv = idx_all[pl.ds(chunk * CHUNK + g * LANES, LANES)]
      mv = jnp.minimum(idxv, 1).astype(jnp.float32) * SCALE
      for j in range(LANES):
        mspl = splat(mv, j)
        r = g * LANES + j
        for c in range(HID // LANES):
          dst[r, pl.ds(c * LANES, LANES)] = (
              rows[r, pl.ds(c * LANES, LANES)] * mspl)
      return carry

    lax.fori_loop(0, CHUNK // LANES, group, 0)

  for b in range(NBUF):
    start_gather(b, b)

  def outer(s, carry):
    for b in range(NBUF):
      chunk = s * NBUF + b
      pltpu.make_async_copy(
          table_hbm.at[idx_all.at[pl.ds(chunk * CHUNK, CHUNK)]],
          rbufs[b], gsems[b]).wait()

      @pl.when(chunk >= NBUF)
      def _():
        off0 = pl.multiple_of(base + (chunk - NBUF) * CHUNK, 64)
        pltpu.make_async_copy(
            obufs[b], out_hbm.at[pl.ds(off0, CHUNK)], ssems[b]).wait()

      scale_chunk(chunk, b)
      off = pl.multiple_of(base + chunk * CHUNK, 64)
      pltpu.async_copy(obufs[b], out_hbm.at[pl.ds(off, CHUNK)], ssems[b])

      @pl.when(chunk + NBUF < N_CHUNKS)
      def _():
        start_gather(chunk + NBUF, b)

    return carry

  lax.fori_loop(0, N_CHUNKS // NBUF, outer, 0)

  for b in range(NBUF):
    chunk = N_CHUNKS - NBUF + b
    off = pl.multiple_of(base + chunk * CHUNK, 64)
    pltpu.make_async_copy(
        obufs[b], out_hbm.at[pl.ds(off, CHUNK)], ssems[b]).wait()


@functools.partial(jax.jit, static_argnames=())
def _run(idx_flat, table):
  mesh = plsc.VectorSubcoreMesh(core_axis_name="c", subcore_axis_name="s")
  k = pl.kernel(
      _body,
      out_type=jax.ShapeDtypeStruct((B_TOTAL, HID), jnp.float32),
      mesh=mesh,
      scratch_types=(
          [pltpu.VMEM((PER_W,), jnp.int32)]
          + [pltpu.VMEM((CHUNK, HID), jnp.float32) for _ in range(NBUF)]
          + [pltpu.VMEM((CHUNK, HID), jnp.float32) for _ in range(NBUF)]
          + [pltpu.SemaphoreType.DMA for _ in range(2 * NBUF)]
      ),
      compiler_params=pltpu.CompilerParams(use_tc_tiling_on_sc=False),
  )
  return k(idx_flat, table)


def kernel(inputs, shared_weights):
  idx_flat = inputs.reshape(-1).astype(jnp.int32)
  out = _run(idx_flat, shared_weights)
  return out.reshape(inputs.shape + (HID,))

# --- scband reference (transcript-rebuilt; emitter-appended) ---
"""Pipeline reference for scband-embedding-shared-weights-29832842838046 (READ-ONLY COPY).

The authoritative reference and input builder live on the scoring server;
editing this copy changes nothing except your own understanding.
"""

import jax, jax.numpy as jnp
import numpy as np

VOCAB_SIZE = 1000000
HIDDEN_SIZE = 64
PAD_ID = 0

def setup_inputs(seed: int = 0) -> dict:
    key = jax.random.key(seed)
    k_idx, k_w = jax.random.split(key)
    inputs = jax.random.randint(k_idx, (4096, 200), 0, VOCAB_SIZE, dtype=jnp.int64 if jax.config.jax_enable_x64 else jnp.int32)
    shared_weights = jax.random.normal(k_w, (VOCAB_SIZE, HIDDEN_SIZE), dtype=jnp.float32) * (HIDDEN_SIZE ** -0.5)
    return {"inputs": inputs, "shared_weights": shared_weights}

def reference(inputs, shared_weights):
    # mask for padding tokens
    mask = jnp.asarray(inputs != PAD_ID, dtype=jnp.float32)
    # embedding gather
    embeddings = jnp.take(shared_weights, inputs, axis=0)
    embeddings = embeddings * mask[..., None]
    embeddings = embeddings * (HIDDEN_SIZE ** 0.5)
    return embeddings

if __name__ == "__main__":
    import jax
    _d = setup_inputs()
    print(jax.jit(kernel)(*tuple(_d.values())))

</pallas_src>

<mosaic_0001>
#map = affine_map<(d0, d1) -> (0)>
#map1 = affine_map<(d0, d1) -> (0, 0)>
module attributes {stable_mosaic.version = 14 : i64} {
  func.func @_body(%arg0: i32, %arg1: i32, %arg2: memref<819200xi32, #tpu.memory_space<hbm>>, %arg3: memref<1000000x64xf32, #tpu.memory_space<hbm>>, %arg4: memref<819200x64xf32, #tpu.memory_space<hbm>>, %arg5: memref<25600xi32, #tpu.memory_space<vmem>>, %arg6: memref<320x64xf32, #tpu.memory_space<vmem>>, %arg7: memref<320x64xf32, #tpu.memory_space<vmem>>, %arg8: memref<320x64xf32, #tpu.memory_space<vmem>>, %arg9: memref<320x64xf32, #tpu.memory_space<vmem>>, %arg10: memref<!tpu.dma_semaphore, #tpu.memory_space<semaphore_mem>>, %arg11: memref<!tpu.dma_semaphore, #tpu.memory_space<semaphore_mem>>, %arg12: memref<!tpu.dma_semaphore, #tpu.memory_space<semaphore_mem>>, %arg13: memref<!tpu.dma_semaphore, #tpu.memory_space<semaphore_mem>>) attributes {dimension_semantics = [#tpu.dimension_semantics<core_parallel>, #tpu.dimension_semantics<subcore_parallel>], iteration_bounds = array<i64: 2, 16>, scalar_prefetch = 0 : i64, scratch_operands = 9 : i64, tpu.core_type = #tpu.core_type<sc_vector_subcore>, window_params = [{transform_indices = #map}, {transform_indices = #map1}, {transform_indices = #map1}]} {
    %mul3A = arith.constant 2 : i32
    %mul3A_0 = arith.muli %arg1, %mul3A : i32
    %add3A = arith.addi %mul3A_0, %arg0 : i32
    %mul3A_1 = arith.constant 25600 : i32
    %mul3A_2 = arith.muli %add3A, %mul3A_1 : i32
    %multiple_of3A = tpu.assume_multiple %mul3A_2, 1024 : i32
    "tpu.region"() ({
      %run_scoped3A = tpu.sem_alloc : memref<!tpu.dma_semaphore, #tpu.memory_space<semaphore_mem>>
      %dma_start3A_30 = tpu.memref_slice %arg2[%multiple_of3A] : memref<819200xi32, #tpu.memory_space<hbm>> -> memref<25600xi32, #tpu.memory_space<hbm>>
      %dma_start3A_31 = tpu.memref_slice %arg2[%multiple_of3A] : memref<819200xi32, #tpu.memory_space<hbm>> -> memref<25600xi32, #tpu.memory_space<hbm>>
      tpu.enqueue_dma source(%dma_start3A_31 : memref<25600xi32, #tpu.memory_space<hbm>>) target(%arg5 : memref<25600xi32, #tpu.memory_space<vmem>>) target_semaphore(%run_scoped3A : memref<!tpu.dma_semaphore, #tpu.memory_space<semaphore_mem>>)
      %dma_wait3A_32 = tpu.memref_slice %arg2[%multiple_of3A] : memref<819200xi32, #tpu.memory_space<hbm>> -> memref<25600xi32, #tpu.memory_space<hbm>>
      %dma_wait3A_33 = tpu.memref_slice %arg2[%multiple_of3A] : memref<819200xi32, #tpu.memory_space<hbm>> -> memref<25600xi32, #tpu.memory_space<hbm>>
      tpu.wait_dma2 semaphore(%run_scoped3A : memref<!tpu.dma_semaphore, #tpu.memory_space<semaphore_mem>>) src(%dma_wait3A_33 : memref<25600xi32, #tpu.memory_space<hbm>>) dst(%arg5 : memref<25600xi32, #tpu.memory_space<vmem>>)
      tpu.yield
    }) : () -> ()
    %dma_start3A = arith.constant 0 : i32
    %dma_start3A_3 = tpu.memref_slice %arg5[%dma_start3A] : memref<25600xi32, #tpu.memory_space<vmem>> -> memref<320xi32, #tpu.memory_space<vmem>>
    %dma_start3A_4 = arith.constant 0 : i32
    %dma_start3A_5 = arith.constant 0 : i32
    %dma_start3A_6 = tpu.memref_slice %arg3[%dma_start3A_4, %dma_start3A_5] : memref<1000000x64xf32, #tpu.memory_space<hbm>> -> memref<1000000x64xf32, #tpu.memory_space<hbm>>
    tpu.enqueue_indirect_dma source(%dma_start3A_6 : memref<1000000x64xf32, #tpu.memory_space<hbm>>) target(%arg6 : memref<320x64xf32, #tpu.memory_space<vmem>>) offsets(%dma_start3A_3 : memref<320xi32, #tpu.memory_space<vmem>>) semaphore(%arg10 : memref<!tpu.dma_semaphore, #tpu.memory_space<semaphore_mem>>)
    %dma_start3A_7 = arith.constant 320 : i32
    %dma_start3A_8 = tpu.memref_slice %arg5[%dma_start3A_7] : memref<25600xi32, #tpu.memory_space<vmem>> -> memref<320xi32, #tpu.memory_space<vmem>>
    %dma_start3A_9 = arith.constant 0 : i32
    %dma_start3A_10 = arith.constant 0 : i32
    %dma_start3A_11 = tpu.memref_slice %arg3[%dma_start3A_9, %dma_start3A_10] : memref<1000000x64xf32, #tpu.memory_space<hbm>> -> memref<1000000x64xf32, #tpu.memory_space<hbm>>
    tpu.enqueue_indirect_dma source(%dma_start3A_11 : memref<1000000x64xf32, #tpu.memory_space<hbm>>) target(%arg7 : memref<320x64xf32, #tpu.memory_space<vmem>>) offsets(%dma_start3A_8 : memref<320xi32, #tpu.memory_space<vmem>>) semaphore(%arg11 : memref<!tpu.dma_semaphore, #tpu.memory_space<semaphore_mem>>)
    %scan3A = arith.constant 0 : i32
    %scan3A_12 = arith.constant 0 : i32
    %scan3A_13 = arith.constant 40 : i32
    %scan3A_14 = arith.addi %scan3A_12, %scan3A_13 : i32
    %scan3A_15 = arith.constant 1 : i32
    scf.for %scan3A_30 = %scan3A_12 to %scan3A_14 step %scan3A_15  : i32 {
      %mul3A_31 = arith.constant 2 : i32
      %mul3A_32 = arith.muli %scan3A_30, %mul3A_31 : i32
      %add3A_33 = arith.constant 0 : i32
      %add3A_34 = arith.addi %mul3A_32, %add3A_33 : i32
      %mul3A_35 = arith.constant 320 : i32
      %mul3A_36 = arith.muli %add3A_34, %mul3A_35 : i32
      %dma_wait3A_37 = tpu.memref_slice %arg5[%mul3A_36] : memref<25600xi32, #tpu.memory_space<vmem>> -> memref<320xi32, #tpu.memory_space<vmem>>
      %dma_wait3A_38 = arith.constant 0 : i32
      %dma_wait3A_39 = arith.constant 0 : i32
      %dma_wait3A_40 = tpu.memref_slice %arg3[%dma_wait3A_38, %dma_wait3A_39] : memref<1000000x64xf32, #tpu.memory_space<hbm>> -> memref<1000000x64xf32, #tpu.memory_space<hbm>>
      tpu.wait_indirect_dma semaphore(%arg10 : memref<!tpu.dma_semaphore, #tpu.memory_space<semaphore_mem>>) src(%dma_wait3A_40 : memref<1000000x64xf32, #tpu.memory_space<hbm>>) dst(%arg6 : memref<320x64xf32, #tpu.memory_space<vmem>>)
      %ge3A = arith.constant 2 : i32
      %ge3A_41 = arith.cmpi sge, %add3A_34, %ge3A : i32
      %convert_element_type3A = arith.extui %ge3A_41 : i1 to i32
      %cond3A = arith.constant 0 : i32
      %cond3A_42 = arith.cmpi ne, %convert_element_type3A, %cond3A : i32
      scf.if %cond3A_42 {
        %sub3A = arith.constant 2 : i32
        %sub3A_99 = arith.subi %add3A_34, %sub3A : i32
        %mul3A_100 = arith.constant 320 : i32
        %mul3A_101 = arith.muli %sub3A_99, %mul3A_100 : i32
        %add3A_102 = arith.addi %multiple_of3A, %mul3A_101 : i32
        %multiple_of3A_103 = tpu.assume_multiple %add3A_102, 64 : i32
        %dma_wait3A_104 = arith.constant 0 : i32
        %dma_wait3A_105 = tpu.memref_slice %arg4[%multiple_of3A_103, %dma_wait3A_104] : memref<819200x64xf32, #tpu.memory_space<hbm>> -> memref<320x64xf32, #tpu.memory_space<hbm>>
        %dma_wait3A_106 = arith.constant 0 : i32
        %dma_wait3A_107 = tpu.memref_slice %arg4[%multiple_of3A_103, %dma_wait3A_106] : memref<819200x64xf32, #tpu.memory_space<hbm>> -> memref<320x64xf32, #tpu.memory_space<hbm>>
        tpu.wait_dma2 semaphore(%arg12 : memref<!tpu.dma_semaphore, #tpu.memory_space<semaphore_mem>>) src(%arg8 : memref<320x64xf32, #tpu.memory_space<vmem>>) dst(%dma_wait3A_107 : memref<320x64xf32, #tpu.memory_space<hbm>>)
      } else {
      }
      %scan3A_43 = arith.constant 0 : i32
      %scan3A_44 = arith.constant 0 : i32
      %scan3A_45 = arith.constant 20 : i32
      %scan3A_46 = arith.addi %scan3A_44, %scan3A_45 : i32
      %scan3A_47 = arith.constant 1 : i32
      scf.for %scan3A_99 = %scan3A_44 to %scan3A_46 step %scan3A_47  : i32 {
        %mul3A_100 = arith.constant 320 : i32
        %mul3A_101 = arith.muli %add3A_34, %mul3A_100 : i32
        %mul3A_102 = arith.constant 16 : i32
        %mul3A_103 = arith.muli %scan3A_99, %mul3A_102 : i32
        %add3A_104 = arith.addi %mul3A_101, %mul3A_103 : i32
        %get3A = arith.index_cast %add3A_104 : i32 to index
        %get3A_105 = tpu.vector_load %arg5[%get3A] {strides = array<i32>} : memref<25600xi32, #tpu.memory_space<vmem>>, vector<16xi32>,
        %get3A_106 = vector.shape_cast %get3A_105 : vector<16xi32> to vector<16xi32>
        %min3A = arith.constant 1 : i32
        %min3A_107 = vector.broadcast %min3A : i32 to vector<16xi32>
        %min3A_108 = arith.minsi %get3A_106, %min3A_107 : vector<16xi32>
        %convert_element_type3A_109 = arith.sitofp %min3A_108 : vector<16xi32> to vector<16xf32>
        %mul3A_110 = arith.constant 8.000000e+00 : f32
        %mul3A_111 = vector.broadcast %mul3A_110 : f32 to vector<16xf32>
        %mul3A_112 = arith.mulf %convert_element_type3A_109, %mul3A_111 : vector<16xf32>
        %broadcast_in_dim3A = arith.constant 0 : i32
        %broadcast_in_dim3A_113 = vector.broadcast %broadcast_in_dim3A : i32 to vector<16x1xi32>
        %gather3A = vector.shape_cast %broadcast_in_dim3A_113 : vector<16x1xi32> to vector<16xi32>
        %gather3A_114 = tpu.dynamic_gather %mul3A_112[%gather3A] in [0] : vector<16xf32>, vector<16xi32> -> vector<16xf32>
        %mul3A_115 = arith.constant 16 : i32
        %mul3A_116 = arith.muli %scan3A_99, %mul3A_115 : i32
        %add3A_117 = arith.constant 0 : i32
        %add3A_118 = arith.addi %mul3A_116, %add3A_117 : i32
        %get3A_119 = arith.index_cast %add3A_118 : i32 to index
        %get3A_120 = arith.constant 0 : index
        %get3A_121 = tpu.vector_load %arg6[%get3A_119, %get3A_120] {strides = array<i32>} : memref<320x64xf32, #tpu.memory_space<vmem>>, vector<1x16xf32>,
        %get3A_122 = vector.shape_cast %get3A_121 : vector<1x16xf32> to vector<16xf32>
        %mul3A_123 = arith.mulf %get3A_122, %gather3A_114 : vector<16xf32>
        %swap3A = arith.index_cast %add3A_118 : i32 to index
        %swap3A_124 = arith.constant 0 : index
        %swap3A_125 = tpu.vector_load %arg8[%swap3A, %swap3A_124] {strides = array<i32>} : memref<320x64xf32, #tpu.memory_space<vmem>>, vector<1x16xf32>,
        %swap3A_126 = vector.shape_cast %swap3A_125 : vector<1x16xf32> to vector<16xf32>
        %swap3A_127 = vector.shape_cast %mul3A_123 : vector<16xf32> to vector<1x16xf32>
        tpu.vector_store %arg8[%swap3A, %swap3A_124], %swap3A_127 {strides = array<i32>} : memref<320x64xf32, #tpu.memory_space<vmem>>, vector<1x16xf32>,
        %get3A_128 = arith.index_cast %add3A_118 : i32 to index
        %get3A_129 = arith.constant 16 : index
        %get3A_130 = tpu.vector_load %arg6[%get3A_128, %get3A_129] {strides = array<i32>} : memref<320x64xf32, #tpu.memory_space<vmem>>, vector<1x16xf32>,
        %get3A_131 = vector.shape_cast %get3A_130 : vector<1x16xf32> to vector<16xf32>
        %mul3A_132 = arith.mulf %get3A_131, %gather3A_114 : vector<16xf32>
        %swap3A_133 = arith.index_cast %add3A_118 : i32 to index
        %swap3A_134 = arith.constant 16 : index
        %swap3A_135 = tpu.vector_load %arg8[%swap3A_133, %swap3A_134] {strides = array<i32>} : memref<320x64xf32, #tpu.memory_space<vmem>>, vector<1x16xf32>,
        %swap3A_136 = vector.shape_cast %swap3A_135 : vector<1x16xf32> to vector<16xf32>
        %swap3A_137 = vector.shape_cast %mul3A_132 : vector<16xf32> to vector<1x16xf32>
        tpu.vector_store %arg8[%swap3A_133, %swap3A_134], %swap3A_137 {strides = array<i32>} : memref<320x64xf32, #tpu.memory_space<vmem>>, vector<1x16xf32>,
        %get3A_138 = arith.index_cast %add3A_118 : i32 to index
        %get3A_139 = arith.constant 32 : index
        %get3A_140 = tpu.vector_load %arg6[%get3A_138, %get3A_139] {strides = array<i32>} : memref<320x64xf32, #tpu.memory_space<vmem>>, vector<1x16xf32>,
        %get3A_141 = vector.shape_cast %get3A_140 : vector<1x16xf32> to vector<16xf32>
        %mul3A_142 = arith.mulf %get3A_141, %gather3A_114 : vector<16xf32>
        %swap3A_143 = arith.index_cast %add3A_118 : i32 to index
        %swap3A_144 = arith.constant 32 : index
        %swap3A_145 = tpu.vector_load %arg8[%swap3A_143, %swap3A_144] {strides = array<i32>} : memref<320x64xf32, #tpu.memory_space<vmem>>, vector<1x16xf32>,
        %swap3A_146 = vector.shape_cast %swap3A_145 : vector<1x16xf32> to vector<16xf32>
        %swap3A_147 = vector.shape_cast %mul3A_142 : vector<16xf32> to vector<1x16xf32>
        tpu.vector_store %arg8[%swap3A_143, %swap3A_144], %swap3A_147 {strides = array<i32>} : memref<320x64xf32, #tpu.memory_space<vmem>>, vector<1x16xf32>,
        %get3A_148 = arith.index_cast %add3A_118 : i32 to index
        %get3A_149 = arith.constant 48 : index
        %get3A_150 = tpu.vector_load %arg6[%get3A_148, %get3A_149] {strides = array<i32>} : memref<320x64xf32, #tpu.memory_space<vmem>>, vector<1x16xf32>,
        %get3A_151 = vector.shape_cast %get3A_150 : vector<1x16xf32> to vector<16xf32>
        %mul3A_152 = arith.mulf %get3A_151, %gather3A_114 : vector<16xf32>
        %swap3A_153 = arith.index_cast %add3A_118 : i32 to index
        %swap3A_154 = arith.constant 48 : index
        %swap3A_155 = tpu.vector_load %arg8[%swap3A_153, %swap3A_154] {strides = array<i32>} : memref<320x64xf32, #tpu.memory_space<vmem>>, vector<1x16xf32>,
        %swap3A_156 = vector.shape_cast %swap3A_155 : vector<1x16xf32> to vector<16xf32>
        %swap3A_157 = vector.shape_cast %mul3A_152 : vector<16xf32> to vector<1x16xf32>
        tpu.vector_store %arg8[%swap3A_153, %swap3A_154], %swap3A_157 {strides = array<i32>} : memref<320x64xf32, #tpu.memory_space<vmem>>, vector<1x16xf32>,
        %broadcast_in_dim3A_158 = arith.constant 1 : i32
        %broadcast_in_dim3A_159 = vector.broadcast %broadcast_in_dim3A_158 : i32 to vector<16x1xi32>
        %gather3A_160 = vector.shape_cast %broadcast_in_dim3A_159 : vector<16x1xi32> to vector<16xi32>
        %gather3A_161 = tpu.dynamic_gather %mul3A_112[%gather3A_160] in [0] : vector<16xf32>, vector<16xi32> -> vector<16xf32>
        %mul3A_162 = arith.constant 16 : i32
        %mul3A_163 = arith.muli %scan3A_99, %mul3A_162 : i32
        %add3A_164 = arith.constant 1 : i32
        %add3A_165 = arith.addi %mul3A_163, %add3A_164 : i32
        %get3A_166 = arith.index_cast %add3A_165 : i32 to index
        %get3A_167 = arith.constant 0 : index
        %get3A_168 = tpu.vector_load %arg6[%get3A_166, %get3A_167] {strides = array<i32>} : memref<320x64xf32, #tpu.memory_space<vmem>>, vector<1x16xf32>,
        %get3A_169 = vector.shape_cast %get3A_168 : vector<1x16xf32> to vector<16xf32>
        %mul3A_170 = arith.mulf %get3A_169, %gather3A_161 : vector<16xf32>
        %swap3A_171 = arith.index_cast %add3A_165 : i32 to index
        %swap3A_172 = arith.constant 0 : index
        %swap3A_173 = tpu.vector_load %arg8[%swap3A_171, %swap3A_172] {strides = array<i32>} : memref<320x64xf32, #tpu.memory_space<vmem>>, vector<1x16xf32>,
        %swap3A_174 = vector.shape_cast %swap3A_173 : vector<1x16xf32> to vector<16xf32>
        %swap3A_175 = vector.shape_cast %mul3A_170 : vector<16xf32> to vector<1x16xf32>
        tpu.vector_store %arg8[%swap3A_171, %swap3A_172], %swap3A_175 {strides = array<i32>} : memref<320x64xf32, #tpu.memory_space<vmem>>, vector<1x16xf32>,
        %get3A_176 = arith.index_cast %add3A_165 : i32 to index
        %get3A_177 = arith.constant 16 : index
        %get3A_178 = tpu.vector_load %arg6[%get3A_176, %get3A_177] {strides = array<i32>} : memref<320x64xf32, #tpu.memory_space<vmem>>, vector<1x16xf32>,
        %get3A_179 = vector.shape_cast %get3A_178 : vector<1x16xf32> to vector<16xf32>
        %mul3A_180 = arith.mulf %get3A_179, %gather3A_161 : vector<16xf32>
        %swap3A_181 = arith.index_cast %add3A_165 : i32 to index
        %swap3A_182 = arith.constant 16 : index
        %swap3A_183 = tpu.vector_load %arg8[%swap3A_181, %swap3A_182] {strides = array<i32>} : memref<320x64xf32, #tpu.memory_space<vmem>>, vector<1x16xf32>,
        %swap3A_184 = vector.shape_cast %swap3A_183 : vector<1x16xf32> to vector<16xf32>
        %swap3A_185 = vector.shape_cast %mul3A_180 : vector<16xf32> to vector<1x16xf32>
        tpu.vector_store %arg8[%swap3A_181, %swap3A_182], %swap3A_185 {strides = array<i32>} : memref<320x64xf32, #tpu.memory_space<vmem>>, vector<1x16xf32>,
        %get3A_186 = arith.index_cast %add3A_165 : i32 to index
        %get3A_187 = arith.constant 32 : index
        %get3A_188 = tpu.vector_load %arg6[%get3A_186, %get3A_187] {strides = array<i32>} : memref<320x64xf32, #tpu.memory_space<vmem>>, vector<1x16xf32>,
        %get3A_189 = vector.shape_cast %get3A_188 : vector<1x16xf32> to vector<16xf32>
        %mul3A_190 = arith.mulf %get3A_189, %gather3A_161 : vector<16xf32>
        %swap3A_191 = arith.index_cast %add3A_165 : i32 to index
        %swap3A_192 = arith.constant 32 : index
        %swap3A_193 = tpu.vector_load %arg8[%swap3A_191, %swap3A_192] {strides = array<i32>} : memref<320x64xf32, #tpu.memory_space<vmem>>, vector<1x16xf32>,
        %swap3A_194 = vector.shape_cast %swap3A_193 : vector<1x16xf32> to vector<16xf32>
        %swap3A_195 = vector.shape_cast %mul3A_190 : vector<16xf32> to vector<1x16xf32>
        tpu.vector_store %arg8[%swap3A_191, %swap3A_192], %swap3A_195 {strides = array<i32>} : memref<320x64xf32, #tpu.memory_space<vmem>>, vector<1x16xf32>,
        %get3A_196 = arith.index_cast %add3A_165 : i32 to index
        %get3A_197 = arith.constant 48 : index
        %get3A_198 = tpu.vector_load %arg6[%get3A_196, %get3A_197] {strides = array<i32>} : memref<320x64xf32, #tpu.memory_space<vmem>>, vector<1x16xf32>,
        %get3A_199 = vector.shape_cast %get3A_198 : vector<1x16xf32> to vector<16xf32>
        %mul3A_200 = arith.mulf %get3A_199, %gather3A_161 : vector<16xf32>
        %swap3A_201 = arith.index_cast %add3A_165 : i32 to index
        %swap3A_202 = arith.constant 48 : index
        %swap3A_203 = tpu.vector_load %arg8[%swap3A_201, %swap3A_202] {strides = array<i32>} : memref<320x64xf32, #tpu.memory_space<vmem>>, vector<1x16xf32>,
        %swap3A_204 = vector.shape_cast %swap3A_203 : vector<1x16xf32> to vector<16xf32>
        %swap3A_205 = vector.shape_cast %mul3A_200 : vector<16xf32> to vector<1x16xf32>
        tpu.vector_store %arg8[%swap3A_201, %swap3A_202], %swap3A_205 {strides = array<i32>} : memref<320x64xf32, #tpu.memory_space<vmem>>, vector<1x16xf32>,
        %broadcast_in_dim3A_206 = arith.constant 2 : i32
        %broadcast_in_dim3A_207 = vector.broadcast %broadcast_in_dim3A_206 : i32 to vector<16x1xi32>
        %gather3A_208 = vector.shape_cast %broadcast_in_dim3A_207 : vector<16x1xi32> to vector<16xi32>
        %gather3A_209 = tpu.dynamic_gather %mul3A_112[%gather3A_208] in [0] : vector<16xf32>, vector<16xi32> -> vector<16xf32>
        %mul3A_210 = arith.constant 16 : i32
        %mul3A_211 = arith.muli %scan3A_99, %mul3A_210 : i32
        %add3A_212 = arith.constant 2 : i32
        %add3A_213 = arith.addi %mul3A_211, %add3A_212 : i32
        %get3A_214 = arith.index_cast %add3A_213 : i32 to index
        %get3A_215 = arith.constant 0 : index
        %get3A_216 = tpu.vector_load %arg6[%get3A_214, %get3A_215] {strides = array<i32>} : memref<320x64xf32, #tpu.memory_space<vmem>>, vector<1x16xf32>,
        %get3A_217 = vector.shape_cast %get3A_216 : vector<1x16xf32> to vector<16xf32>
        %mul3A_218 = arith.mulf %get3A_217, %gather3A_209 : vector<16xf32>
        %swap3A_219 = arith.index_cast %add3A_213 : i32 to index
        %swap3A_220 = arith.constant 0 : index
        %swap3A_221 = tpu.vector_load %arg8[%swap3A_219, %swap3A_220] {strides = array<i32>} : memref<320x64xf32, #tpu.memory_space<vmem>>, vector<1x16xf32>,
        %swap3A_222 = vector.shape_cast %swap3A_221 : vector<1x16xf32> to vector<16xf32>
        %swap3A_223 = vector.shape_cast %mul3A_218 : vector<16xf32> to vector<1x16xf32>
        tpu.vector_store %arg8[%swap3A_219, %swap3A_220], %swap3A_223 {strides = array<i32>} : memref<320x64xf32, #tpu.memory_space<vmem>>, vector<1x16xf32>,
        %get3A_224 = arith.index_cast %add3A_213 : i32 to index
        %get3A_225 = arith.constant 16 : index
        %get3A_226 = tpu.vector_load %arg6[%get3A_224, %get3A_225] {strides = array<i32>} : memref<320x64xf32, #tpu.memory_space<vmem>>, vector<1x16xf32>,
        %get3A_227 = vector.shape_cast %get3A_226 : vector<1x16xf32> to vector<16xf32>
        %mul3A_228 = arith.mulf %get3A_227, %gather3A_209 : vector<16xf32>
        %swap3A_229 = arith.index_cast %add3A_213 : i32 to index
        %swap3A_230 = arith.constant 16 : index
        %swap3A_231 = tpu.vector_load %arg8[%swap3A_229, %swap3A_230] {strides = array<i32>} : memref<320x64xf32, #tpu.memory_space<vmem>>, vector<1x16xf32>,
        %swap3A_232 = vector.shape_cast %swap3A_231 : vector<1x16xf32> to vector<16xf32>
        %swap3A_233 = vector.shape_cast %mul3A_228 : vector<16xf32> to vector<1x16xf32>
        tpu.vector_store %arg8[%swap3A_229, %swap3A_230], %swap3A_233 {strides = array<i32>} : memref<320x64xf32, #tpu.memory_space<vmem>>, vector<1x16xf32>,
        %get3A_234 = arith.index_cast %add3A_213 : i32 to index
        %get3A_235 = arith.constant 32 : index
        %get3A_236 = tpu.vector_load %arg6[%get3A_234, %get3A_235] {strides = array<i32>} : memref<320x64xf32, #tpu.memory_space<vmem>>, vector<1x16xf32>,
        %get3A_237 = vector.shape_cast %get3A_236 : vector<1x16xf32> to vector<16xf32>
        %mul3A_238 = arith.mulf %get3A_237, %gather3A_209 : vector<16xf32>
        %swap3A_239 = arith.index_cast %add3A_213 : i32 to index
        %swap3A_240 = arith.constant 32 : index
        %swap3A_241 = tpu.vector_load %arg8[%swap3A_239, %swap3A_240] {strides = array<i32>} : memref<320x64xf32, #tpu.memory_space<vmem>>, vector<1x16xf32>,
        %swap3A_242 = vector.shape_cast %swap3A_241 : vector<1x16xf32> to vector<16xf32>
        %swap3A_243 = vector.shape_cast %mul3A_238 : vector<16xf32> to vector<1x16xf32>
        tpu.vector_store %arg8[%swap3A_239, %swap3A_240], %swap3A_243 {strides = array<i32>} : memref<320x64xf32, #tpu.memory_space<vmem>>, vector<1x16xf32>,
        %get3A_244 = arith.index_cast %add3A_213 : i32 to index
        %get3A_245 = arith.constant 48 : index
        %get3A_246 = tpu.vector_load %arg6[%get3A_244, %get3A_245] {strides = array<i32>} : memref<320x64xf32, #tpu.memory_space<vmem>>, vector<1x16xf32>,
        %get3A_247 = vector.shape_cast %get3A_246 : vector<1x16xf32> to vector<16xf32>
        %mul3A_248 = arith.mulf %get3A_247, %gather3A_209 : vector<16xf32>
        %swap3A_249 = arith.index_cast %add3A_213 : i32 to index
        %swap3A_250 = arith.constant 48 : index
        %swap3A_251 = tpu.vector_load %arg8[%swap3A_249, %swap3A_250] {strides = array<i32>} : memref<320x64xf32, #tpu.memory_space<vmem>>, vector<1x16xf32>,
        %swap3A_252 = vector.shape_cast %swap3A_251 : vector<1x16xf32> to vector<16xf32>
        %swap3A_253 = vector.shape_cast %mul3A_248 : vector<16xf32> to vector<1x16xf32>
        tpu.vector_store %arg8[%swap3A_249, %swap3A_250], %swap3A_253 {strides = array<i32>} : memref<320x64xf32, #tpu.memory_space<vmem>>, vector<1x16xf32>,
        %broadcast_in_dim3A_254 = arith.constant 3 : i32
        %broadcast_in_dim3A_255 = vector.broadcast %broadcast_in_dim3A_254 : i32 to vector<16x1xi32>
        %gather3A_256 = vector.shape_cast %broadcast_in_dim3A_255 : vector<16x1xi32> to vector<16xi32>
        %gather3A_257 = tpu.dynamic_gather %mul3A_112[%gather3A_256] in [0] : vector<16xf32>, vector<16xi32> -> vector<16xf32>
        %mul3A_258 = arith.constant 16 : i32
        %mul3A_259 = arith.muli %scan3A_99, %mul3A_258 : i32
        %add3A_260 = arith.constant 3 : i32
        %add3A_261 = arith.addi %mul3A_259, %add3A_260 : i32
        %get3A_262 = arith.index_cast %add3A_261 : i32 to index
        %get3A_263 = arith.constant 0 : index
        %get3A_264 = tpu.vector_load %arg6[%get3A_262, %get3A_263] {strides = array<i32>} : memref<320x64xf32, #tpu.memory_space<vmem>>, vector<1x16xf32>,
        %get3A_265 = vector.shape_cast %get3A_264 : vector<1x16xf32> to vector<16xf32>
        %mul3A_266 = arith.mulf %get3A_265, %gather3A_257 : vector<16xf32>
        %swap3A_267 = arith.index_cast %add3A_261 : i32 to index
        %swap3A_268 = arith.constant 0 : index
        %swap3A_269 = tpu.vector_load %arg8[%swap3A_267, %swap3A_268] {strides = array<i32>} : memref<320x64xf32, #tpu.memory_space<vmem>>, vector<1x16xf32>,
        %swap3A_270 = vector.shape_cast %swap3A_269 : vector<1x16xf32> to vector<16xf32>
        %swap3A_271 = vector.shape_cast %mul3A_266 : vector<16xf32> to vector<1x16xf32>
        tpu.vector_store %arg8[%swap3A_267, %swap3A_268], %swap3A_271 {strides = array<i32>} : memref<320x64xf32, #tpu.memory_space<vmem>>, vector<1x16xf32>,
        %get3A_272 = arith.index_cast %add3A_261 : i32 to index
        %get3A_273 = arith.constant 16 : index
        %get3A_274 = tpu.vector_load %arg6[%get3A_272, %get3A_273] {strides = array<i32>} : memref<320x64xf32, #tpu.memory_space<vmem>>, vector<1x16xf32>,
        %get3A_275 = vector.shape_cast %get3A_274 : vector<1x16xf32> to vector<16xf32>
        %mul3A_276 = arith.mulf %get3A_275, %gather3A_257 : vector<16xf32>
        %swap3A_277 = arith.index_cast %add3A_261 : i32 to index
        %swap3A_278 = arith.constant 16 : index
        %swap3A_279 = tpu.vector_load %arg8[%swap3A_277, %swap3A_278] {strides = array<i32>} : memref<320x64xf32, #tpu.memory_space<vmem>>, vector<1x16xf32>,
        %swap3A_280 = vector.shape_cast %swap3A_279 : vector<1x16xf32> to vector<16xf32>
        %swap3A_281 = vector.shape_cast %mul3A_276 : vector<16xf32> to vector<1x16xf32>
        tpu.vector_store %arg8[%swap3A_277, %swap3A_278], %swap3A_281 {strides = array<i32>} : memref<320x64xf32, #tpu.memory_space<vmem>>, vector<1x16xf32>,
        %get3A_282 = arith.index_cast %add3A_261 : i32 to index
        %get3A_283 = arith.constant 32 : index
        %get3A_284 = tpu.vector_load %arg6[%get3A_282, %get3A_283] {strides = array<i32>} : memref<320x64xf32, #tpu.memory_space<vmem>>, vector<1x16xf32>,
        %get3A_285 = vector.shape_cast %get3A_284 : vector<1x16xf32> to vector<16xf32>
        %mul3A_286 = arith.mulf %get3A_285, %gather3A_257 : vector<16xf32>
        %swap3A_287 = arith.index_cast %add3A_261 : i32 to index
        %swap3A_288 = arith.constant 32 : index
        %swap3A_289 = tpu.vector_load %arg8[%swap3A_287, %swap3A_288] {strides = array<i32>} : memref<320x64xf32, #tpu.memory_space<vmem>>, vector<1x16xf32>,
        %swap3A_290 = vector.shape_cast %swap3A_289 : vector<1x16xf32> to vector<16xf32>
        %swap3A_291 = vector.shape_cast %mul3A_286 : vector<16xf32> to vector<1x16xf32>
        tpu.vector_store %arg8[%swap3A_287, %swap3A_288], %swap3A_291 {strides = array<i32>} : memref<320x64xf32, #tpu.memory_space<vmem>>, vector<1x16xf32>,
        %get3A_292 = arith.index_cast %add3A_261 : i32 to index
        %get3A_293 = arith.constant 48 : index
        %get3A_294 = tpu.vector_load %arg6[%get3A_292, %get3A_293] {strides = array<i32>} : memref<320x64xf32, #tpu.memory_space<vmem>>, vector<1x16xf32>,
        %get3A_295 = vector.shape_cast %get3A_294 : vector<1x16xf32> to vector<16xf32>
        %mul3A_296 = arith.mulf %get3A_295, %gather3A_257 : vector<16xf32>
        %swap3A_297 = arith.index_cast %add3A_261 : i32 to index
        %swap3A_298 = arith.constant 48 : index
        %swap3A_299 = tpu.vector_load %arg8[%swap3A_297, %swap3A_298] {strides = array<i32>} : memref<320x64xf32, #tpu.memory_space<vmem>>, vector<1x16xf32>,
        %swap3A_300 = vector.shape_cast %swap3A_299 : vector<1x16xf32> to vector<16xf32>
        %swap3A_301 = vector.shape_cast %mul3A_296 : vector<16xf32> to vector<1x16xf32>
        tpu.vector_store %arg8[%swap3A_297, %swap3A_298], %swap3A_301 {strides = array<i32>} : memref<320x64xf32, #tpu.memory_space<vmem>>, vector<1x16xf32>,
        %broadcast_in_dim3A_302 = arith.constant 4 : i32
        %broadcast_in_dim3A_303 = vector.broadcast %broadcast_in_dim3A_302 : i32 to vector<16x1xi32>
        %gather3A_304 = vector.shape_cast %broadcast_in_dim3A_303 : vector<16x1xi32> to vector<16xi32>
        %gather3A_305 = tpu.dynamic_gather %mul3A_112[%gather3A_304] in [0] : vector<16xf32>, vector<16xi32> -> vector<16xf32>
        %mul3A_306 = arith.constant 16 : i32
        %mul3A_307 = arith.muli %scan3A_99, %mul3A_306 : i32
        %add3A_308 = arith.constant 4 : i32
        %add3A_309 = arith.addi %mul3A_307, %add3A_308 : i32
        %get3A_310 = arith.index_cast %add3A_309 : i32 to index
        %get3A_311 = arith.constant 0 : index
        %get3A_312 = tpu.vector_load %arg6[%get3A_310, %get3A_311] {strides = array<i32>} : memref<320x64xf32, #tpu.memory_space<vmem>>, vector<1x16xf32>,
        %get3A_313 = vector.shape_cast %get3A_312 : vector<1x16xf32> to vector<16xf32>
        %mul3A_314 = arith.mulf %get3A_313, %gather3A_305 : vector<16xf32>
        %swap3A_315 = arith.index_cast %add3A_309 : i32 to index
        %swap3A_316 = arith.constant 0 : index
        %swap3A_317 = tpu.vector_load %arg8[%swap3A_315, %swap3A_316] {strides = array<i32>} : memref<320x64xf32, #tpu.memory_space<vmem>>, vector<1x16xf32>,
        %swap3A_318 = vector.shape_cast %swap3A_317 : vector<1x16xf32> to vector<16xf32>
        %swap3A_319 = vector.shape_cast %mul3A_314 : vector<16xf32> to vector<1x16xf32>
        tpu.vector_store %arg8[%swap3A_315, %swap3A_316], %swap3A_319 {strides = array<i32>} : memref<320x64xf32, #tpu.memory_space<vmem>>, vector<1x16xf32>,
        %get3A_320 = arith.index_cast %add3A_309 : i32 to index
        %get3A_321 = arith.constant 16 : index
        %get3A_322 = tpu.vector_load %arg6[%get3A_320, %get3A_321] {strides = array<i32>} : memref<320x64xf32, #tpu.memory_space<vmem>>, vector<1x16xf32>,
        %get3A_323 = vector.shape_cast %get3A_322 : vector<1x16xf32> to vector<16xf32>
        %mul3A_324 = arith.mulf %get3A_323, %gather3A_305 : vector<16xf32>
        %swap3A_325 = arith.index_cast %add3A_309 : i32 to index
        %swap3A_326 = arith.constant 16 : index
        %swap3A_327 = tpu.vector_load %arg8[%swap3A_325, %swap3A_326] {strides = array<i32>} : memref<320x64xf32, #tpu.memory_space<vmem>>, vector<1x16xf32>,
        %swap3A_328 = vector.shape_cast %swap3A_327 : vector<1x16xf32> to vector<16xf32>
        %swap3A_329 = vector.shape_cast %mul3A_324 : vector<16xf32> to vector<1x16xf32>
        tpu.vector_store %arg8[%swap3A_325, %swap3A_326], %swap3A_329 {strides = array<i32>} : memref<320x64xf32, #tpu.memory_space<vmem>>, vector<1x16xf32>,
        %get3A_330 = arith.index_cast %add3A_309 : i32 to index
        %get3A_331 = arith.constant 32 : index
        %get3A_332 = tpu.vector_load %arg6[%get3A_330, %get3A_331] {strides = array<i32>} : memref<320x64xf32, #tpu.memory_space<vmem>>, vector<1x16xf32>,
        %get3A_333 = vector.shape_cast %get3A_332 : vector<1x16xf32> to vector<16xf32>
        %mul3A_334 = arith.mulf %get3A_333, %gather3A_305 : vector<16xf32>
        %swap3A_335 = arith.index_cast %add3A_309 : i32 to index
        %swap3A_336 = arith.constant 32 : index
        %swap3A_337 = tpu.vector_load %arg8[%swap3A_335, %swap3A_336] {strides = array<i32>} : memref<320x64xf32, #tpu.memory_space<vmem>>, vector<1x16xf32>,
        %swap3A_338 = vector.shape_cast %swap3A_337 : vector<1x16xf32> to vector<16xf32>
        %swap3A_339 = vector.shape_cast %mul3A_334 : vector<16xf32> to vector<1x16xf32>
        tpu.vector_store %arg8[%swap3A_335, %swap3A_336], %swap3A_339 {strides = array<i32>} : memref<320x64xf32, #tpu.memory_space<vmem>>, vector<1x16xf32>,
        %get3A_340 = arith.index_cast %add3A_309 : i32 to index
        %get3A_341 = arith.constant 48 : index
        %get3A_342 = tpu.vector_load %arg6[%get3A_340, %get3A_341] {strides = array<i32>} : memref<320x64xf32, #tpu.memory_space<vmem>>, vector<1x16xf32>,
        %get3A_343 = vector.shape_cast %get3A_342 : vector<1x16xf32> to vector<16xf32>
        %mul3A_344 = arith.mulf %get3A_343, %gather3A_305 : vector<16xf32>
        %swap3A_345 = arith.index_cast %add3A_309 : i32 to index
        %swap3A_346 = arith.constant 48 : index
        %swap3A_347 = tpu.vector_load %arg8[%swap3A_345, %swap3A_346] {strides = array<i32>} : memref<320x64xf32, #tpu.memory_space<vmem>>, vector<1x16xf32>,
        %swap3A_348 = vector.shape_cast %swap3A_347 : vector<1x16xf32> to vector<16xf32>
        %swap3A_349 = vector.shape_cast %mul3A_344 : vector<16xf32> to vector<1x16xf32>
        tpu.vector_store %arg8[%swap3A_345, %swap3A_346], %swap3A_349 {strides = array<i32>} : memref<320x64xf32, #tpu.memory_space<vmem>>, vector<1x16xf32>,
        %broadcast_in_dim3A_350 = arith.constant 5 : i32
        %broadcast_in_dim3A_351 = vector.broadcast %broadcast_in_dim3A_350 : i32 to vector<16x1xi32>
        %gather3A_352 = vector.shape_cast %broadcast_in_dim3A_351 : vector<16x1xi32> to vector<16xi32>
        %gather3A_353 = tpu.dynamic_gather %mul3A_112[%gather3A_352] in [0] : vector<16xf32>, vector<16xi32> -> vector<16xf32>
        %mul3A_354 = arith.constant 16 : i32
        %mul3A_355 = arith.muli %scan3A_99, %mul3A_354 : i32
        %add3A_356 = arith.constant 5 : i32
        %add3A_357 = arith.addi %mul3A_355, %add3A_356 : i32
        %get3A_358 = arith.index_cast %add3A_357 : i32 to index
        %get3A_359 = arith.constant 0 : index
        %get3A_360 = tpu.vector_load %arg6[%get3A_358, %get3A_359] {strides = array<i32>} : memref<320x64xf32, #tpu.memory_space<vmem>>, vector<1x16xf32>,
        %get3A_361 = vector.shape_cast %get3A_360 : vector<1x16xf32> to vector<16xf32>
        %mul3A_362 = arith.mulf %get3A_361, %gather3A_353 : vector<16xf32>
        %swap3A_363 = arith.index_cast %add3A_357 : i32 to index
        %swap3A_364 = arith.constant 0 : index
        %swap3A_365 = tpu.vector_load %arg8[%swap3A_363, %swap3A_364] {strides = array<i32>} : memref<320x64xf32, #tpu.memory_space<vmem>>, vector<1x16xf32>,
        %swap3A_366 = vector.shape_cast %swap3A_365 : vector<1x16xf32> to vector<16xf32>
        %swap3A_367 = vector.shape_cast %mul3A_362 : vector<16xf32> to vector<1x16xf32>
        tpu.vector_store %arg8[%swap3A_363, %swap3A_364], %swap3A_367 {strides = array<i32>} : memref<320x64xf32, #tpu.memory_space<vmem>>, vector<1x16xf32>,
        %get3A_368 = arith.index_cast %add3A_357 : i32 to index
        %get3A_369 = arith.constant 16 : index
        %get3A_370 = tpu.vector_load %arg6[%get3A_368, %get3A_369] {strides = array<i32>} : memref<320x64xf32, #tpu.memory_space<vmem>>, vector<1x16xf32>,
        %get3A_371 = vector.shape_cast %get3A_370 : vector<1x16xf32> to vector<16xf32>
        %mul3A_372 = arith.mulf %get3A_371, %gather3A_353 : vector<16xf32>
        %swap3A_373 = arith.index_cast %add3A_357 : i32 to index
        %swap3A_374 = arith.constant 16 : index
        %swap3A_375 = tpu.vector_load %arg8[%swap3A_373, %swap3A_374] {strides = array<i32>} : memref<320x64xf32, #tpu.memory_space<vmem>>, vector<1x16xf32>,
        %swap3A_376 = vector.shape_cast %swap3A_375 : vector<1x16xf32> to vector<16xf32>
        %swap3A_377 = vector.shape_cast %mul3A_372 : vector<16xf32> to vector<1x16xf32>
        tpu.vector_store %arg8[%swap3A_373, %swap3A_374], %swap3A_377 {strides = array<i32>} : memref<320x64xf32, #tpu.memory_space<vmem>>, vector<1x16xf32>,
        %get3A_378 = arith.index_cast %add3A_357 : i32 to index
        %get3A_379 = arith.constant 32 : index
        %get3A_380 = tpu.vector_load %arg6[%get3A_378, %get3A_379] {strides = array<i32>} : memref<320x64xf32, #tpu.memory_space<vmem>>, vector<1x16xf32>,
        %get3A_381 = vector.shape_cast %get3A_380 : vector<1x16xf32> to vector<16xf32>
        %mul3A_382 = arith.mulf %get3A_381, %gather3A_353 : vector<16xf32>
        %swap3A_383 = arith.index_cast %add3A_357 : i32 to index
        %swap3A_384 = arith.constant 32 : index
        %swap3A_385 = tpu.vector_load %arg8[%swap3A_383, %swap3A_384] {strides = array<i32>} : memref<320x64xf32, #tpu.memory_space<vmem>>, vector<1x16xf32>,
        %swap3A_386 = vector.shape_cast %swap3A_385 : vector<1x16xf32> to vector<16xf32>
        %swap3A_387 = vector.shape_cast %mul3A_382 : vector<16xf32> to vector<1x16xf32>
        tpu.vector_store %arg8[%swap3A_383, %swap3A_384], %swap3A_387 {strides = array<i32>} : memref<320x64xf32, #tpu.memory_space<vmem>>, vector<1x16xf32>,
        %get3A_388 = arith.index_cast %add3A_357 : i32 to index
        %get3A_389 = arith.constant 48 : index
        %get3A_390 = tpu.vector_load %arg6[%get3A_388, %get3A_389] {strides = array<i32>} : memref<320x64xf32, #tpu.memory_space<vmem>>, vector<1x16xf32>,
        %get3A_391 = vector.shape_cast %get3A_390 : vector<1x16xf32> to vector<16xf32>
        %mul3A_392 = arith.mulf %get3A_391, %gather3A_353 : vector<16xf32>
        %swap3A_393 = arith.index_cast %add3A_357 : i32 to index
        %swap3A_394 = arith.constant 48 : index
        %swap3A_395 = tpu.vector_load %arg8[%swap3A_393, %swap3A_394] {strides = array<i32>} : memref<320x64xf32, #tpu.memory_space<vmem>>, vector<1x16xf32>,
        %swap3A_396 = vector.shape_cast %swap3A_395 : vector<1x16xf32> to vector<16xf32>
        %swap3A_397 = vector.shape_cast %mul3A_392 : vector<16xf32> to vector<1x16xf32>
        tpu.vector_store %arg8[%swap3A_393, %swap3A_394], %swap3A_397 {strides = array<i32>} : memref<320x64xf32, #tpu.memory_space<vmem>>, vector<1x16xf32>,
        %broadcast_in_dim3A_398 = arith.constant 6 : i32
        %broadcast_in_dim3A_399 = vector.broadcast %broadcast_in_dim3A_398 : i32 to vector<16x1xi32>
        %gather3A_400 = vector.shape_cast %broadcast_in_dim3A_399 : vector<16x1xi32> to vector<16xi32>
        %gather3A_401 = tpu.dynamic_gather %mul3A_112[%gather3A_400] in [0] : vector<16xf32>, vector<16xi32> -> vector<16xf32>
        %mul3A_402 = arith.constant 16 : i32
        %mul3A_403 = arith.muli %scan3A_99, %mul3A_402 : i32
        %add3A_404 = arith.constant 6 : i32
        %add3A_405 = arith.addi %mul3A_403, %add3A_404 : i32
        %get3A_406 = arith.index_cast %add3A_405 : i32 to index
        %get3A_407 = arith.constant 0 : index
        %get3A_408 = tpu.vector_load %arg6[%get3A_406, %get3A_407] {strides = array<i32>} : memref<320x64xf32, #tpu.memory_space<vmem>>, vector<1x16xf32>,
        %get3A_409 = vector.shape_cast %get3A_408 : vector<1x16xf32> to vector<16xf32>
        %mul3A_410 = arith.mulf %get3A_409, %gather3A_401 : vector<16xf32>
        %swap3A_411 = arith.index_cast %add3A_405 : i32 to index
        %swap3A_412 = arith.constant 0 : index
        %swap3A_413 = tpu.vector_load %arg8[%swap3A_411, %swap3A_412] {strides = array<i32>} : memref<320x64xf32, #tpu.memory_space<vmem>>, vector<1x16xf32>,
        %swap3A_414 = vector.shape_cast %swap3A_413 : vector<1x16xf32> to vector<16xf32>
        %swap3A_415 = vector.shape_cast %mul3A_410 : vector<16xf32> to vector<1x16xf32>
        tpu.vector_store %arg8[%swap3A_411, %swap3A_412], %swap3A_415 {strides = array<i32>} : memref<320x64xf32, #tpu.memory_space<vmem>>, vector<1x16xf32>,
        %get3A_416 = arith.index_cast %add3A_405 : i32 to index
        %get3A_417 = arith.constant 16 : index
        %get3A_418 = tpu.vector_load %arg6[%get3A_416, %get3A_417] {strides = array<i32>} : memref<320x64xf32, #tpu.memory_space<vmem>>, vector<1x16xf32>,
        %get3A_419 = vector.shape_cast %get3A_418 : vector<1x16xf32> to vector<16xf32>
        %mul3A_420 = arith.mulf %get3A_419, %gather3A_401 : vector<16xf32>
        %swap3A_421 = arith.index_cast %add3A_405 : i32 to index
        %swap3A_422 = arith.constant 16 : index
        %swap3A_423 = tpu.vector_load %arg8[%swap3A_421, %swap3A_422] {strides = array<i32>} : memref<320x64xf32, #tpu.memory_space<vmem>>, vector<1x16xf32>,
        %swap3A_424 = vector.shape_cast %swap3A_423 : vector<1x16xf32> to vector<16xf32>
        %swap3A_425 = vector.shape_cast %mul3A_420 : vector<16xf32> to vector<1x16xf32>
        tpu.vector_store %arg8[%swap3A_421, %swap3A_422], %swap3A_425 {strides = array<i32>} : memref<320x64xf32, #tpu.memory_space<vmem>>, vector<1x16xf32>,
        %get3A_426 = arith.index_cast %add3A_405 : i32 to index
        %get3A_427 = arith.constant 32 : index
        %get3A_428 = tpu.vector_load %arg6[%get3A_426, %get3A_427] {strides = array<i32>} : memref<320x64xf32, #tpu.memory_space<vmem>>, vector<1x16xf32>,
        %get3A_429 = vector.shape_cast %get3A_428 : vector<1x16xf32> to vector<16xf32>
        %mul3A_430 = arith.mulf %get3A_429, %gather3A_401 : vector<16xf32>
        %swap3A_431 = arith.index_cast %add3A_405 : i32 to index
        %swap3A_432 = arith.constant 32 : index
        %swap3A_433 = tpu.vector_load %arg8[%swap3A_431, %swap3A_432] {strides = array<i32>} : memref<320x64xf32, #tpu.memory_space<vmem>>, vector<1x16xf32>,
        %swap3A_434 = vector.shape_cast %swap3A_433 : vector<1x16xf32> to vector<16xf32>
        %swap3A_435 = vector.shape_cast %mul3A_430 : vector<16xf32> to vector<1x16xf32>
        tpu.vector_store %arg8[%swap3A_431, %swap3A_432], %swap3A_435 {strides = array<i32>} : memref<320x64xf32, #tpu.memory_space<vmem>>, vector<1x16xf32>,
        %get3A_436 = arith.index_cast %add3A_405 : i32 to index
        %get3A_437 = arith.constant 48 : index
        %get3A_438 = tpu.vector_load %arg6[%get3A_436, %get3A_437] {strides = array<i32>} : memref<320x64xf32, #tpu.memory_space<vmem>>, vector<1x16xf32>,
        %get3A_439 = vector.shape_cast %get3A_438 : vector<1x16xf32> to vector<16xf32>
        %mul3A_440 = arith.mulf %get3A_439, %gather3A_401 : vector<16xf32>
        %swap3A_441 = arith.index_cast %add3A_405 : i32 to index
        %swap3A_442 = arith.constant 48 : index
        %swap3A_443 = tpu.vector_load %arg8[%swap3A_441, %swap3A_442] {strides = array<i32>} : memref<320x64xf32, #tpu.memory_space<vmem>>, vector<1x16xf32>,
        %swap3A_444 = vector.shape_cast %swap3A_443 : vector<1x16xf32> to vector<16xf32>
        %swap3A_445 = vector.shape_cast %mul3A_440 : vector<16xf32> to vector<1x16xf32>
        tpu.vector_store %arg8[%swap3A_441, %swap3A_442], %swap3A_445 {strides = array<i32>} : memref<320x64xf32, #tpu.memory_space<vmem>>, vector<1x16xf32>,
        %broadcast_in_dim3A_446 = arith.constant 7 : i32
        %broadcast_in_dim3A_447 = vector.broadcast %broadcast_in_dim3A_446 : i32 to vector<16x1xi32>
        %gather3A_448 = vector.shape_cast %broadcast_in_dim3A_447 : vector<16x1xi32> to vector<16xi32>
        %gather3A_449 = tpu.dynamic_gather %mul3A_112[%gather3A_448] in [0] : vector<16xf32>, vector<16xi32> -> vector<16xf32>
        %mul3A_450 = arith.constant 16 : i32
        %mul3A_451 = arith.muli %scan3A_99, %mul3A_450 : i32
        %add3A_452 = arith.constant 7 : i32
        %add3A_453 = arith.addi %mul3A_451, %add3A_452 : i32
        %get3A_454 = arith.index_cast %add3A_453 : i32 to index
        %get3A_455 = arith.constant 0 : index
        %get3A_456 = tpu.vector_load %arg6[%get3A_454, %get3A_455] {strides = array<i32>} : memref<320x64xf32, #tpu.memory_space<vmem>>, vector<1x16xf32>,
        %get3A_457 = vector.shape_cast %get3A_456 : vector<1x16xf32> to vector<16xf32>
        %mul3A_458 = arith.mulf %get3A_457, %gather3A_449 : vector<16xf32>
        %swap3A_459 = arith.index_cast %add3A_453 : i32 to index
        %swap3A_460 = arith.constant 0 : index
        %swap3A_461 = tpu.vector_load %arg8[%swap3A_459, %swap3A_460] {strides = array<i32>} : memref<320x64xf32, #tpu.memory_space<vmem>>, vector<1x16xf32>,
        %swap3A_462 = vector.shape_cast %swap3A_461 : vector<1x16xf32> to vector<16xf32>
        %swap3A_463 = vector.shape_cast %mul3A_458 : vector<16xf32> to vector<1x16xf32>
        tpu.vector_store %arg8[%swap3A_459, %swap3A_460], %swap3A_463 {strides = array<i32>} : memref<320x64xf32, #tpu.memory_space<vmem>>, vector<1x16xf32>,
        %get3A_464 = arith.index_cast %add3A_453 : i32 to index
        %get3A_465 = arith.constant 16 : index
        %get3A_466 = tpu.vector_load %arg6[%get3A_464, %get3A_465] {strides = array<i32>} : memref<320x64xf32, #tpu.memory_space<vmem>>, vector<1x16xf32>,
        %get3A_467 = vector.shape_cast %get3A_466 : vector<1x16xf32> to vector<16xf32>
        %mul3A_468 = arith.mulf %get3A_467, %gather3A_449 : vector<16xf32>
        %swap3A_469 = arith.index_cast %add3A_453 : i32 to index
        %swap3A_470 = arith.constant 16 : index
        %swap3A_471 = tpu.vector_load %arg8[%swap3A_469, %swap3A_470] {strides = array<i32>} : memref<320x64xf32, #tpu.memory_space<vmem>>, vector<1x16xf32>,
        %swap3A_472 = vector.shape_cast %swap3A_471 : vector<1x16xf32> to vector<16xf32>
        %swap3A_473 = vector.shape_cast %mul3A_468 : vector<16xf32> to vector<1x16xf32>
        tpu.vector_store %arg8[%swap3A_469, %swap3A_470], %swap3A_473 {strides = array<i32>} : memref<320x64xf32, #tpu.memory_space<vmem>>, vector<1x16xf32>,
        %get3A_474 = arith.index_cast %add3A_453 : i32 to index
        %get3A_475 = arith.constant 32 : index
        %get3A_476 = tpu.vector_load %arg6[%get3A_474, %get3A_475] {strides = array<i32>} : memref<320x64xf32, #tpu.memory_space<vmem>>, vector<1x16xf32>,
        %get3A_477 = vector.shape_cast %get3A_476 : vector<1x16xf32> to vector<16xf32>
        %mul3A_478 = arith.mulf %get3A_477, %gather3A_449 : vector<16xf32>
        %swap3A_479 = arith.index_cast %add3A_453 : i32 to index
        %swap3A_480 = arith.constant 32 : index
        %swap3A_481 = tpu.vector_load %arg8[%swap3A_479, %swap3A_480] {strides = array<i32>} : memref<320x64xf32, #tpu.memory_space<vmem>>, vector<1x16xf32>,
        %swap3A_482 = vector.shape_cast %swap3A_481 : vector<1x16xf32> to vector<16xf32>
        %swap3A_483 = vector.shape_cast %mul3A_478 : vector<16xf32> to vector<1x16xf32>
        tpu.vector_store %arg8[%swap3A_479, %swap3A_480], %swap3A_483 {strides = array<i32>} : memref<320x64xf32, #tpu.memory_space<vmem>>, vector<1x16xf32>,
        %get3A_484 = arith.index_cast %add3A_453 : i32 to index
        %get3A_485 = arith.constant 48 : index
        %get3A_486 = tpu.vector_load %arg6[%get3A_484, %get3A_485] {strides = array<i32>} : memref<320x64xf32, #tpu.memory_space<vmem>>, vector<1x16xf32>,
        %get3A_487 = vector.shape_cast %get3A_486 : vector<1x16xf32> to vector<16xf32>
        %mul3A_488 = arith.mulf %get3A_487, %gather3A_449 : vector<16xf32>
        %swap3A_489 = arith.index_cast %add3A_453 : i32 to index
        %swap3A_490 = arith.constant 48 : index
        %swap3A_491 = tpu.vector_load %arg8[%swap3A_489, %swap3A_490] {strides = array<i32>} : memref<320x64xf32, #tpu.memory_space<vmem>>, vector<1x16xf32>,
        %swap3A_492 = vector.shape_cast %swap3A_491 : vector<1x16xf32> to vector<16xf32>
        %swap3A_493 = vector.shape_cast %mul3A_488 : vector<16xf32> to vector<1x16xf32>
        tpu.vector_store %arg8[%swap3A_489, %swap3A_490], %swap3A_493 {strides = array<i32>} : memref<320x64xf32, #tpu.memory_space<vmem>>, vector<1x16xf32>,
        %broadcast_in_dim3A_494 = arith.constant 8 : i32
        %broadcast_in_dim3A_495 = vector.broadcast %broadcast_in_dim3A_494 : i32 to vector<16x1xi32>
        %gather3A_496 = vector.shape_cast %broadcast_in_dim3A_495 : vector<16x1xi32> to vector<16xi32>
        %gather3A_497 = tpu.dynamic_gather %mul3A_112[%gather3A_496] in [0] : vector<16xf32>, vector<16xi32> -> vector<16xf32>
        %mul3A_498 = arith.constant 16 : i32
        %mul3A_499 = arith.muli %scan3A_99, %mul3A_498 : i32
        %add3A_500 = arith.constant 8 : i32
        %add3A_501 = arith.addi %mul3A_499, %add3A_500 : i32
        %get3A_502 = arith.index_cast %add3A_501 : i32 to index
        %get3A_503 = arith.constant 0 : index
        %get3A_504 = tpu.vector_load %arg6[%get3A_502, %get3A_503] {strides = array<i32>} : memref<320x64xf32, #tpu.memory_space<vmem>>, vector<1x16xf32>,
        %get3A_505 = vector.shape_cast %get3A_504 : vector<1x16xf32> to vector<16xf32>
        %mul3A_506 = arith.mulf %get3A_505, %gather3A_497 : vector<16xf32>
        %swap3A_507 = arith.index_cast %add3A_501 : i32 to index
        %swap3A_508 = arith.constant 0 : index
        %swap3A_509 = tpu.vector_load %arg8[%swap3A_507, %swap3A_508] {strides = array<i32>} : memref<320x64xf32, #tpu.memory_space<vmem>>, vector<1x16xf32>,
        %swap3A_510 = vector.shape_cast %swap3A_509 : vector<1x16xf32> to vector<16xf32>
        %swap3A_511 = vector.shape_cast %mul3A_506 : vector<16xf32> to vector<1x16xf32>
        tpu.vector_store %arg8[%swap3A_507, %swap3A_508], %swap3A_511 {strides = array<i32>} : memref<320x64xf32, #tpu.memory_space<vmem>>, vector<1x16xf32>,
        %get3A_512 = arith.index_cast %add3A_501 : i32 to index
        %get3A_513 = arith.constant 16 : index
        %get3A_514 = tpu.vector_load %arg6[%get3A_512, %get3A_513] {strides = array<i32>} : memref<320x64xf32, #tpu.memory_space<vmem>>, vector<1x16xf32>,
        %get3A_515 = vector.shape_cast %get3A_514 : vector<1x16xf32> to vector<16xf32>
        %mul3A_516 = arith.mulf %get3A_515, %gather3A_497 : vector<16xf32>
        %swap3A_517 = arith.index_cast %add3A_501 : i32 to index
        %swap3A_518 = arith.constant 16 : index
        %swap3A_519 = tpu.vector_load %arg8[%swap3A_517, %swap3A_518] {strides = array<i32>} : memref<320x64xf32, #tpu.memory_space<vmem>>, vector<1x16xf32>,
        %swap3A_520 = vector.shape_cast %swap3A_519 : vector<1x16xf32> to vector<16xf32>
        %swap3A_521 = vector.shape_cast %mul3A_516 : vector<16xf32> to vector<1x16xf32>
        tpu.vector_store %arg8[%swap3A_517, %swap3A_518], %swap3A_521 {strides = array<i32>} : memref<320x64xf32, #tpu.memory_space<vmem>>, vector<1x16xf32>,
        %get3A_522 = arith.index_cast %add3A_501 : i32 to index
        %get3A_523 = arith.constant 32 : index
        %get3A_524 = tpu.vector_load %arg6[%get3A_522, %get3A_523] {strides = array<i32>} : memref<320x64xf32, #tpu.memory_space<vmem>>, vector<1x16xf32>,
        %get3A_525 = vector.shape_cast %get3A_524 : vector<1x16xf32> to vector<16xf32>
        %mul3A_526 = arith.mulf %get3A_525, %gather3A_497 : vector<16xf32>
        %swap3A_527 = arith.index_cast %add3A_501 : i32 to index
        %swap3A_528 = arith.constant 32 : index
        %swap3A_529 = tpu.vector_load %arg8[%swap3A_527, %swap3A_528] {strides = array<i32>} : memref<320x64xf32, #tpu.memory_space<vmem>>, vector<1x16xf32>,
        %swap3A_530 = vector.shape_cast %swap3A_529 : vector<1x16xf32> to vector<16xf32>
        %swap3A_531 = vector.shape_cast %mul3A_526 : vector<16xf32> to vector<1x16xf32>
        tpu.vector_store %arg8[%swap3A_527, %swap3A_528], %swap3A_531 {strides = array<i32>} : memref<320x64xf32, #tpu.memory_space<vmem>>, vector<1x16xf32>,
        %get3A_532 = arith.index_cast %add3A_501 : i32 to index
        %get3A_533 = arith.constant 48 : index
        %get3A_534 = tpu.vector_load %arg6[%get3A_532, %get3A_533] {strides = array<i32>} : memref<320x64xf32, #tpu.memory_space<vmem>>, vector<1x16xf32>,
        %get3A_535 = vector.shape_cast %get3A_534 : vector<1x16xf32> to vector<16xf32>
        %mul3A_536 = arith.mulf %get3A_535, %gather3A_497 : vector<16xf32>
        %swap3A_537 = arith.index_cast %add3A_501 : i32 to index
        %swap3A_538 = arith.constant 48 : index
        %swap3A_539 = tpu.vector_load %arg8[%swap3A_537, %swap3A_538] {strides = array<i32>} : memref<320x64xf32, #tpu.memory_space<vmem>>, vector<1x16xf32>,
        %swap3A_540 = vector.shape_cast %swap3A_539 : vector<1x16xf32> to vector<16xf32>
        %swap3A_541 = vector.shape_cast %mul3A_536 : vector<16xf32> to vector<1x16xf32>
        tpu.vector_store %arg8[%swap3A_537, %swap3A_538], %swap3A_541 {strides = array<i32>} : memref<320x64xf32, #tpu.memory_space<vmem>>, vector<1x16xf32>,
        %broadcast_in_dim3A_542 = arith.constant 9 : i32
        %broadcast_in_dim3A_543 = vector.broadcast %broadcast_in_dim3A_542 : i32 to vector<16x1xi32>
        %gather3A_544 = vector.shape_cast %broadcast_in_dim3A_543 : vector<16x1xi32> to vector<16xi32>
        %gather3A_545 = tpu.dynamic_gather %mul3A_112[%gather3A_544] in [0] : vector<16xf32>, vector<16xi32> -> vector<16xf32>
        %mul3A_546 = arith.constant 16 : i32
        %mul3A_547 = arith.muli %scan3A_99, %mul3A_546 : i32
        %add3A_548 = arith.constant 9 : i32
        %add3A_549 = arith.addi %mul3A_547, %add3A_548 : i32
        %get3A_550 = arith.index_cast %add3A_549 : i32 to index
        %get3A_551 = arith.constant 0 : index
        %get3A_552 = tpu.vector_load %arg6[%get3A_550, %get3A_551] {strides = array<i32>} : memref<320x64xf32, #tpu.memory_space<vmem>>, vector<1x16xf32>,
        %get3A_553 = vector.shape_cast %get3A_552 : vector<1x16xf32> to vector<16xf32>
        %mul3A_554 = arith.mulf %get3A_553, %gather3A_545 : vector<16xf32>
        %swap3A_555 = arith.index_cast %add3A_549 : i32 to index
        %swap3A_556 = arith.constant 0 : index
        %swap3A_557 = tpu.vector_load %arg8[%swap3A_555, %swap3A_556] {strides = array<i32>} : memref<320x64xf32, #tpu.memory_space<vmem>>, vector<1x16xf32>,
        %swap3A_558 = vector.shape_cast %swap3A_557 : vector<1x16xf32> to vector<16xf32>
        %swap3A_559 = vector.shape_cast %mul3A_554 : vector<16xf32> to vector<1x16xf32>
        tpu.vector_store %arg8[%swap3A_555, %swap3A_556], %swap3A_559 {strides = array<i32>} : memref<320x64xf32, #tpu.memory_space<vmem>>, vector<1x16xf32>,
        %get3A_560 = arith.index_cast %add3A_549 : i32 to index
        %get3A_561 = arith.constant 16 : index
        %get3A_562 = tpu.vector_load %arg6[%get3A_560, %get3A_561] {strides = array<i32>} : memref<320x64xf32, #tpu.memory_space<vmem>>, vector<1x16xf32>,
        %get3A_563 = vector.shape_cast %get3A_562 : vector<1x16xf32> to vector<16xf32>
        %mul3A_564 = arith.mulf %get3A_563, %gather3A_545 : vector<16xf32>
        %swap3A_565 = arith.index_cast %add3A_549 : i32 to index
        %swap3A_566 = arith.constant 16 : index
        %swap3A_567 = tpu.vector_load %arg8[%swap3A_565, %swap3A_566] {strides = array<i32>} : memref<320x64xf32, #tpu.memory_space<vmem>>, vector<1x16xf32>,
        %swap3A_568 = vector.shape_cast %swap3A_567 : vector<1x16xf32> to vector<16xf32>
        %swap3A_569 = vector.shape_cast %mul3A_564 : vector<16xf32> to vector<1x16xf32>
        tpu.vector_store %arg8[%swap3A_565, %swap3A_566], %swap3A_569 {strides = array<i32>} : memref<320x64xf32, #tpu.memory_space<vmem>>, vector<1x16xf32>,
        %get3A_570 = arith.index_cast %add3A_549 : i32 to index
        %get3A_571 = arith.constant 32 : index
        %get3A_572 = tpu.vector_load %arg6[%get3A_570, %get3A_571] {strides = array<i32>} : memref<320x64xf32, #tpu.memory_space<vmem>>, vector<1x16xf32>,
        %get3A_573 = vector.shape_cast %get3A_572 : vector<1x16xf32> to vector<16xf32>
        %mul3A_574 = arith.mulf %get3A_573, %gather3A_545 : vector<16xf32>
        %swap3A_575 = arith.index_cast %add3A_549 : i32 to index
        %swap3A_576 = arith.constant 32 : index
        %swap3A_577 = tpu.vector_load %arg8[%swap3A_575, %swap3A_576] {strides = array<i32>} : memref<320x64xf32, #tpu.memory_space<vmem>>, vector<1x16xf32>,
        %swap3A_578 = vector.shape_cast %swap3A_577 : vector<1x16xf32> to vector<16xf32>
        %swap3A_579 = vector.shape_cast %mul3A_574 : vector<16xf32> to vector<1x16xf32>
        tpu.vector_store %arg8[%swap3A_575, %swap3A_576], %swap3A_579 {strides = array<i32>} : memref<320x64xf32, #tpu.memory_space<vmem>>, vector<1x16xf32>,
        %get3A_580 = arith.index_cast %add3A_549 : i32 to index
        %get3A_581 = arith.constant 48 : index
        %get3A_582 = tpu.vector_load %arg6[%get3A_580, %get3A_581] {strides = array<i32>} : memref<320x64xf32, #tpu.memory_space<vmem>>, vector<1x16xf32>,
        %get3A_583 = vector.shape_cast %get3A_582 : vector<1x16xf32> to vector<16xf32>
        %mul3A_584 = arith.mulf %get3A_583, %gather3A_545 : vector<16xf32>
        %swap3A_585 = arith.index_cast %add3A_549 : i32 to index
        %swap3A_586 = arith.constant 48 : index
        %swap3A_587 = tpu.vector_load %arg8[%swap3A_585, %swap3A_586] {strides = array<i32>} : memref<320x64xf32, #tpu.memory_space<vmem>>, vector<1x16xf32>,
        %swap3A_588 = vector.shape_cast %swap3A_587 : vector<1x16xf32> to vector<16xf32>
        %swap3A_589 = vector.shape_cast %mul3A_584 : vector<16xf32> to vector<1x16xf32>
        tpu.vector_store %arg8[%swap3A_585, %swap3A_586], %swap3A_589 {strides = array<i32>} : memref<320x64xf32, #tpu.memory_space<vmem>>, vector<1x16xf32>,
        %broadcast_in_dim3A_590 = arith.constant 10 : i32
        %broadcast_in_dim3A_591 = vector.broadcast %broadcast_in_dim3A_590 : i32 to vector<16x1xi32>
        %gather3A_592 = vector.shape_cast %broadcast_in_dim3A_591 : vector<16x1xi32> to vector<16xi32>
        %gather3A_593 = tpu.dynamic_gather %mul3A_112[%gather3A_592] in [0] : vector<16xf32>, vector<16xi32> -> vector<16xf32>
        %mul3A_594 = arith.constant 16 : i32
        %mul3A_595 = arith.muli %scan3A_99, %mul3A_594 : i32
        %add3A_596 = arith.constant 10 : i32
        %add3A_597 = arith.addi %mul3A_595, %add3A_596 : i32
        %get3A_598 = arith.index_cast %add3A_597 : i32 to index
        %get3A_599 = arith.constant 0 : index
        %get3A_600 = tpu.vector_load %arg6[%get3A_598, %get3A_599] {strides = array<i32>} : memref<320x64xf32, #tpu.memory_space<vmem>>, vector<1x16xf32>,
        %get3A_601 = vector.shape_cast %get3A_600 : vector<1x16xf32> to vector<16xf32>
        %mul3A_602 = arith.mulf %get3A_601, %gather3A_593 : vector<16xf32>
        %swap3A_603 = arith.index_cast %add3A_597 : i32 to index
        %swap3A_604 = arith.constant 0 : index
        %swap3A_605 = tpu.vector_load %arg8[%swap3A_603, %swap3A_604] {strides = array<i32>} : memref<320x64xf32, #tpu.memory_space<vmem>>, vector<1x16xf32>,
        %swap3A_606 = vector.shape_cast %swap3A_605 : vector<1x16xf32> to vector<16xf32>
        %swap3A_607 = vector.shape_cast %mul3A_602 : vector<16xf32> to vector<1x16xf32>
        tpu.vector_store %arg8[%swap3A_603, %swap3A_604], %swap3A_607 {strides = array<i32>} : memref<320x64xf32, #tpu.memory_space<vmem>>, vector<1x16xf32>,
        %get3A_608 = arith.index_cast %add3A_597 : i32 to index
        %get3A_609 = arith.constant 16 : index
        %get3A_610 = tpu.vector_load %arg6[%get3A_608, %get3A_609] {strides = array<i32>} : memref<320x64xf32, #tpu.memory_space<vmem>>, vector<1x16xf32>,
        %get3A_611 = vector.shape_cast %get3A_610 : vector<1x16xf32> to vector<16xf32>
        %mul3A_612 = arith.mulf %get3A_611, %gather3A_593 : vector<16xf32>
        %swap3A_613 = arith.index_cast %add3A_597 : i32 to index
        %swap3A_614 = arith.constant 16 : index
        %swap3A_615 = tpu.vector_load %arg8[%swap3A_613, %swap3A_614] {strides = array<i32>} : memref<320x64xf32, #tpu.memory_space<vmem>>, vector<1x16xf32>,
        %swap3A_616 = vector.shape_cast %swap3A_615 : vector<1x16xf32> to vector<16xf32>
        %swap3A_617 = vector.shape_cast %mul3A_612 : vector<16xf32> to vector<1x16xf32>
        tpu.vector_store %arg8[%swap3A_613, %swap3A_614], %swap3A_617 {strides = array<i32>} : memref<320x64xf32, #tpu.memory_space<vmem>>, vector<1x16xf32>,
        %get3A_618 = arith.index_cast %add3A_597 : i32 to index
        %get3A_619 = arith.constant 32 : index
        %get3A_620 = tpu.vector_load %arg6[%get3A_618, %get3A_619] {strides = array<i32>} : memref<320x64xf32, #tpu.memory_space<vmem>>, vector<1x16xf32>,
        %get3A_621 = vector.shape_cast %get3A_620 : vector<1x16xf32> to vector<16xf32>
        %mul3A_622 = arith.mulf %get3A_621, %gather3A_593 : vector<16xf32>
        %swap3A_623 = arith.index_cast %add3A_597 : i32 to index
        %swap3A_624 = arith.constant 32 : index
        %swap3A_625 = tpu.vector_load %arg8[%swap3A_623, %swap3A_624] {strides = array<i32>} : memref<320x64xf32, #tpu.memory_space<vmem>>, vector<1x16xf32>,
        %swap3A_626 = vector.shape_cast %swap3A_625 : vector<1x16xf32> to vector<16xf32>
        %swap3A_627 = vector.shape_cast %mul3A_622 : vector<16xf32> to vector<1x16xf32>
        tpu.vector_store %arg8[%swap3A_623, %swap3A_624], %swap3A_627 {strides = array<i32>} : memref<320x64xf32, #tpu.memory_space<vmem>>, vector<1x16xf32>,
        %get3A_628 = arith.index_cast %add3A_597 : i32 to index
        %get3A_629 = arith.constant 48 : index
        %get3A_630 = tpu.vector_load %arg6[%get3A_628, %get3A_629] {strides = array<i32>} : memref<320x64xf32, #tpu.memory_space<vmem>>, vector<1x16xf32>,
        %get3A_631 = vector.shape_cast %get3A_630 : vector<1x16xf32> to vector<16xf32>
        %mul3A_632 = arith.mulf %get3A_631, %gather3A_593 : vector<16xf32>
        %swap3A_633 = arith.index_cast %add3A_597 : i32 to index
        %swap3A_634 = arith.constant 48 : index
        %swap3A_635 = tpu.vector_load %arg8[%swap3A_633, %swap3A_634] {strides = array<i32>} : memref<320x64xf32, #tpu.memory_space<vmem>>, vector<1x16xf32>,
        %swap3A_636 = vector.shape_cast %swap3A_635 : vector<1x16xf32> to vector<16xf32>
        %swap3A_637 = vector.shape_cast %mul3A_632 : vector<16xf32> to vector<1x16xf32>
        tpu.vector_store %arg8[%swap3A_633, %swap3A_634], %swap3A_637 {strides = array<i32>} : memref<320x64xf32, #tpu.memory_space<vmem>>, vector<1x16xf32>,
        %broadcast_in_dim3A_638 = arith.constant 11 : i32
        %broadcast_in_dim3A_639 = vector.broadcast %broadcast_in_dim3A_638 : i32 to vector<16x1xi32>
        %gather3A_640 = vector.shape_cast %broadcast_in_dim3A_639 : vector<16x1xi32> to vector<16xi32>
        %gather3A_641 = tpu.dynamic_gather %mul3A_112[%gather3A_640] in [0] : vector<16xf32>, vector<16xi32> -> vector<16xf32>
        %mul3A_642 = arith.constant 16 : i32
        %mul3A_643 = arith.muli %scan3A_99, %mul3A_642 : i32
        %add3A_644 = arith.constant 11 : i32
        %add3A_645 = arith.addi %mul3A_643, %add3A_644 : i32
        %get3A_646 = arith.index_cast %add3A_645 : i32 to index
        %get3A_647 = arith.constant 0 : index
        %get3A_648 = tpu.vector_load %arg6[%get3A_646, %get3A_647] {strides = array<i32>} : memref<320x64xf32, #tpu.memory_space<vmem>>, vector<1x16xf32>,
        %get3A_649 = vector.shape_cast %get3A_648 : vector<1x16xf32> to vector<16xf32>
        %mul3A_650 = arith.mulf %get3A_649, %gather3A_641 : vector<16xf32>
        %swap3A_651 = arith.index_cast %add3A_645 : i32 to index
        %swap3A_652 = arith.constant 0 : index
        %swap3A_653 = tpu.vector_load %arg8[%swap3A_651, %swap3A_652] {strides = array<i32>} : memref<320x64xf32, #tpu.memory_space<vmem>>, vector<1x16xf32>,
        %swap3A_654 = vector.shape_cast %swap3A_653 : vector<1x16xf32> to vector<16xf32>
        %swap3A_655 = vector.shape_cast %mul3A_650 : vector<16xf32> to vector<1x16xf32>
        tpu.vector_store %arg8[%swap3A_651, %swap3A_652], %swap3A_655 {strides = array<i32>} : memref<320x64xf32, #tpu.memory_space<vmem>>, vector<1x16xf32>,
        %get3A_656 = arith.index_cast %add3A_645 : i32 to index
        %get3A_657 = arith.constant 16 : index
        %get3A_658 = tpu.vector_load %arg6[%get3A_656, %get3A_657] {strides = array<i32>} : memref<320x64xf32, #tpu.memory_space<vmem>>, vector<1x16xf32>,
        %get3A_659 = vector.shape_cast %get3A_658 : vector<1x16xf32> to vector<16xf32>
        %mul3A_660 = arith.mulf %get3A_659, %gather3A_641 : vector<16xf32>
        %swap3A_661 = arith.index_cast %add3A_645 : i32 to index
        %swap3A_662 = arith.constant 16 : index
        %swap3A_663 = tpu.vector_load %arg8[%swap3A_661, %swap3A_662] {strides = array<i32>} : memref<320x64xf32, #tpu.memory_space<vmem>>, vector<1x16xf32>,
        %swap3A_664 = vector.shape_cast %swap3A_663 : vector<1x16xf32> to vector<16xf32>
        %swap3A_665 = vector.shape_cast %mul3A_660 : vector<16xf32> to vector<1x16xf32>
        tpu.vector_store %arg8[%swap3A_661, %swap3A_662], %swap3A_665 {strides = array<i32>} : memref<320x64xf32, #tpu.memory_space<vmem>>, vector<1x16xf32>,
        %get3A_666 = arith.index_cast %add3A_645 : i32 to index
        %get3A_667 = arith.constant 32 : index
        %get3A_668 = tpu.vector_load %arg6[%get3A_666, %get3A_667] {strides = array<i32>} : memref<320x64xf32, #tpu.memory_space<vmem>>, vector<1x16xf32>,
        %get3A_669 = vector.shape_cast %get3A_668 : vector<1x16xf32> to vector<16xf32>
        %mul3A_670 = arith.mulf %get3A_669, %gather3A_641 : vector<16xf32>
        %swap3A_671 = arith.index_cast %add3A_645 : i32 to index
        %swap3A_672 = arith.constant 32 : index
        %swap3A_673 = tpu.vector_load %arg8[%swap3A_671, %swap3A_672] {strides = array<i32>} : memref<320x64xf32, #tpu.memory_space<vmem>>, vector<1x16xf32>,
        %swap3A_674 = vector.shape_cast %swap3A_673 : vector<1x16xf32> to vector<16xf32>
        %swap3A_675 = vector.shape_cast %mul3A_670 : vector<16xf32> to vector<1x16xf32>
        tpu.vector_store %arg8[%swap3A_671, %swap3A_672], %swap3A_675 {strides = array<i32>} : memref<320x64xf32, #tpu.memory_space<vmem>>, vector<1x16xf32>,
        %get3A_676 = arith.index_cast %add3A_645 : i32 to index
        %get3A_677 = arith.constant 48 : index
        %get3A_678 = tpu.vector_load %arg6[%get3A_676, %get3A_677] {strides = array<i32>} : memref<320x64xf32, #tpu.memory_space<vmem>>, vector<1x16xf32>,
        %get3A_679 = vector.shape_cast %get3A_678 : vector<1x16xf32> to vector<16xf32>
        %mul3A_680 = arith.mulf %get3A_679, %gather3A_641 : vector<16xf32>
        %swap3A_681 = arith.index_cast %add3A_645 : i32 to index
        %swap3A_682 = arith.constant 48 : index
        %swap3A_683 = tpu.vector_load %arg8[%swap3A_681, %swap3A_682] {strides = array<i32>} : memref<320x64xf32, #tpu.memory_space<vmem>>, vector<1x16xf32>,
        %swap3A_684 = vector.shape_cast %swap3A_683 : vector<1x16xf32> to vector<16xf32>
        %swap3A_685 = vector.shape_cast %mul3A_680 : vector<16xf32> to vector<1x16xf32>
        tpu.vector_store %arg8[%swap3A_681, %swap3A_682], %swap3A_685 {strides = array<i32>} : memref<320x64xf32, #tpu.memory_space<vmem>>, vector<1x16xf32>,
        %broadcast_in_dim3A_686 = arith.constant 12 : i32
        %broadcast_in_dim3A_687 = vector.broadcast %broadcast_in_dim3A_686 : i32 to vector<16x1xi32>
        %gather3A_688 = vector.shape_cast %broadcast_in_dim3A_687 : vector<16x1xi32> to vector<16xi32>
        %gather3A_689 = tpu.dynamic_gather %mul3A_112[%gather3A_688] in [0] : vector<16xf32>, vector<16xi32> -> vector<16xf32>
        %mul3A_690 = arith.constant 16 : i32
        %mul3A_691 = arith.muli %scan3A_99, %mul3A_690 : i32
        %add3A_692 = arith.constant 12 : i32
        %add3A_693 = arith.addi %mul3A_691, %add3A_692 : i32
        %get3A_694 = arith.index_cast %add3A_693 : i32 to index
        %get3A_695 = arith.constant 0 : index
        %get3A_696 = tpu.vector_load %arg6[%get3A_694, %get3A_695] {strides = array<i32>} : memref<320x64xf32, #tpu.memory_space<vmem>>, vector<1x16xf32>,
        %get3A_697 = vector.shape_cast %get3A_696 : vector<1x16xf32> to vector<16xf32>
        %mul3A_698 = arith.mulf %get3A_697, %gather3A_689 : vector<16xf32>
        %swap3A_699 = arith.index_cast %add3A_693 : i32 to index
        %swap3A_700 = arith.constant 0 : index
        %swap3A_701 = tpu.vector_load %arg8[%swap3A_699, %swap3A_700] {strides = array<i32>} : memref<320x64xf32, #tpu.memory_space<vmem>>, vector<1x16xf32>,
        %swap3A_702 = vector.shape_cast %swap3A_701 : vector<1x16xf32> to vector<16xf32>
        %swap3A_703 = vector.shape_cast %mul3A_698 : vector<16xf32> to vector<1x16xf32>
        tpu.vector_store %arg8[%swap3A_699, %swap3A_700], %swap3A_703 {strides = array<i32>} : memref<320x64xf32, #tpu.memory_space<vmem>>, vector<1x16xf32>,
        %get3A_704 = arith.index_cast %add3A_693 : i32 to index
        %get3A_705 = arith.constant 16 : index
        %get3A_706 = tpu.vector_load %arg6[%get3A_704, %get3A_705] {strides = array<i32>} : memref<320x64xf32, #tpu.memory_space<vmem>>, vector<1x16xf32>,
        %get3A_707 = vector.shape_cast %get3A_706 : vector<1x16xf32> to vector<16xf32>
        %mul3A_708 = arith.mulf %get3A_707, %gather3A_689 : vector<16xf32>
        %swap3A_709 = arith.index_cast %add3A_693 : i32 to index
        %swap3A_710 = arith.constant 16 : index
        %swap3A_711 = tpu.vector_load %arg8[%swap3A_709, %swap3A_710] {strides = array<i32>} : memref<320x64xf32, #tpu.memory_space<vmem>>, vector<1x16xf32>,
        %swap3A_712 = vector.shape_cast %swap3A_711 : vector<1x16xf32> to vector<16xf32>
        %swap3A_713 = vector.shape_cast %mul3A_708 : vector<16xf32> to vector<1x16xf32>
        tpu.vector_store %arg8[%swap3A_709, %swap3A_710], %swap3A_713 {strides = array<i32>} : memref<320x64xf32, #tpu.memory_space<vmem>>, vector<1x16xf32>,
        %get3A_714 = arith.index_cast %add3A_693 : i32 to index
        %get3A_715 = arith.constant 32 : index
        %get3A_716 = tpu.vector_load %arg6[%get3A_714, %get3A_715] {strides = array<i32>} : memref<320x64xf32, #tpu.memory_space<vmem>>, vector<1x16xf32>,
        %get3A_717 = vector.shape_cast %get3A_716 : vector<1x16xf32> to vector<16xf32>
        %mul3A_718 = arith.mulf %get3A_717, %gather3A_689 : vector<16xf32>
        %swap3A_719 = arith.index_cast %add3A_693 : i32 to index
        %swap3A_720 = arith.constant 32 : index
        %swap3A_721 = tpu.vector_load %arg8[%swap3A_719, %swap3A_720] {strides = array<i32>} : memref<320x64xf32, #tpu.memory_space<vmem>>, vector<1x16xf32>,
        %swap3A_722 = vector.shape_cast %swap3A_721 : vector<1x16xf32> to vector<16xf32>
        %swap3A_723 = vector.shape_cast %mul3A_718 : vector<16xf32> to vector<1x16xf32>
        tpu.vector_store %arg8[%swap3A_719, %swap3A_720], %swap3A_723 {strides = array<i32>} : memref<320x64xf32, #tpu.memory_space<vmem>>, vector<1x16xf32>,
        %get3A_724 = arith.index_cast %add3A_693 : i32 to index
        %get3A_725 = arith.constant 48 : index
        %get3A_726 = tpu.vector_load %arg6[%get3A_724, %get3A_725] {strides = array<i32>} : memref<320x64xf32, #tpu.memory_space<vmem>>, vector<1x16xf32>,
        %get3A_727 = vector.shape_cast %get3A_726 : vector<1x16xf32> to vector<16xf32>
        %mul3A_728 = arith.mulf %get3A_727, %gather3A_689 : vector<16xf32>
        %swap3A_729 = arith.index_cast %add3A_693 : i32 to index
        %swap3A_730 = arith.constant 48 : index
        %swap3A_731 = tpu.vector_load %arg8[%swap3A_729, %swap3A_730] {strides = array<i32>} : memref<320x64xf32, #tpu.memory_space<vmem>>, vector<1x16xf32>,
        %swap3A_732 = vector.shape_cast %swap3A_731 : vector<1x16xf32> to vector<16xf32>
        %swap3A_733 = vector.shape_cast %mul3A_728 : vector<16xf32> to vector<1x16xf32>
        tpu.vector_store %arg8[%swap3A_729, %swap3A_730], %swap3A_733 {strides = array<i32>} : memref<320x64xf32, #tpu.memory_space<vmem>>, vector<1x16xf32>,
        %broadcast_in_dim3A_734 = arith.constant 13 : i32
        %broadcast_in_dim3A_735 = vector.broadcast %broadcast_in_dim3A_734 : i32 to vector<16x1xi32>
        %gather3A_736 = vector.shape_cast %broadcast_in_dim3A_735 : vector<16x1xi32> to vector<16xi32>
        %gather3A_737 = tpu.dynamic_gather %mul3A_112[%gather3A_736] in [0] : vector<16xf32>, vector<16xi32> -> vector<16xf32>
        %mul3A_738 = arith.constant 16 : i32
        %mul3A_739 = arith.muli %scan3A_99, %mul3A_738 : i32
        %add3A_740 = arith.constant 13 : i32
        %add3A_741 = arith.addi %mul3A_739, %add3A_740 : i32
        %get3A_742 = arith.index_cast %add3A_741 : i32 to index
        %get3A_743 = arith.constant 0 : index
        %get3A_744 = tpu.vector_load %arg6[%get3A_742, %get3A_743] {strides = array<i32>} : memref<320x64xf32, #tpu.memory_space<vmem>>, vector<1x16xf32>,
        %get3A_745 = vector.shape_cast %get3A_744 : vector<1x16xf32> to vector<16xf32>
        %mul3A_746 = arith.mulf %get3A_745, %gather3A_737 : vector<16xf32>
        %swap3A_747 = arith.index_cast %add3A_741 : i32 to index
        %swap3A_748 = arith.constant 0 : index
        %swap3A_749 = tpu.vector_load %arg8[%swap3A_747, %swap3A_748] {strides = array<i32>} : memref<320x64xf32, #tpu.memory_space<vmem>>, vector<1x16xf32>,
        %swap3A_750 = vector.shape_cast %swap3A_749 : vector<1x16xf32> to vector<16xf32>
        %swap3A_751 = vector.shape_cast %mul3A_746 : vector<16xf32> to vector<1x16xf32>
        tpu.vector_store %arg8[%swap3A_747, %swap3A_748], %swap3A_751 {strides = array<i32>} : memref<320x64xf32, #tpu.memory_space<vmem>>, vector<1x16xf32>,
        %get3A_752 = arith.index_cast %add3A_741 : i32 to index
        %get3A_753 = arith.constant 16 : index
        %get3A_754 = tpu.vector_load %arg6[%get3A_752, %get3A_753] {strides = array<i32>} : memref<320x64xf32, #tpu.memory_space<vmem>>, vector<1x16xf32>,
        %get3A_755 = vector.shape_cast %get3A_754 : vector<1x16xf32> to vector<16xf32>
        %mul3A_756 = arith.mulf %get3A_755, %gather3A_737 : vector<16xf32>
        %swap3A_757 = arith.index_cast %add3A_741 : i32 to index
        %swap3A_758 = arith.constant 16 : index
        %swap3A_759 = tpu.vector_load %arg8[%swap3A_757, %swap3A_758] {strides = array<i32>} : memref<320x64xf32, #tpu.memory_space<vmem>>, vector<1x16xf32>,
        %swap3A_760 = vector.shape_cast %swap3A_759 : vector<1x16xf32> to vector<16xf32>
        %swap3A_761 = vector.shape_cast %mul3A_756 : vector<16xf32> to vector<1x16xf32>
        tpu.vector_store %arg8[%swap3A_757, %swap3A_758], %swap3A_761 {strides = array<i32>} : memref<320x64xf32, #tpu.memory_space<vmem>>, vector<1x16xf32>,
        %get3A_762 = arith.index_cast %add3A_741 : i32 to index
        %get3A_763 = arith.constant 32 : index
        %get3A_764 = tpu.vector_load %arg6[%get3A_762, %get3A_763] {strides = array<i32>} : memref<320x64xf32, #tpu.memory_space<vmem>>, vector<1x16xf32>,
        %get3A_765 = vector.shape_cast %get3A_764 : vector<1x16xf32> to vector<16xf32>
        %mul3A_766 = arith.mulf %get3A_765, %gather3A_737 : vector<16xf32>
        %swap3A_767 = arith.index_cast %add3A_741 : i32 to index
        %swap3A_768 = arith.constant 32 : index
        %swap3A_769 = tpu.vector_load %arg8[%swap3A_767, %swap3A_768] {strides = array<i32>} : memref<320x64xf32, #tpu.memory_space<vmem>>, vector<1x16xf32>,
        %swap3A_770 = vector.shape_cast %swap3A_769 : vector<1x16xf32> to vector<16xf32>
        %swap3A_771 = vector.shape_cast %mul3A_766 : vector<16xf32> to vector<1x16xf32>
        tpu.vector_store %arg8[%swap3A_767, %swap3A_768], %swap3A_771 {strides = array<i32>} : memref<320x64xf32, #tpu.memory_space<vmem>>, vector<1x16xf32>,
        %get3A_772 = arith.index_cast %add3A_741 : i32 to index
        %get3A_773 = arith.constant 48 : index
        %get3A_774 = tpu.vector_load %arg6[%get3A_772, %get3A_773] {strides = array<i32>} : memref<320x64xf32, #tpu.memory_space<vmem>>, vector<1x16xf32>,
        %get3A_775 = vector.shape_cast %get3A_774 : vector<1x16xf32> to vector<16xf32>
        %mul3A_776 = arith.mulf %get3A_775, %gather3A_737 : vector<16xf32>
        %swap3A_777 = arith.index_cast %add3A_741 : i32 to index
        %swap3A_778 = arith.constant 48 : index
        %swap3A_779 = tpu.vector_load %arg8[%swap3A_777, %swap3A_778] {strides = array<i32>} : memref<320x64xf32, #tpu.memory_space<vmem>>, vector<1x16xf32>,
        %swap3A_780 = vector.shape_cast %swap3A_779 : vector<1x16xf32> to vector<16xf32>
        %swap3A_781 = vector.shape_cast %mul3A_776 : vector<16xf32> to vector<1x16xf32>
        tpu.vector_store %arg8[%swap3A_777, %swap3A_778], %swap3A_781 {strides = array<i32>} : memref<320x64xf32, #tpu.memory_space<vmem>>, vector<1x16xf32>,
        %broadcast_in_dim3A_782 = arith.constant 14 : i32
        %broadcast_in_dim3A_783 = vector.broadcast %broadcast_in_dim3A_782 : i32 to vector<16x1xi32>
        %gather3A_784 = vector.shape_cast %broadcast_in_dim3A_783 : vector<16x1xi32> to vector<16xi32>
        %gather3A_785 = tpu.dynamic_gather %mul3A_112[%gather3A_784] in [0] : vector<16xf32>, vector<16xi32> -> vector<16xf32>
        %mul3A_786 = arith.constant 16 : i32
        %mul3A_787 = arith.muli %scan3A_99, %mul3A_786 : i32
        %add3A_788 = arith.constant 14 : i32
        %add3A_789 = arith.addi %mul3A_787, %add3A_788 : i32
        %get3A_790 = arith.index_cast %add3A_789 : i32 to index
        %get3A_791 = arith.constant 0 : index
        %get3A_792 = tpu.vector_load %arg6[%get3A_790, %get3A_791] {strides = array<i32>} : memref<320x64xf32, #tpu.memory_space<vmem>>, vector<1x16xf32>,
        %get3A_793 = vector.shape_cast %get3A_792 : vector<1x16xf32> to vector<16xf32>
        %mul3A_794 = arith.mulf %get3A_793, %gather3A_785 : vector<16xf32>
        %swap3A_795 = arith.index_cast %add3A_789 : i32 to index
        %swap3A_796 = arith.constant 0 : index
        %swap3A_797 = tpu.vector_load %arg8[%swap3A_795, %swap3A_796] {strides = array<i32>} : memref<320x64xf32, #tpu.memory_space<vmem>>, vector<1x16xf32>,
        %swap3A_798 = vector.shape_cast %swap3A_797 : vector<1x16xf32> to vector<16xf32>
        %swap3A_799 = vector.shape_cast %mul3A_794 : vector<16xf32> to vector<1x16xf32>
        tpu.vector_store %arg8[%swap3A_795, %swap3A_796], %swap3A_799 {strides = array<i32>} : memref<320x64xf32, #tpu.memory_space<vmem>>, vector<1x16xf32>,
        %get3A_800 = arith.index_cast %add3A_789 : i32 to index
        %get3A_801 = arith.constant 16 : index
        %get3A_802 = tpu.vector_load %arg6[%get3A_800, %get3A_801] {strides = array<i32>} : memref<320x64xf32, #tpu.memory_space<vmem>>, vector<1x16xf32>,
        %get3A_803 = vector.shape_cast %get3A_802 : vector<1x16xf32> to vector<16xf32>
        %mul3A_804 = arith.mulf %get3A_803, %gather3A_785 : vector<16xf32>
        %swap3A_805 = arith.index_cast %add3A_789 : i32 to index
        %swap3A_806 = arith.constant 16 : index
        %swap3A_807 = tpu.vector_load %arg8[%swap3A_805, %swap3A_806] {strides = array<i32>} : memref<320x64xf32, #tpu.memory_space<vmem>>, vector<1x16xf32>,
        %swap3A_808 = vector.shape_cast %swap3A_807 : vector<1x16xf32> to vector<16xf32>
        %swap3A_809 = vector.shape_cast %mul3A_804 : vector<16xf32> to vector<1x16xf32>
        tpu.vector_store %arg8[%swap3A_805, %swap3A_806], %swap3A_809 {strides = array<i32>} : memref<320x64xf32, #tpu.memory_space<vmem>>, vector<1x16xf32>,
        %get3A_810 = arith.index_cast %add3A_789 : i32 to index
        %get3A_811 = arith.constant 32 : index
        %get3A_812 = tpu.vector_load %arg6[%get3A_810, %get3A_811] {strides = array<i32>} : memref<320x64xf32, #tpu.memory_space<vmem>>, vector<1x16xf32>,
        %get3A_813 = vector.shape_cast %get3A_812 : vector<1x16xf32> to vector<16xf32>
        %mul3A_814 = arith.mulf %get3A_813, %gather3A_785 : vector<16xf32>
        %swap3A_815 = arith.index_cast %add3A_789 : i32 to index
        %swap3A_816 = arith.constant 32 : index
        %swap3A_817 = tpu.vector_load %arg8[%swap3A_815, %swap3A_816] {strides = array<i32>} : memref<320x64xf32, #tpu.memory_space<vmem>>, vector<1x16xf32>,
        %swap3A_818 = vector.shape_cast %swap3A_817 : vector<1x16xf32> to vector<16xf32>
        %swap3A_819 = vector.shape_cast %mul3A_814 : vector<16xf32> to vector<1x16xf32>
        tpu.vector_store %arg8[%swap3A_815, %swap3A_816], %swap3A_819 {strides = array<i32>} : memref<320x64xf32, #tpu.memory_space<vmem>>, vector<1x16xf32>,
        %get3A_820 = arith.index_cast %add3A_789 : i32 to index
        %get3A_821 = arith.constant 48 : index
        %get3A_822 = tpu.vector_load %arg6[%get3A_820, %get3A_821] {strides = array<i32>} : memref<320x64xf32, #tpu.memory_space<vmem>>, vector<1x16xf32>,
        %get3A_823 = vector.shape_cast %get3A_822 : vector<1x16xf32> to vector<16xf32>
        %mul3A_824 = arith.mulf %get3A_823, %gather3A_785 : vector<16xf32>
        %swap3A_825 = arith.index_cast %add3A_789 : i32 to index
        %swap3A_826 = arith.constant 48 : index
        %swap3A_827 = tpu.vector_load %arg8[%swap3A_825, %swap3A_826] {strides = array<i32>} : memref<320x64xf32, #tpu.memory_space<vmem>>, vector<1x16xf32>,
        %swap3A_828 = vector.shape_cast %swap3A_827 : vector<1x16xf32> to vector<16xf32>
        %swap3A_829 = vector.shape_cast %mul3A_824 : vector<16xf32> to vector<1x16xf32>
        tpu.vector_store %arg8[%swap3A_825, %swap3A_826], %swap3A_829 {strides = array<i32>} : memref<320x64xf32, #tpu.memory_space<vmem>>, vector<1x16xf32>,
        %broadcast_in_dim3A_830 = arith.constant 15 : i32
        %broadcast_in_dim3A_831 = vector.broadcast %broadcast_in_dim3A_830 : i32 to vector<16x1xi32>
        %gather3A_832 = vector.shape_cast %broadcast_in_dim3A_831 : vector<16x1xi32> to vector<16xi32>
        %gather3A_833 = tpu.dynamic_gather %mul3A_112[%gather3A_832] in [0] : vector<16xf32>, vector<16xi32> -> vector<16xf32>
        %mul3A_834 = arith.constant 16 : i32
        %mul3A_835 = arith.muli %scan3A_99, %mul3A_834 : i32
        %add3A_836 = arith.constant 15 : i32
        %add3A_837 = arith.addi %mul3A_835, %add3A_836 : i32
        %get3A_838 = arith.index_cast %add3A_837 : i32 to index
        %get3A_839 = arith.constant 0 : index
        %get3A_840 = tpu.vector_load %arg6[%get3A_838, %get3A_839] {strides = array<i32>} : memref<320x64xf32, #tpu.memory_space<vmem>>, vector<1x16xf32>,
        %get3A_841 = vector.shape_cast %get3A_840 : vector<1x16xf32> to vector<16xf32>
        %mul3A_842 = arith.mulf %get3A_841, %gather3A_833 : vector<16xf32>
        %swap3A_843 = arith.index_cast %add3A_837 : i32 to index
        %swap3A_844 = arith.constant 0 : index
        %swap3A_845 = tpu.vector_load %arg8[%swap3A_843, %swap3A_844] {strides = array<i32>} : memref<320x64xf32, #tpu.memory_space<vmem>>, vector<1x16xf32>,
        %swap3A_846 = vector.shape_cast %swap3A_845 : vector<1x16xf32> to vector<16xf32>
        %swap3A_847 = vector.shape_cast %mul3A_842 : vector<16xf32> to vector<1x16xf32>
        tpu.vector_store %arg8[%swap3A_843, %swap3A_844], %swap3A_847 {strides = array<i32>} : memref<320x64xf32, #tpu.memory_space<vmem>>, vector<1x16xf32>,
        %get3A_848 = arith.index_cast %add3A_837 : i32 to index
        %get3A_849 = arith.constant 16 : index
        %get3A_850 = tpu.vector_load %arg6[%get3A_848, %get3A_849] {strides = array<i32>} : memref<320x64xf32, #tpu.memory_space<vmem>>, vector<1x16xf32>,
        %get3A_851 = vector.shape_cast %get3A_850 : vector<1x16xf32> to vector<16xf32>
        %mul3A_852 = arith.mulf %get3A_851, %gather3A_833 : vector<16xf32>
        %swap3A_853 = arith.index_cast %add3A_837 : i32 to index
        %swap3A_854 = arith.constant 16 : index
        %swap3A_855 = tpu.vector_load %arg8[%swap3A_853, %swap3A_854] {strides = array<i32>} : memref<320x64xf32, #tpu.memory_space<vmem>>, vector<1x16xf32>,
        %swap3A_856 = vector.shape_cast %swap3A_855 : vector<1x16xf32> to vector<16xf32>
        %swap3A_857 = vector.shape_cast %mul3A_852 : vector<16xf32> to vector<1x16xf32>
        tpu.vector_store %arg8[%swap3A_853, %swap3A_854], %swap3A_857 {strides = array<i32>} : memref<320x64xf32, #tpu.memory_space<vmem>>, vector<1x16xf32>,
        %get3A_858 = arith.index_cast %add3A_837 : i32 to index
        %get3A_859 = arith.constant 32 : index
        %get3A_860 = tpu.vector_load %arg6[%get3A_858, %get3A_859] {strides = array<i32>} : memref<320x64xf32, #tpu.memory_space<vmem>>, vector<1x16xf32>,
        %get3A_861 = vector.shape_cast %get3A_860 : vector<1x16xf32> to vector<16xf32>
        %mul3A_862 = arith.mulf %get3A_861, %gather3A_833 : vector<16xf32>
        %swap3A_863 = arith.index_cast %add3A_837 : i32 to index
        %swap3A_864 = arith.constant 32 : index
        %swap3A_865 = tpu.vector_load %arg8[%swap3A_863, %swap3A_864] {strides = array<i32>} : memref<320x64xf32, #tpu.memory_space<vmem>>, vector<1x16xf32>,
        %swap3A_866 = vector.shape_cast %swap3A_865 : vector<1x16xf32> to vector<16xf32>
        %swap3A_867 = vector.shape_cast %mul3A_862 : vector<16xf32> to vector<1x16xf32>
        tpu.vector_store %arg8[%swap3A_863, %swap3A_864], %swap3A_867 {strides = array<i32>} : memref<320x64xf32, #tpu.memory_space<vmem>>, vector<1x16xf32>,
        %get3A_868 = arith.index_cast %add3A_837 : i32 to index
        %get3A_869 = arith.constant 48 : index
        %get3A_870 = tpu.vector_load %arg6[%get3A_868, %get3A_869] {strides = array<i32>} : memref<320x64xf32, #tpu.memory_space<vmem>>, vector<1x16xf32>,
        %get3A_871 = vector.shape_cast %get3A_870 : vector<1x16xf32> to vector<16xf32>
        %mul3A_872 = arith.mulf %get3A_871, %gather3A_833 : vector<16xf32>
        %swap3A_873 = arith.index_cast %add3A_837 : i32 to index
        %swap3A_874 = arith.constant 48 : index
        %swap3A_875 = tpu.vector_load %arg8[%swap3A_873, %swap3A_874] {strides = array<i32>} : memref<320x64xf32, #tpu.memory_space<vmem>>, vector<1x16xf32>,
        %swap3A_876 = vector.shape_cast %swap3A_875 : vector<1x16xf32> to vector<16xf32>
        %swap3A_877 = vector.shape_cast %mul3A_872 : vector<16xf32> to vector<1x16xf32>
        tpu.vector_store %arg8[%swap3A_873, %swap3A_874], %swap3A_877 {strides = array<i32>} : memref<320x64xf32, #tpu.memory_space<vmem>>, vector<1x16xf32>,
      }
      %scan3A_48 = arith.constant 20 : i32
      %mul3A_49 = arith.constant 320 : i32
      %mul3A_50 = arith.muli %add3A_34, %mul3A_49 : i32
      %add3A_51 = arith.addi %multiple_of3A, %mul3A_50 : i32
      %multiple_of3A_52 = tpu.assume_multiple %add3A_51, 64 : i32
      %dma_start3A_53 = arith.constant 0 : i32
      %dma_start3A_54 = tpu.memref_slice %arg4[%multiple_of3A_52, %dma_start3A_53] : memref<819200x64xf32, #tpu.memory_space<hbm>> -> memref<320x64xf32, #tpu.memory_space<hbm>>
      %dma_start3A_55 = arith.constant 0 : i32
      %dma_start3A_56 = tpu.memref_slice %arg4[%multiple_of3A_52, %dma_start3A_55] : memref<819200x64xf32, #tpu.memory_space<hbm>> -> memref<320x64xf32, #tpu.memory_space<hbm>>
      tpu.enqueue_dma source(%arg8 : memref<320x64xf32, #tpu.memory_space<vmem>>) target(%dma_start3A_56 : memref<320x64xf32, #tpu.memory_space<hbm>>) target_semaphore(%arg12 : memref<!tpu.dma_semaphore, #tpu.memory_space<semaphore_mem>>)
      %add3A_57 = arith.constant 2 : i32
      %add3A_58 = arith.addi %add3A_34, %add3A_57 : i32
      %lt3A = arith.constant 80 : i32
      %lt3A_59 = arith.cmpi slt, %add3A_58, %lt3A : i32
      %convert_element_type3A_60 = arith.extui %lt3A_59 : i1 to i32
      %cond3A_61 = arith.constant 0 : i32
      %cond3A_62 = arith.cmpi ne, %convert_element_type3A_60, %cond3A_61 : i32
      scf.if %cond3A_62 {
        %add3A_99 = arith.constant 2 : i32
        %add3A_100 = arith.addi %add3A_34, %add3A_99 : i32
        %mul3A_101 = arith.constant 320 : i32
        %mul3A_102 = arith.muli %add3A_100, %mul3A_101 : i32
        %dma_start3A_103 = tpu.memref_slice %arg5[%mul3A_102] : memref<25600xi32, #tpu.memory_space<vmem>> -> memref<320xi32, #tpu.memory_space<vmem>>
        %dma_start3A_104 = arith.constant 0 : i32
        %dma_start3A_105 = arith.constant 0 : i32
        %dma_start3A_106 = tpu.memref_slice %arg3[%dma_start3A_104, %dma_start3A_105] : memref<1000000x64xf32, #tpu.memory_space<hbm>> -> memref<1000000x64xf32, #tpu.memory_space<hbm>>
        tpu.enqueue_indirect_dma source(%dma_start3A_106 : memref<1000000x64xf32, #tpu.memory_space<hbm>>) target(%arg6 : memref<320x64xf32, #tpu.memory_space<vmem>>) offsets(%dma_start3A_103 : memref<320xi32, #tpu.memory_space<vmem>>) semaphore(%arg10 : memref<!tpu.dma_semaphore, #tpu.memory_space<semaphore_mem>>)
      } else {
      }
      %mul3A_63 = arith.constant 2 : i32
      %mul3A_64 = arith.muli %scan3A_30, %mul3A_63 : i32
      %add3A_65 = arith.constant 1 : i32
      %add3A_66 = arith.addi %mul3A_64, %add3A_65 : i32
      %mul3A_67 = arith.constant 320 : i32
      %mul3A_68 = arith.muli %add3A_66, %mul3A_67 : i32
      %dma_wait3A_69 = tpu.memref_slice %arg5[%mul3A_68] : memref<25600xi32, #tpu.memory_space<vmem>> -> memref<320xi32, #tpu.memory_space<vmem>>
      %dma_wait3A_70 = arith.constant 0 : i32
      %dma_wait3A_71 = arith.constant 0 : i32
      %dma_wait3A_72 = tpu.memref_slice %arg3[%dma_wait3A_70, %dma_wait3A_71] : memref<1000000x64xf32, #tpu.memory_space<hbm>> -> memref<1000000x64xf32, #tpu.memory_space<hbm>>
      tpu.wait_indirect_dma semaphore(%arg11 : memref<!tpu.dma_semaphore, #tpu.memory_space<semaphore_mem>>) src(%dma_wait3A_72 : memref<1000000x64xf32, #tpu.memory_space<hbm>>) dst(%arg7 : memref<320x64xf32, #tpu.memory_space<vmem>>)
      %ge3A_73 = arith.constant 2 : i32
      %ge3A_74 = arith.cmpi sge, %add3A_66, %ge3A_73 : i32
      %convert_element_type3A_75 = arith.extui %ge3A_74 : i1 to i32
      %cond3A_76 = arith.constant 0 : i32
      %cond3A_77 = arith.cmpi ne, %convert_element_type3A_75, %cond3A_76 : i32
      scf.if %cond3A_77 {
        %sub3A = arith.constant 2 : i32
        %sub3A_99 = arith.subi %add3A_66, %sub3A : i32
        %mul3A_100 = arith.constant 320 : i32
        %mul3A_101 = arith.muli %sub3A_99, %mul3A_100 : i32
        %add3A_102 = arith.addi %multiple_of3A, %mul3A_101 : i32
        %multiple_of3A_103 = tpu.assume_multiple %add3A_102, 64 : i32
        %dma_wait3A_104 = arith.constant 0 : i32
        %dma_wait3A_105 = tpu.memref_slice %arg4[%multiple_of3A_103, %dma_wait3A_104] : memref<819200x64xf32, #tpu.memory_space<hbm>> -> memref<320x64xf32, #tpu.memory_space<hbm>>
        %dma_wait3A_106 = arith.constant 0 : i32
        %dma_wait3A_107 = tpu.memref_slice %arg4[%multiple_of3A_103, %dma_wait3A_106] : memref<819200x64xf32, #tpu.memory_space<hbm>> -> memref<320x64xf32, #tpu.memory_space<hbm>>
        tpu.wait_dma2 semaphore(%arg13 : memref<!tpu.dma_semaphore, #tpu.memory_space<semaphore_mem>>) src(%arg9 : memref<320x64xf32, #tpu.memory_space<vmem>>) dst(%dma_wait3A_107 : memref<320x64xf32, #tpu.memory_space<hbm>>)
      } else {
      }
      %scan3A_78 = arith.constant 0 : i32
      %scan3A_79 = arith.constant 0 : i32
      %scan3A_80 = arith.constant 20 : i32
      %scan3A_81 = arith.addi %scan3A_79, %scan3A_80 : i32
      %scan3A_82 = arith.constant 1 : i32
      scf.for %scan3A_99 = %scan3A_79 to %scan3A_81 step %scan3A_82  : i32 {
        %mul3A_100 = arith.constant 320 : i32
        %mul3A_101 = arith.muli %add3A_66, %mul3A_100 : i32
        %mul3A_102 = arith.constant 16 : i32
        %mul3A_103 = arith.muli %scan3A_99, %mul3A_102 : i32
        %add3A_104 = arith.addi %mul3A_101, %mul3A_103 : i32
        %get3A = arith.index_cast %add3A_104 : i32 to index
        %get3A_105 = tpu.vector_load %arg5[%get3A] {strides = array<i32>} : memref<25600xi32, #tpu.memory_space<vmem>>, vector<16xi32>,
        %get3A_106 = vector.shape_cast %get3A_105 : vector<16xi32> to vector<16xi32>
        %min3A = arith.constant 1 : i32
        %min3A_107 = vector.broadcast %min3A : i32 to vector<16xi32>
        %min3A_108 = arith.minsi %get3A_106, %min3A_107 : vector<16xi32>
        %convert_element_type3A_109 = arith.sitofp %min3A_108 : vector<16xi32> to vector<16xf32>
        %mul3A_110 = arith.constant 8.000000e+00 : f32
        %mul3A_111 = vector.broadcast %mul3A_110 : f32 to vector<16xf32>
        %mul3A_112 = arith.mulf %convert_element_type3A_109, %mul3A_111 : vector<16xf32>
        %broadcast_in_dim3A = arith.constant 0 : i32
        %broadcast_in_dim3A_113 = vector.broadcast %broadcast_in_dim3A : i32 to vector<16x1xi32>
        %gather3A = vector.shape_cast %broadcast_in_dim3A_113 : vector<16x1xi32> to vector<16xi32>
        %gather3A_114 = tpu.dynamic_gather %mul3A_112[%gather3A] in [0] : vector<16xf32>, vector<16xi32> -> vector<16xf32>
        %mul3A_115 = arith.constant 16 : i32
        %mul3A_116 = arith.muli %scan3A_99, %mul3A_115 : i32
        %add3A_117 = arith.constant 0 : i32
        %add3A_118 = arith.addi %mul3A_116, %add3A_117 : i32
        %get3A_119 = arith.index_cast %add3A_118 : i32 to index
        %get3A_120 = arith.constant 0 : index
        %get3A_121 = tpu.vector_load %arg7[%get3A_119, %get3A_120] {strides = array<i32>} : memref<320x64xf32, #tpu.memory_space<vmem>>, vector<1x16xf32>,
        %get3A_122 = vector.shape_cast %get3A_121 : vector<1x16xf32> to vector<16xf32>
        %mul3A_123 = arith.mulf %get3A_122, %gather3A_114 : vector<16xf32>
        %swap3A = arith.index_cast %add3A_118 : i32 to index
        %swap3A_124 = arith.constant 0 : index
        %swap3A_125 = tpu.vector_load %arg9[%swap3A, %swap3A_124] {strides = array<i32>} : memref<320x64xf32, #tpu.memory_space<vmem>>, vector<1x16xf32>,
        %swap3A_126 = vector.shape_cast %swap3A_125 : vector<1x16xf32> to vector<16xf32>
        %swap3A_127 = vector.shape_cast %mul3A_123 : vector<16xf32> to vector<1x16xf32>
        tpu.vector_store %arg9[%swap3A, %swap3A_124], %swap3A_127 {strides = array<i32>} : memref<320x64xf32, #tpu.memory_space<vmem>>, vector<1x16xf32>,
        %get3A_128 = arith.index_cast %add3A_118 : i32 to index
        %get3A_129 = arith.constant 16 : index
        %get3A_130 = tpu.vector_load %arg7[%get3A_128, %get3A_129] {strides = array<i32>} : memref<320x64xf32, #tpu.memory_space<vmem>>, vector<1x16xf32>,
        %get3A_131 = vector.shape_cast %get3A_130 : vector<1x16xf32> to vector<16xf32>
        %mul3A_132 = arith.mulf %get3A_131, %gather3A_114 : vector<16xf32>
        %swap3A_133 = arith.index_cast %add3A_118 : i32 to index
        %swap3A_134 = arith.constant 16 : index
        %swap3A_135 = tpu.vector_load %arg9[%swap3A_133, %swap3A_134] {strides = array<i32>} : memref<320x64xf32, #tpu.memory_space<vmem>>, vector<1x16xf32>,
        %swap3A_136 = vector.shape_cast %swap3A_135 : vector<1x16xf32> to vector<16xf32>
        %swap3A_137 = vector.shape_cast %mul3A_132 : vector<16xf32> to vector<1x16xf32>
        tpu.vector_store %arg9[%swap3A_133, %swap3A_134], %swap3A_137 {strides = array<i32>} : memref<320x64xf32, #tpu.memory_space<vmem>>, vector<1x16xf32>,
        %get3A_138 = arith.index_cast %add3A_118 : i32 to index
        %get3A_139 = arith.constant 32 : index
        %get3A_140 = tpu.vector_load %arg7[%get3A_138, %get3A_139] {strides = array<i32>} : memref<320x64xf32, #tpu.memory_space<vmem>>, vector<1x16xf32>,
        %get3A_141 = vector.shape_cast %get3A_140 : vector<1x16xf32> to vector<16xf32>
        %mul3A_142 = arith.mulf %get3A_141, %gather3A_114 : vector<16xf32>
        %swap3A_143 = arith.index_cast %add3A_118 : i32 to index
        %swap3A_144 = arith.constant 32 : index
        %swap3A_145 = tpu.vector_load %arg9[%swap3A_143, %swap3A_144] {strides = array<i32>} : memref<320x64xf32, #tpu.memory_space<vmem>>, vector<1x16xf32>,
        %swap3A_146 = vector.shape_cast %swap3A_145 : vector<1x16xf32> to vector<16xf32>
        %swap3A_147 = vector.shape_cast %mul3A_142 : vector<16xf32> to vector<1x16xf32>
        tpu.vector_store %arg9[%swap3A_143, %swap3A_144], %swap3A_147 {strides = array<i32>} : memref<320x64xf32, #tpu.memory_space<vmem>>, vector<1x16xf32>,
        %get3A_148 = arith.index_cast %add3A_118 : i32 to index
        %get3A_149 = arith.constant 48 : index
        %get3A_150 = tpu.vector_load %arg7[%get3A_148, %get3A_149] {strides = array<i32>} : memref<320x64xf32, #tpu.memory_space<vmem>>, vector<1x16xf32>,
        %get3A_151 = vector.shape_cast %get3A_150 : vector<1x16xf32> to vector<16xf32>
        %mul3A_152 = arith.mulf %get3A_151, %gather3A_114 : vector<16xf32>
        %swap3A_153 = arith.index_cast %add3A_118 : i32 to index
        %swap3A_154 = arith.constant 48 : index
        %swap3A_155 = tpu.vector_load %arg9[%swap3A_153, %swap3A_154] {strides = array<i32>} : memref<320x64xf32, #tpu.memory_space<vmem>>, vector<1x16xf32>,
        %swap3A_156 = vector.shape_cast %swap3A_155 : vector<1x16xf32> to vector<16xf32>
        %swap3A_157 = vector.shape_cast %mul3A_152 : vector<16xf32> to vector<1x16xf32>
        tpu.vector_store %arg9[%swap3A_153, %swap3A_154], %swap3A_157 {strides = array<i32>} : memref<320x64xf32, #tpu.memory_space<vmem>>, vector<1x16xf32>,
        %broadcast_in_dim3A_158 = arith.constant 1 : i32
        %broadcast_in_dim3A_159 = vector.broadcast %broadcast_in_dim3A_158 : i32 to vector<16x1xi32>
        %gather3A_160 = vector.shape_cast %broadcast_in_dim3A_159 : vector<16x1xi32> to vector<16xi32>
        %gather3A_161 = tpu.dynamic_gather %mul3A_112[%gather3A_160] in [0] : vector<16xf32>, vector<16xi32> -> vector<16xf32>
        %mul3A_162 = arith.constant 16 : i32
        %mul3A_163 = arith.muli %scan3A_99, %mul3A_162 : i32
        %add3A_164 = arith.constant 1 : i32
        %add3A_165 = arith.addi %mul3A_163, %add3A_164 : i32
        %get3A_166 = arith.index_cast %add3A_165 : i32 to index
        %get3A_167 = arith.constant 0 : index
        %get3A_168 = tpu.vector_load %arg7[%get3A_166, %get3A_167] {strides = array<i32>} : memref<320x64xf32, #tpu.memory_space<vmem>>, vector<1x16xf32>,
        %get3A_169 = vector.shape_cast %get3A_168 : vector<1x16xf32> to vector<16xf32>
        %mul3A_170 = arith.mulf %get3A_169, %gather3A_161 : vector<16xf32>
        %swap3A_171 = arith.index_cast %add3A_165 : i32 to index
        %swap3A_172 = arith.constant 0 : index
        %swap3A_173 = tpu.vector_load %arg9[%swap3A_171, %swap3A_172] {strides = array<i32>} : memref<320x64xf32, #tpu.memory_space<vmem>>, vector<1x16xf32>,
        %swap3A_174 = vector.shape_cast %swap3A_173 : vector<1x16xf32> to vector<16xf32>
        %swap3A_175 = vector.shape_cast %mul3A_170 : vector<16xf32> to vector<1x16xf32>
        tpu.vector_store %arg9[%swap3A_171, %swap3A_172], %swap3A_175 {strides = array<i32>} : memref<320x64xf32, #tpu.memory_space<vmem>>, vector<1x16xf32>,
        %get3A_176 = arith.index_cast %add3A_165 : i32 to index
        %get3A_177 = arith.constant 16 : index
        %get3A_178 = tpu.vector_load %arg7[%get3A_176, %get3A_177] {strides = array<i32>} : memref<320x64xf32, #tpu.memory_space<vmem>>, vector<1x16xf32>,
        %get3A_179 = vector.shape_cast %get3A_178 : vector<1x16xf32> to vector<16xf32>
        %mul3A_180 = arith.mulf %get3A_179, %gather3A_161 : vector<16xf32>
        %swap3A_181 = arith.index_cast %add3A_165 : i32 to index
        %swap3A_182 = arith.constant 16 : index
        %swap3A_183 = tpu.vector_load %arg9[%swap3A_181, %swap3A_182] {strides = array<i32>} : memref<320x64xf32, #tpu.memory_space<vmem>>, vector<1x16xf32>,
        %swap3A_184 = vector.shape_cast %swap3A_183 : vector<1x16xf32> to vector<16xf32>
        %swap3A_185 = vector.shape_cast %mul3A_180 : vector<16xf32> to vector<1x16xf32>
        tpu.vector_store %arg9[%swap3A_181, %swap3A_182], %swap3A_185 {strides = array<i32>} : memref<320x64xf32, #tpu.memory_space<vmem>>, vector<1x16xf32>,
        %get3A_186 = arith.index_cast %add3A_165 : i32 to index
        %get3A_187 = arith.constant 32 : index
        %get3A_188 = tpu.vector_load %arg7[%get3A_186, %get3A_187] {strides = array<i32>} : memref<320x64xf32, #tpu.memory_space<vmem>>, vector<1x16xf32>,
        %get3A_189 = vector.shape_cast %get3A_188 : vector<1x16xf32> to vector<16xf32>
        %mul3A_190 = arith.mulf %get3A_189, %gather3A_161 : vector<16xf32>
        %swap3A_191 = arith.index_cast %add3A_165 : i32 to index
        %swap3A_192 = arith.constant 32 : index
        %swap3A_193 = tpu.vector_load %arg9[%swap3A_191, %swap3A_192] {strides = array<i32>} : memref<320x64xf32, #tpu.memory_space<vmem>>, vector<1x16xf32>,
        %swap3A_194 = vector.shape_cast %swap3A_193 : vector<1x16xf32> to vector<16xf32>
        %swap3A_195 = vector.shape_cast %mul3A_190 : vector<16xf32> to vector<1x16xf32>
        tpu.vector_store %arg9[%swap3A_191, %swap3A_192], %swap3A_195 {strides = array<i32>} : memref<320x64xf32, #tpu.memory_space<vmem>>, vector<1x16xf32>,
        %get3A_196 = arith.index_cast %add3A_165 : i32 to index
        %get3A_197 = arith.constant 48 : index
        %get3A_198 = tpu.vector_load %arg7[%get3A_196, %get3A_197] {strides = array<i32>} : memref<320x64xf32, #tpu.memory_space<vmem>>, vector<1x16xf32>,
        %get3A_199 = vector.shape_cast %get3A_198 : vector<1x16xf32> to vector<16xf32>
        %mul3A_200 = arith.mulf %get3A_199, %gather3A_161 : vector<16xf32>
        %swap3A_201 = arith.index_cast %add3A_165 : i32 to index
        %swap3A_202 = arith.constant 48 : index
        %swap3A_203 = tpu.vector_load %arg9[%swap3A_201, %swap3A_202] {strides = array<i32>} : memref<320x64xf32, #tpu.memory_space<vmem>>, vector<1x16xf32>,
        %swap3A_204 = vector.shape_cast %swap3A_203 : vector<1x16xf32> to vector<16xf32>
        %swap3A_205 = vector.shape_cast %mul3A_200 : vector<16xf32> to vector<1x16xf32>
        tpu.vector_store %arg9[%swap3A_201, %swap3A_202], %swap3A_205 {strides = array<i32>} : memref<320x64xf32, #tpu.memory_space<vmem>>, vector<1x16xf32>,
        %broadcast_in_dim3A_206 = arith.constant 2 : i32
        %broadcast_in_dim3A_207 = vector.broadcast %broadcast_in_dim3A_206 : i32 to vector<16x1xi32>
        %gather3A_208 = vector.shape_cast %broadcast_in_dim3A_207 : vector<16x1xi32> to vector<16xi32>
        %gather3A_209 = tpu.dynamic_gather %mul3A_112[%gather3A_208] in [0] : vector<16xf32>, vector<16xi32> -> vector<16xf32>
        %mul3A_210 = arith.constant 16 : i32
        %mul3A_211 = arith.muli %scan3A_99, %mul3A_210 : i32
        %add3A_212 = arith.constant 2 : i32
        %add3A_213 = arith.addi %mul3A_211, %add3A_212 : i32
        %get3A_214 = arith.index_cast %add3A_213 : i32 to index
        %get3A_215 = arith.constant 0 : index
        %get3A_216 = tpu.vector_load %arg7[%get3A_214, %get3A_215] {strides = array<i32>} : memref<320x64xf32, #tpu.memory_space<vmem>>, vector<1x16xf32>,
        %get3A_217 = vector.shape_cast %get3A_216 : vector<1x16xf32> to vector<16xf32>
        %mul3A_218 = arith.mulf %get3A_217, %gather3A_209 : vector<16xf32>
        %swap3A_219 = arith.index_cast %add3A_213 : i32 to index
        %swap3A_220 = arith.constant 0 : index
        %swap3A_221 = tpu.vector_load %arg9[%swap3A_219, %swap3A_220] {strides = array<i32>} : memref<320x64xf32, #tpu.memory_space<vmem>>, vector<1x16xf32>,
        %swap3A_222 = vector.shape_cast %swap3A_221 : vector<1x16xf32> to vector<16xf32>
        %swap3A_223 = vector.shape_cast %mul3A_218 : vector<16xf32> to vector<1x16xf32>
        tpu.vector_store %arg9[%swap3A_219, %swap3A_220], %swap3A_223 {strides = array<i32>} : memref<320x64xf32, #tpu.memory_space<vmem>>, vector<1x16xf32>,
        %get3A_224 = arith.index_cast %add3A_213 : i32 to index
        %get3A_225 = arith.constant 16 : index
        %get3A_226 = tpu.vector_load %arg7[%get3A_224, %get3A_225] {strides = array<i32>} : memref<320x64xf32, #tpu.memory_space<vmem>>, vector<1x16xf32>,
        %get3A_227 = vector.shape_cast %get3A_226 : vector<1x16xf32> to vector<16xf32>
        %mul3A_228 = arith.mulf %get3A_227, %gather3A_209 : vector<16xf32>
        %swap3A_229 = arith.index_cast %add3A_213 : i32 to index
        %swap3A_230 = arith.constant 16 : index
        %swap3A_231 = tpu.vector_load %arg9[%swap3A_229, %swap3A_230] {strides = array<i32>} : memref<320x64xf32, #tpu.memory_space<vmem>>, vector<1x16xf32>,
        %swap3A_232 = vector.shape_cast %swap3A_231 : vector<1x16xf32> to vector<16xf32>
        %swap3A_233 = vector.shape_cast %mul3A_228 : vector<16xf32> to vector<1x16xf32>
        tpu.vector_store %arg9[%swap3A_229, %swap3A_230], %swap3A_233 {strides = array<i32>} : memref<320x64xf32, #tpu.memory_space<vmem>>, vector<1x16xf32>,
        %get3A_234 = arith.index_cast %add3A_213 : i32 to index
        %get3A_235 = arith.constant 32 : index
        %get3A_236 = tpu.vector_load %arg7[%get3A_234, %get3A_235] {strides = array<i32>} : memref<320x64xf32, #tpu.memory_space<vmem>>, vector<1x16xf32>,
        %get3A_237 = vector.shape_cast %get3A_236 : vector<1x16xf32> to vector<16xf32>
        %mul3A_238 = arith.mulf %get3A_237, %gather3A_209 : vector<16xf32>
        %swap3A_239 = arith.index_cast %add3A_213 : i32 to index
        %swap3A_240 = arith.constant 32 : index
        %swap3A_241 = tpu.vector_load %arg9[%swap3A_239, %swap3A_240] {strides = array<i32>} : memref<320x64xf32, #tpu.memory_space<vmem>>, vector<1x16xf32>,
        %swap3A_242 = vector.shape_cast %swap3A_241 : vector<1x16xf32> to vector<16xf32>
        %swap3A_243 = vector.shape_cast %mul3A_238 : vector<16xf32> to vector<1x16xf32>
        tpu.vector_store %arg9[%swap3A_239, %swap3A_240], %swap3A_243 {strides = array<i32>} : memref<320x64xf32, #tpu.memory_space<vmem>>, vector<1x16xf32>,
        %get3A_244 = arith.index_cast %add3A_213 : i32 to index
        %get3A_245 = arith.constant 48 : index
        %get3A_246 = tpu.vector_load %arg7[%get3A_244, %get3A_245] {strides = array<i32>} : memref<320x64xf32, #tpu.memory_space<vmem>>, vector<1x16xf32>,
        %get3A_247 = vector.shape_cast %get3A_246 : vector<1x16xf32> to vector<16xf32>
        %mul3A_248 = arith.mulf %get3A_247, %gather3A_209 : vector<16xf32>
        %swap3A_249 = arith.index_cast %add3A_213 : i32 to index
        %swap3A_250 = arith.constant 48 : index
        %swap3A_251 = tpu.vector_load %arg9[%swap3A_249, %swap3A_250] {strides = array<i32>} : memref<320x64xf32, #tpu.memory_space<vmem>>, vector<1x16xf32>,
        %swap3A_252 = vector.shape_cast %swap3A_251 : vector<1x16xf32> to vector<16xf32>
        %swap3A_253 = vector.shape_cast %mul3A_248 : vector<16xf32> to vector<1x16xf32>
        tpu.vector_store %arg9[%swap3A_249, %swap3A_250], %swap3A_253 {strides = array<i32>} : memref<320x64xf32, #tpu.memory_space<vmem>>, vector<1x16xf32>,
        %broadcast_in_dim3A_254 = arith.constant 3 : i32
        %broadcast_in_dim3A_255 = vector.broadcast %broadcast_in_dim3A_254 : i32 to vector<16x1xi32>
        %gather3A_256 = vector.shape_cast %broadcast_in_dim3A_255 : vector<16x1xi32> to vector<16xi32>
        %gather3A_257 = tpu.dynamic_gather %mul3A_112[%gather3A_256] in [0] : vector<16xf32>, vector<16xi32> -> vector<16xf32>
        %mul3A_258 = arith.constant 16 : i32
        %mul3A_259 = arith.muli %scan3A_99, %mul3A_258 : i32
        %add3A_260 = arith.constant 3 : i32
        %add3A_261 = arith.addi %mul3A_259, %add3A_260 : i32
        %get3A_262 = arith.index_cast %add3A_261 : i32 to index
        %get3A_263 = arith.constant 0 : index
        %get3A_264 = tpu.vector_load %arg7[%get3A_262, %get3A_263] {strides = array<i32>} : memref<320x64xf32, #tpu.memory_space<vmem>>, vector<1x16xf32>,
        %get3A_265 = vector.shape_cast %get3A_264 : vector<1x16xf32> to vector<16xf32>
        %mul3A_266 = arith.mulf %get3A_265, %gather3A_257 : vector<16xf32>
        %swap3A_267 = arith.index_cast %add3A_261 : i32 to index
        %swap3A_268 = arith.constant 0 : index
        %swap3A_269 = tpu.vector_load %arg9[%swap3A_267, %swap3A_268] {strides = array<i32>} : memref<320x64xf32, #tpu.memory_space<vmem>>, vector<1x16xf32>,
        %swap3A_270 = vector.shape_cast %swap3A_269 : vector<1x16xf32> to vector<16xf32>
        %swap3A_271 = vector.shape_cast %mul3A_266 : vector<16xf32> to vector<1x16xf32>
        tpu.vector_store %arg9[%swap3A_267, %swap3A_268], %swap3A_271 {strides = array<i32>} : memref<320x64xf32, #tpu.memory_space<vmem>>, vector<1x16xf32>,
        %get3A_272 = arith.index_cast %add3A_261 : i32 to index
        %get3A_273 = arith.constant 16 : index
        %get3A_274 = tpu.vector_load %arg7[%get3A_272, %get3A_273] {strides = array<i32>} : memref<320x64xf32, #tpu.memory_space<vmem>>, vector<1x16xf32>,
        %get3A_275 = vector.shape_cast %get3A_274 : vector<1x16xf32> to vector<16xf32>
        %mul3A_276 = arith.mulf %get3A_275, %gather3A_257 : vector<16xf32>
        %swap3A_277 = arith.index_cast %add3A_261 : i32 to index
        %swap3A_278 = arith.constant 16 : index
        %swap3A_279 = tpu.vector_load %arg9[%swap3A_277, %swap3A_278] {strides = array<i32>} : memref<320x64xf32, #tpu.memory_space<vmem>>, vector<1x16xf32>,
        %swap3A_280 = vector.shape_cast %swap3A_279 : vector<1x16xf32> to vector<16xf32>
        %swap3A_281 = vector.shape_cast %mul3A_276 : vector<16xf32> to vector<1x16xf32>
        tpu.vector_store %arg9[%swap3A_277, %swap3A_278], %swap3A_281 {strides = array<i32>} : memref<320x64xf32, #tpu.memory_space<vmem>>, vector<1x16xf32>,
        %get3A_282 = arith.index_cast %add3A_261 : i32 to index
        %get3A_283 = arith.constant 32 : index
        %get3A_284 = tpu.vector_load %arg7[%get3A_282, %get3A_283] {strides = array<i32>} : memref<320x64xf32, #tpu.memory_space<vmem>>, vector<1x16xf32>,
        %get3A_285 = vector.shape_cast %get3A_284 : vector<1x16xf32> to vector<16xf32>
        %mul3A_286 = arith.mulf %get3A_285, %gather3A_257 : vector<16xf32>
        %swap3A_287 = arith.index_cast %add3A_261 : i32 to index
        %swap3A_288 = arith.constant 32 : index
        %swap3A_289 = tpu.vector_load %arg9[%swap3A_287, %swap3A_288] {strides = array<i32>} : memref<320x64xf32, #tpu.memory_space<vmem>>, vector<1x16xf32>,
        %swap3A_290 = vector.shape_cast %swap3A_289 : vector<1x16xf32> to vector<16xf32>
        %swap3A_291 = vector.shape_cast %mul3A_286 : vector<16xf32> to vector<1x16xf32>
        tpu.vector_store %arg9[%swap3A_287, %swap3A_288], %swap3A_291 {strides = array<i32>} : memref<320x64xf32, #tpu.memory_space<vmem>>, vector<1x16xf32>,
        %get3A_292 = arith.index_cast %add3A_261 : i32 to index
        %get3A_293 = arith.constant 48 : index
        %get3A_294 = tpu.vector_load %arg7[%get3A_292, %get3A_293] {strides = array<i32>} : memref<320x64xf32, #tpu.memory_space<vmem>>, vector<1x16xf32>,
        %get3A_295 = vector.shape_cast %get3A_294 : vector<1x16xf32> to vector<16xf32>
        %mul3A_296 = arith.mulf %get3A_295, %gather3A_257 : vector<16xf32>
        %swap3A_297 = arith.index_cast %add3A_261 : i32 to index
        %swap3A_298 = arith.constant 48 : index
        %swap3A_299 = tpu.vector_load %arg9[%swap3A_297, %swap3A_298] {strides = array<i32>} : memref<320x64xf32, #tpu.memory_space<vmem>>, vector<1x16xf32>,
        %swap3A_300 = vector.shape_cast %swap3A_299 : vector<1x16xf32> to vector<16xf32>
        %swap3A_301 = vector.shape_cast %mul3A_296 : vector<16xf32> to vector<1x16xf32>
        tpu.vector_store %arg9[%swap3A_297, %swap3A_298], %swap3A_301 {strides = array<i32>} : memref<320x64xf32, #tpu.memory_space<vmem>>, vector<1x16xf32>,
        %broadcast_in_dim3A_302 = arith.constant 4 : i32
        %broadcast_in_dim3A_303 = vector.broadcast %broadcast_in_dim3A_302 : i32 to vector<16x1xi32>
        %gather3A_304 = vector.shape_cast %broadcast_in_dim3A_303 : vector<16x1xi32> to vector<16xi32>
        %gather3A_305 = tpu.dynamic_gather %mul3A_112[%gather3A_304] in [0] : vector<16xf32>, vector<16xi32> -> vector<16xf32>
        %mul3A_306 = arith.constant 16 : i32
        %mul3A_307 = arith.muli %scan3A_99, %mul3A_306 : i32
        %add3A_308 = arith.constant 4 : i32
        %add3A_309 = arith.addi %mul3A_307, %add3A_308 : i32
        %get3A_310 = arith.index_cast %add3A_309 : i32 to index
        %get3A_311 = arith.constant 0 : index
        %get3A_312 = tpu.vector_load %arg7[%get3A_310, %get3A_311] {strides = array<i32>} : memref<320x64xf32, #tpu.memory_space<vmem>>, vector<1x16xf32>,
        %get3A_313 = vector.shape_cast %get3A_312 : vector<1x16xf32> to vector<16xf32>
        %mul3A_314 = arith.mulf %get3A_313, %gather3A_305 : vector<16xf32>
        %swap3A_315 = arith.index_cast %add3A_309 : i32 to index
        %swap3A_316 = arith.constant 0 : index
        %swap3A_317 = tpu.vector_load %arg9[%swap3A_315, %swap3A_316] {strides = array<i32>} : memref<320x64xf32, #tpu.memory_space<vmem>>, vector<1x16xf32>,
        %swap3A_318 = vector.shape_cast %swap3A_317 : vector<1x16xf32> to vector<16xf32>
        %swap3A_319 = vector.shape_cast %mul3A_314 : vector<16xf32> to vector<1x16xf32>
        tpu.vector_store %arg9[%swap3A_315, %swap3A_316], %swap3A_319 {strides = array<i32>} : memref<320x64xf32, #tpu.memory_space<vmem>>, vector<1x16xf32>,
        %get3A_320 = arith.index_cast %add3A_309 : i32 to index
        %get3A_321 = arith.constant 16 : index
        %get3A_322 = tpu.vector_load %arg7[%get3A_320, %get3A_321] {strides = array<i32>} : memref<320x64xf32, #tpu.memory_space<vmem>>, vector<1x16xf32>,
        %get3A_323 = vector.shape_cast %get3A_322 : vector<1x16xf32> to vector<16xf32>
        %mul3A_324 = arith.mulf %get3A_323, %gather3A_305 : vector<16xf32>
        %swap3A_325 = arith.index_cast %add3A_309 : i32 to index
        %swap3A_326 = arith.constant 16 : index
        %swap3A_327 = tpu.vector_load %arg9[%swap3A_325, %swap3A_326] {strides = array<i32>} : memref<320x64xf32, #tpu.memory_space<vmem>>, vector<1x16xf32>,
        %swap3A_328 = vector.shape_cast %swap3A_327 : vector<1x16xf32> to vector<16xf32>
        %swap3A_329 = vector.shape_cast %mul3A_324 : vector<16xf32> to vector<1x16xf32>
        tpu.vector_store %arg9[%swap3A_325, %swap3A_326], %swap3A_329 {strides = array<i32>} : memref<320x64xf32, #tpu.memory_space<vmem>>, vector<1x16xf32>,
        %get3A_330 = arith.index_cast %add3A_309 : i32 to index
        %get3A_331 = arith.constant 32 : index
        %get3A_332 = tpu.vector_load %arg7[%get3A_330, %get3A_331] {strides = array<i32>} : memref<320x64xf32, #tpu.memory_space<vmem>>, vector<1x16xf32>,
        %get3A_333 = vector.shape_cast %get3A_332 : vector<1x16xf32> to vector<16xf32>
        %mul3A_334 = arith.mulf %get3A_333, %gather3A_305 : vector<16xf32>
        %swap3A_335 = arith.index_cast %add3A_309 : i32 to index
        %swap3A_336 = arith.constant 32 : index
        %swap3A_337 = tpu.vector_load %arg9[%swap3A_335, %swap3A_336] {strides = array<i32>} : memref<320x64xf32, #tpu.memory_space<vmem>>, vector<1x16xf32>,
        %swap3A_338 = vector.shape_cast %swap3A_337 : vector<1x16xf32> to vector<16xf32>
        %swap3A_339 = vector.shape_cast %mul3A_334 : vector<16xf32> to vector<1x16xf32>
        tpu.vector_store %arg9[%swap3A_335, %swap3A_336], %swap3A_339 {strides = array<i32>} : memref<320x64xf32, #tpu.memory_space<vmem>>, vector<1x16xf32>,
        %get3A_340 = arith.index_cast %add3A_309 : i32 to index
        %get3A_341 = arith.constant 48 : index
        %get3A_342 = tpu.vector_load %arg7[%get3A_340, %get3A_341] {strides = array<i32>} : memref<320x64xf32, #tpu.memory_space<vmem>>, vector<1x16xf32>,
        %get3A_343 = vector.shape_cast %get3A_342 : vector<1x16xf32> to vector<16xf32>
        %mul3A_344 = arith.mulf %get3A_343, %gather3A_305 : vector<16xf32>
        %swap3A_345 = arith.index_cast %add3A_309 : i32 to index
        %swap3A_346 = arith.constant 48 : index
        %swap3A_347 = tpu.vector_load %arg9[%swap3A_345, %swap3A_346] {strides = array<i32>} : memref<320x64xf32, #tpu.memory_space<vmem>>, vector<1x16xf32>,
        %swap3A_348 = vector.shape_cast %swap3A_347 : vector<1x16xf32> to vector<16xf32>
        %swap3A_349 = vector.shape_cast %mul3A_344 : vector<16xf32> to vector<1x16xf32>
        tpu.vector_store %arg9[%swap3A_345, %swap3A_346], %swap3A_349 {strides = array<i32>} : memref<320x64xf32, #tpu.memory_space<vmem>>, vector<1x16xf32>,
        %broadcast_in_dim3A_350 = arith.constant 5 : i32
        %broadcast_in_dim3A_351 = vector.broadcast %broadcast_in_dim3A_350 : i32 to vector<16x1xi32>
        %gather3A_352 = vector.shape_cast %broadcast_in_dim3A_351 : vector<16x1xi32> to vector<16xi32>
        %gather3A_353 = tpu.dynamic_gather %mul3A_112[%gather3A_352] in [0] : vector<16xf32>, vector<16xi32> -> vector<16xf32>
        %mul3A_354 = arith.constant 16 : i32
        %mul3A_355 = arith.muli %scan3A_99, %mul3A_354 : i32
        %add3A_356 = arith.constant 5 : i32
        %add3A_357 = arith.addi %mul3A_355, %add3A_356 : i32
        %get3A_358 = arith.index_cast %add3A_357 : i32 to index
        %get3A_359 = arith.constant 0 : index
        %get3A_360 = tpu.vector_load %arg7[%get3A_358, %get3A_359] {strides = array<i32>} : memref<320x64xf32, #tpu.memory_space<vmem>>, vector<1x16xf32>,
        %get3A_361 = vector.shape_cast %get3A_360 : vector<1x16xf32> to vector<16xf32>
        %mul3A_362 = arith.mulf %get3A_361, %gather3A_353 : vector<16xf32>
        %swap3A_363 = arith.index_cast %add3A_357 : i32 to index
        %swap3A_364 = arith.constant 0 : index
        %swap3A_365 = tpu.vector_load %arg9[%swap3A_363, %swap3A_364] {strides = array<i32>} : memref<320x64xf32, #tpu.memory_space<vmem>>, vector<1x16xf32>,
        %swap3A_366 = vector.shape_cast %swap3A_365 : vector<1x16xf32> to vector<16xf32>
        %swap3A_367 = vector.shape_cast %mul3A_362 : vector<16xf32> to vector<1x16xf32>
        tpu.vector_store %arg9[%swap3A_363, %swap3A_364], %swap3A_367 {strides = array<i32>} : memref<320x64xf32, #tpu.memory_space<vmem>>, vector<1x16xf32>,
        %get3A_368 = arith.index_cast %add3A_357 : i32 to index
        %get3A_369 = arith.constant 16 : index
        %get3A_370 = tpu.vector_load %arg7[%get3A_368, %get3A_369] {strides = array<i32>} : memref<320x64xf32, #tpu.memory_space<vmem>>, vector<1x16xf32>,
        %get3A_371 = vector.shape_cast %get3A_370 : vector<1x16xf32> to vector<16xf32>
        %mul3A_372 = arith.mulf %get3A_371, %gather3A_353 : vector<16xf32>
        %swap3A_373 = arith.index_cast %add3A_357 : i32 to index
        %swap3A_374 = arith.constant 16 : index
        %swap3A_375 = tpu.vector_load %arg9[%swap3A_373, %swap3A_374] {strides = array<i32>} : memref<320x64xf32, #tpu.memory_space<vmem>>, vector<1x16xf32>,
        %swap3A_376 = vector.shape_cast %swap3A_375 : vector<1x16xf32> to vector<16xf32>
        %swap3A_377 = vector.shape_cast %mul3A_372 : vector<16xf32> to vector<1x16xf32>
        tpu.vector_store %arg9[%swap3A_373, %swap3A_374], %swap3A_377 {strides = array<i32>} : memref<320x64xf32, #tpu.memory_space<vmem>>, vector<1x16xf32>,
        %get3A_378 = arith.index_cast %add3A_357 : i32 to index
        %get3A_379 = arith.constant 32 : index
        %get3A_380 = tpu.vector_load %arg7[%get3A_378, %get3A_379] {strides = array<i32>} : memref<320x64xf32, #tpu.memory_space<vmem>>, vector<1x16xf32>,
        %get3A_381 = vector.shape_cast %get3A_380 : vector<1x16xf32> to vector<16xf32>
        %mul3A_382 = arith.mulf %get3A_381, %gather3A_353 : vector<16xf32>
        %swap3A_383 = arith.index_cast %add3A_357 : i32 to index
        %swap3A_384 = arith.constant 32 : index
        %swap3A_385 = tpu.vector_load %arg9[%swap3A_383, %swap3A_384] {strides = array<i32>} : memref<320x64xf32, #tpu.memory_space<vmem>>, vector<1x16xf32>,
        %swap3A_386 = vector.shape_cast %swap3A_385 : vector<1x16xf32> to vector<16xf32>
        %swap3A_387 = vector.shape_cast %mul3A_382 : vector<16xf32> to vector<1x16xf32>
        tpu.vector_store %arg9[%swap3A_383, %swap3A_384], %swap3A_387 {strides = array<i32>} : memref<320x64xf32, #tpu.memory_space<vmem>>, vector<1x16xf32>,
        %get3A_388 = arith.index_cast %add3A_357 : i32 to index
        %get3A_389 = arith.constant 48 : index
        %get3A_390 = tpu.vector_load %arg7[%get3A_388, %get3A_389] {strides = array<i32>} : memref<320x64xf32, #tpu.memory_space<vmem>>, vector<1x16xf32>,
        %get3A_391 = vector.shape_cast %get3A_390 : vector<1x16xf32> to vector<16xf32>
        %mul3A_392 = arith.mulf %get3A_391, %gather3A_353 : vector<16xf32>
        %swap3A_393 = arith.index_cast %add3A_357 : i32 to index
        %swap3A_394 = arith.constant 48 : index
        %swap3A_395 = tpu.vector_load %arg9[%swap3A_393, %swap3A_394] {strides = array<i32>} : memref<320x64xf32, #tpu.memory_space<vmem>>, vector<1x16xf32>,
        %swap3A_396 = vector.shape_cast %swap3A_395 : vector<1x16xf32> to vector<16xf32>
        %swap3A_397 = vector.shape_cast %mul3A_392 : vector<16xf32> to vector<1x16xf32>
        tpu.vector_store %arg9[%swap3A_393, %swap3A_394], %swap3A_397 {strides = array<i32>} : memref<320x64xf32, #tpu.memory_space<vmem>>, vector<1x16xf32>,
        %broadcast_in_dim3A_398 = arith.constant 6 : i32
        %broadcast_in_dim3A_399 = vector.broadcast %broadcast_in_dim3A_398 : i32 to vector<16x1xi32>
        %gather3A_400 = vector.shape_cast %broadcast_in_dim3A_399 : vector<16x1xi32> to vector<16xi32>
        %gather3A_401 = tpu.dynamic_gather %mul3A_112[%gather3A_400] in [0] : vector<16xf32>, vector<16xi32> -> vector<16xf32>
        %mul3A_402 = arith.constant 16 : i32
        %mul3A_403 = arith.muli %scan3A_99, %mul3A_402 : i32
        %add3A_404 = arith.constant 6 : i32
        %add3A_405 = arith.addi %mul3A_403, %add3A_404 : i32
        %get3A_406 = arith.index_cast %add3A_405 : i32 to index
        %get3A_407 = arith.constant 0 : index
        %get3A_408 = tpu.vector_load %arg7[%get3A_406, %get3A_407] {strides = array<i32>} : memref<320x64xf32, #tpu.memory_space<vmem>>, vector<1x16xf32>,
        %get3A_409 = vector.shape_cast %get3A_408 : vector<1x16xf32> to vector<16xf32>
        %mul3A_410 = arith.mulf %get3A_409, %gather3A_401 : vector<16xf32>
        %swap3A_411 = arith.index_cast %add3A_405 : i32 to index
        %swap3A_412 = arith.constant 0 : index
        %swap3A_413 = tpu.vector_load %arg9[%swap3A_411, %swap3A_412] {strides = array<i32>} : memref<320x64xf32, #tpu.memory_space<vmem>>, vector<1x16xf32>,
        %swap3A_414 = vector.shape_cast %swap3A_413 : vector<1x16xf32> to vector<16xf32>
        %swap3A_415 = vector.shape_cast %mul3A_410 : vector<16xf32> to vector<1x16xf32>
        tpu.vector_store %arg9[%swap3A_411, %swap3A_412], %swap3A_415 {strides = array<i32>} : memref<320x64xf32, #tpu.memory_space<vmem>>, vector<1x16xf32>,
        %get3A_416 = arith.index_cast %add3A_405 : i32 to index
        %get3A_417 = arith.constant 16 : index
        %get3A_418 = tpu.vector_load %arg7[%get3A_416, %get3A_417] {strides = array<i32>} : memref<320x64xf32, #tpu.memory_space<vmem>>, vector<1x16xf32>,
        %get3A_419 = vector.shape_cast %get3A_418 : vector<1x16xf32> to vector<16xf32>
        %mul3A_420 = arith.mulf %get3A_419, %gather3A_401 : vector<16xf32>
        %swap3A_421 = arith.index_cast %add3A_405 : i32 to index
        %swap3A_422 = arith.constant 16 : index
        %swap3A_423 = tpu.vector_load %arg9[%swap3A_421, %swap3A_422] {strides = array<i32>} : memref<320x64xf32, #tpu.memory_space<vmem>>, vector<1x16xf32>,
        %swap3A_424 = vector.shape_cast %swap3A_423 : vector<1x16xf32> to vector<16xf32>
        %swap3A_425 = vector.shape_cast %mul3A_420 : vector<16xf32> to vector<1x16xf32>
        tpu.vector_store %arg9[%swap3A_421, %swap3A_422], %swap3A_425 {strides = array<i32>} : memref<320x64xf32, #tpu.memory_space<vmem>>, vector<1x16xf32>,
        %get3A_426 = arith.index_cast %add3A_405 : i32 to index
        %get3A_427 = arith.constant 32 : index
        %get3A_428 = tpu.vector_load %arg7[%get3A_426, %get3A_427] {strides = array<i32>} : memref<320x64xf32, #tpu.memory_space<vmem>>, vector<1x16xf32>,
        %get3A_429 = vector.shape_cast %get3A_428 : vector<1x16xf32> to vector<16xf32>
        %mul3A_430 = arith.mulf %get3A_429, %gather3A_401 : vector<16xf32>
        %swap3A_431 = arith.index_cast %add3A_405 : i32 to index
        %swap3A_432 = arith.constant 32 : index
        %swap3A_433 = tpu.vector_load %arg9[%swap3A_431, %swap3A_432] {strides = array<i32>} : memref<320x64xf32, #tpu.memory_space<vmem>>, vector<1x16xf32>,
        %swap3A_434 = vector.shape_cast %swap3A_433 : vector<1x16xf32> to vector<16xf32>
        %swap3A_435 = vector.shape_cast %mul3A_430 : vector<16xf32> to vector<1x16xf32>
        tpu.vector_store %arg9[%swap3A_431, %swap3A_432], %swap3A_435 {strides = array<i32>} : memref<320x64xf32, #tpu.memory_space<vmem>>, vector<1x16xf32>,
        %get3A_436 = arith.index_cast %add3A_405 : i32 to index
        %get3A_437 = arith.constant 48 : index
        %get3A_438 = tpu.vector_load %arg7[%get3A_436, %get3A_437] {strides = array<i32>} : memref<320x64xf32, #tpu.memory_space<vmem>>, vector<1x16xf32>,
        %get3A_439 = vector.shape_cast %get3A_438 : vector<1x16xf32> to vector<16xf32>
        %mul3A_440 = arith.mulf %get3A_439, %gather3A_401 : vector<16xf32>
        %swap3A_441 = arith.index_cast %add3A_405 : i32 to index
        %swap3A_442 = arith.constant 48 : index
        %swap3A_443 = tpu.vector_load %arg9[%swap3A_441, %swap3A_442] {strides = array<i32>} : memref<320x64xf32, #tpu.memory_space<vmem>>, vector<1x16xf32>,
        %swap3A_444 = vector.shape_cast %swap3A_443 : vector<1x16xf32> to vector<16xf32>
        %swap3A_445 = vector.shape_cast %mul3A_440 : vector<16xf32> to vector<1x16xf32>
        tpu.vector_store %arg9[%swap3A_441, %swap3A_442], %swap3A_445 {strides = array<i32>} : memref<320x64xf32, #tpu.memory_space<vmem>>, vector<1x16xf32>,
        %broadcast_in_dim3A_446 = arith.constant 7 : i32
        %broadcast_in_dim3A_447 = vector.broadcast %broadcast_in_dim3A_446 : i32 to vector<16x1xi32>
        %gather3A_448 = vector.shape_cast %broadcast_in_dim3A_447 : vector<16x1xi32> to vector<16xi32>
        %gather3A_449 = tpu.dynamic_gather %mul3A_112[%gather3A_448] in [0] : vector<16xf32>, vector<16xi32> -> vector<16xf32>
        %mul3A_450 = arith.constant 16 : i32
        %mul3A_451 = arith.muli %scan3A_99, %mul3A_450 : i32
        %add3A_452 = arith.constant 7 : i32
        %add3A_453 = arith.addi %mul3A_451, %add3A_452 : i32
        %get3A_454 = arith.index_cast %add3A_453 : i32 to index
        %get3A_455 = arith.constant 0 : index
        %get3A_456 = tpu.vector_load %arg7[%get3A_454, %get3A_455] {strides = array<i32>} : memref<320x64xf32, #tpu.memory_space<vmem>>, vector<1x16xf32>,
        %get3A_457 = vector.shape_cast %get3A_456 : vector<1x16xf32> to vector<16xf32>
        %mul3A_458 = arith.mulf %get3A_457, %gather3A_449 : vector<16xf32>
        %swap3A_459 = arith.index_cast %add3A_453 : i32 to index
        %swap3A_460 = arith.constant 0 : index
        %swap3A_461 = tpu.vector_load %arg9[%swap3A_459, %swap3A_460] {strides = array<i32>} : memref<320x64xf32, #tpu.memory_space<vmem>>, vector<1x16xf32>,
        %swap3A_462 = vector.shape_cast %swap3A_461 : vector<1x16xf32> to vector<16xf32>
        %swap3A_463 = vector.shape_cast %mul3A_458 : vector<16xf32> to vector<1x16xf32>
        tpu.vector_store %arg9[%swap3A_459, %swap3A_460], %swap3A_463 {strides = array<i32>} : memref<320x64xf32, #tpu.memory_space<vmem>>, vector<1x16xf32>,
        %get3A_464 = arith.index_cast %add3A_453 : i32 to index
        %get3A_465 = arith.constant 16 : index
        %get3A_466 = tpu.vector_load %arg7[%get3A_464, %get3A_465] {strides = array<i32>} : memref<320x64xf32, #tpu.memory_space<vmem>>, vector<1x16xf32>,
        %get3A_467 = vector.shape_cast %get3A_466 : vector<1x16xf32> to vector<16xf32>
        %mul3A_468 = arith.mulf %get3A_467, %gather3A_449 : vector<16xf32>
        %swap3A_469 = arith.index_cast %add3A_453 : i32 to index
        %swap3A_470 = arith.constant 16 : index
        %swap3A_471 = tpu.vector_load %arg9[%swap3A_469, %swap3A_470] {strides = array<i32>} : memref<320x64xf32, #tpu.memory_space<vmem>>, vector<1x16xf32>,
        %swap3A_472 = vector.shape_cast %swap3A_471 : vector<1x16xf32> to vector<16xf32>
        %swap3A_473 = vector.shape_cast %mul3A_468 : vector<16xf32> to vector<1x16xf32>
        tpu.vector_store %arg9[%swap3A_469, %swap3A_470], %swap3A_473 {strides = array<i32>} : memref<320x64xf32, #tpu.memory_space<vmem>>, vector<1x16xf32>,
        %get3A_474 = arith.index_cast %add3A_453 : i32 to index
        %get3A_475 = arith.constant 32 : index
        %get3A_476 = tpu.vector_load %arg7[%get3A_474, %get3A_475] {strides = array<i32>} : memref<320x64xf32, #tpu.memory_space<vmem>>, vector<1x16xf32>,
        %get3A_477 = vector.shape_cast %get3A_476 : vector<1x16xf32> to vector<16xf32>
        %mul3A_478 = arith.mulf %get3A_477, %gather3A_449 : vector<16xf32>
        %swap3A_479 = arith.index_cast %add3A_453 : i32 to index
        %swap3A_480 = arith.constant 32 : index
        %swap3A_481 = tpu.vector_load %arg9[%swap3A_479, %swap3A_480] {strides = array<i32>} : memref<320x64xf32, #tpu.memory_space<vmem>>, vector<1x16xf32>,
        %swap3A_482 = vector.shape_cast %swap3A_481 : vector<1x16xf32> to vector<16xf32>
        %swap3A_483 = vector.shape_cast %mul3A_478 : vector<16xf32> to vector<1x16xf32>
        tpu.vector_store %arg9[%swap3A_479, %swap3A_480], %swap3A_483 {strides = array<i32>} : memref<320x64xf32, #tpu.memory_space<vmem>>, vector<1x16xf32>,
        %get3A_484 = arith.index_cast %add3A_453 : i32 to index
        %get3A_485 = arith.constant 48 : index
        %get3A_486 = tpu.vector_load %arg7[%get3A_484, %get3A_485] {strides = array<i32>} : memref<320x64xf32, #tpu.memory_space<vmem>>, vector<1x16xf32>,
        %get3A_487 = vector.shape_cast %get3A_486 : vector<1x16xf32> to vector<16xf32>
        %mul3A_488 = arith.mulf %get3A_487, %gather3A_449 : vector<16xf32>
        %swap3A_489 = arith.index_cast %add3A_453 : i32 to index
        %swap3A_490 = arith.constant 48 : index
        %swap3A_491 = tpu.vector_load %arg9[%swap3A_489, %swap3A_490] {strides = array<i32>} : memref<320x64xf32, #tpu.memory_space<vmem>>, vector<1x16xf32>,
        %swap3A_492 = vector.shape_cast %swap3A_491 : vector<1x16xf32> to vector<16xf32>
        %swap3A_493 = vector.shape_cast %mul3A_488 : vector<16xf32> to vector<1x16xf32>
        tpu.vector_store %arg9[%swap3A_489, %swap3A_490], %swap3A_493 {strides = array<i32>} : memref<320x64xf32, #tpu.memory_space<vmem>>, vector<1x16xf32>,
        %broadcast_in_dim3A_494 = arith.constant 8 : i32
        %broadcast_in_dim3A_495 = vector.broadcast %broadcast_in_dim3A_494 : i32 to vector<16x1xi32>
        %gather3A_496 = vector.shape_cast %broadcast_in_dim3A_495 : vector<16x1xi32> to vector<16xi32>
        %gather3A_497 = tpu.dynamic_gather %mul3A_112[%gather3A_496] in [0] : vector<16xf32>, vector<16xi32> -> vector<16xf32>
        %mul3A_498 = arith.constant 16 : i32
        %mul3A_499 = arith.muli %scan3A_99, %mul3A_498 : i32
        %add3A_500 = arith.constant 8 : i32
        %add3A_501 = arith.addi %mul3A_499, %add3A_500 : i32
        %get3A_502 = arith.index_cast %add3A_501 : i32 to index
        %get3A_503 = arith.constant 0 : index
        %get3A_504 = tpu.vector_load %arg7[%get3A_502, %get3A_503] {strides = array<i32>} : memref<320x64xf32, #tpu.memory_space<vmem>>, vector<1x16xf32>,
        %get3A_505 = vector.shape_cast %get3A_504 : vector<1x16xf32> to vector<16xf32>
        %mul3A_506 = arith.mulf %get3A_505, %gather3A_497 : vector<16xf32>
        %swap3A_507 = arith.index_cast %add3A_501 : i32 to index
        %swap3A_508 = arith.constant 0 : index
        %swap3A_509 = tpu.vector_load %arg9[%swap3A_507, %swap3A_508] {strides = array<i32>} : memref<320x64xf32, #tpu.memory_space<vmem>>, vector<1x16xf32>,
        %swap3A_510 = vector.shape_cast %swap3A_509 : vector<1x16xf32> to vector<16xf32>
        %swap3A_511 = vector.shape_cast %mul3A_506 : vector<16xf32> to vector<1x16xf32>
        tpu.vector_store %arg9[%swap3A_507, %swap3A_508], %swap3A_511 {strides = array<i32>} : memref<320x64xf32, #tpu.memory_space<vmem>>, vector<1x16xf32>,
        %get3A_512 = arith.index_cast %add3A_501 : i32 to index
        %get3A_513 = arith.constant 16 : index
        %get3A_514 = tpu.vector_load %arg7[%get3A_512, %get3A_513] {strides = array<i32>} : memref<320x64xf32, #tpu.memory_space<vmem>>, vector<1x16xf32>,
        %get3A_515 = vector.shape_cast %get3A_514 : vector<1x16xf32> to vector<16xf32>
        %mul3A_516 = arith.mulf %get3A_515, %gather3A_497 : vector<16xf32>
        %swap3A_517 = arith.index_cast %add3A_501 : i32 to index
        %swap3A_518 = arith.constant 16 : index
        %swap3A_519 = tpu.vector_load %arg9[%swap3A_517, %swap3A_518] {strides = array<i32>} : memref<320x64xf32, #tpu.memory_space<vmem>>, vector<1x16xf32>,
        %swap3A_520 = vector.shape_cast %swap3A_519 : vector<1x16xf32> to vector<16xf32>
        %swap3A_521 = vector.shape_cast %mul3A_516 : vector<16xf32> to vector<1x16xf32>
        tpu.vector_store %arg9[%swap3A_517, %swap3A_518], %swap3A_521 {strides = array<i32>} : memref<320x64xf32, #tpu.memory_space<vmem>>, vector<1x16xf32>,
        %get3A_522 = arith.index_cast %add3A_501 : i32 to index
        %get3A_523 = arith.constant 32 : index
        %get3A_524 = tpu.vector_load %arg7[%get3A_522, %get3A_523] {strides = array<i32>} : memref<320x64xf32, #tpu.memory_space<vmem>>, vector<1x16xf32>,
        %get3A_525 = vector.shape_cast %get3A_524 : vector<1x16xf32> to vector<16xf32>
        %mul3A_526 = arith.mulf %get3A_525, %gather3A_497 : vector<16xf32>
        %swap3A_527 = arith.index_cast %add3A_501 : i32 to index
        %swap3A_528 = arith.constant 32 : index
        %swap3A_529 = tpu.vector_load %arg9[%swap3A_527, %swap3A_528] {strides = array<i32>} : memref<320x64xf32, #tpu.memory_space<vmem>>, vector<1x16xf32>,
        %swap3A_530 = vector.shape_cast %swap3A_529 : vector<1x16xf32> to vector<16xf32>
        %swap3A_531 = vector.shape_cast %mul3A_526 : vector<16xf32> to vector<1x16xf32>
        tpu.vector_store %arg9[%swap3A_527, %swap3A_528], %swap3A_531 {strides = array<i32>} : memref<320x64xf32, #tpu.memory_space<vmem>>, vector<1x16xf32>,
        %get3A_532 = arith.index_cast %add3A_501 : i32 to index
        %get3A_533 = arith.constant 48 : index
        %get3A_534 = tpu.vector_load %arg7[%get3A_532, %get3A_533] {strides = array<i32>} : memref<320x64xf32, #tpu.memory_space<vmem>>, vector<1x16xf32>,
        %get3A_535 = vector.shape_cast %get3A_534 : vector<1x16xf32> to vector<16xf32>
        %mul3A_536 = arith.mulf %get3A_535, %gather3A_497 : vector<16xf32>
        %swap3A_537 = arith.index_cast %add3A_501 : i32 to index
        %swap3A_538 = arith.constant 48 : index
        %swap3A_539 = tpu.vector_load %arg9[%swap3A_537, %swap3A_538] {strides = array<i32>} : memref<320x64xf32, #tpu.memory_space<vmem>>, vector<1x16xf32>,
        %swap3A_540 = vector.shape_cast %swap3A_539 : vector<1x16xf32> to vector<16xf32>
        %swap3A_541 = vector.shape_cast %mul3A_536 : vector<16xf32> to vector<1x16xf32>
        tpu.vector_store %arg9[%swap3A_537, %swap3A_538], %swap3A_541 {strides = array<i32>} : memref<320x64xf32, #tpu.memory_space<vmem>>, vector<1x16xf32>,
        %broadcast_in_dim3A_542 = arith.constant 9 : i32
        %broadcast_in_dim3A_543 = vector.broadcast %broadcast_in_dim3A_542 : i32 to vector<16x1xi32>
        %gather3A_544 = vector.shape_cast %broadcast_in_dim3A_543 : vector<16x1xi32> to vector<16xi32>
        %gather3A_545 = tpu.dynamic_gather %mul3A_112[%gather3A_544] in [0] : vector<16xf32>, vector<16xi32> -> vector<16xf32>
        %mul3A_546 = arith.constant 16 : i32
        %mul3A_547 = arith.muli %scan3A_99, %mul3A_546 : i32
        %add3A_548 = arith.constant 9 : i32
        %add3A_549 = arith.addi %mul3A_547, %add3A_548 : i32
        %get3A_550 = arith.index_cast %add3A_549 : i32 to index
        %get3A_551 = arith.constant 0 : index
        %get3A_552 = tpu.vector_load %arg7[%get3A_550, %get3A_551] {strides = array<i32>} : memref<320x64xf32, #tpu.memory_space<vmem>>, vector<1x16xf32>,
        %get3A_553 = vector.shape_cast %get3A_552 : vector<1x16xf32> to vector<16xf32>
        %mul3A_554 = arith.mulf %get3A_553, %gather3A_545 : vector<16xf32>
        %swap3A_555 = arith.index_cast %add3A_549 : i32 to index
        %swap3A_556 = arith.constant 0 : index
        %swap3A_557 = tpu.vector_load %arg9[%swap3A_555, %swap3A_556] {strides = array<i32>} : memref<320x64xf32, #tpu.memory_space<vmem>>, vector<1x16xf32>,
        %swap3A_558 = vector.shape_cast %swap3A_557 : vector<1x16xf32> to vector<16xf32>
        %swap3A_559 = vector.shape_cast %mul3A_554 : vector<16xf32> to vector<1x16xf32>
        tpu.vector_store %arg9[%swap3A_555, %swap3A_556], %swap3A_559 {strides = array<i32>} : memref<320x64xf32, #tpu.memory_space<vmem>>, vector<1x16xf32>,
        %get3A_560 = arith.index_cast %add3A_549 : i32 to index
        %get3A_561 = arith.constant 16 : index
        %get3A_562 = tpu.vector_load %arg7[%get3A_560, %get3A_561] {strides = array<i32>} : memref<320x64xf32, #tpu.memory_space<vmem>>, vector<1x16xf32>,
        %get3A_563 = vector.shape_cast %get3A_562 : vector<1x16xf32> to vector<16xf32>
        %mul3A_564 = arith.mulf %get3A_563, %gather3A_545 : vector<16xf32>
        %swap3A_565 = arith.index_cast %add3A_549 : i32 to index
        %swap3A_566 = arith.constant 16 : index
        %swap3A_567 = tpu.vector_load %arg9[%swap3A_565, %swap3A_566] {strides = array<i32>} : memref<320x64xf32, #tpu.memory_space<vmem>>, vector<1x16xf32>,
        %swap3A_568 = vector.shape_cast %swap3A_567 : vector<1x16xf32> to vector<16xf32>
        %swap3A_569 = vector.shape_cast %mul3A_564 : vector<16xf32> to vector<1x16xf32>
        tpu.vector_store %arg9[%swap3A_565, %swap3A_566], %swap3A_569 {strides = array<i32>} : memref<320x64xf32, #tpu.memory_space<vmem>>, vector<1x16xf32>,
        %get3A_570 = arith.index_cast %add3A_549 : i32 to index
        %get3A_571 = arith.constant 32 : index
        %get3A_572 = tpu.vector_load %arg7[%get3A_570, %get3A_571] {strides = array<i32>} : memref<320x64xf32, #tpu.memory_space<vmem>>, vector<1x16xf32>,
        %get3A_573 = vector.shape_cast %get3A_572 : vector<1x16xf32> to vector<16xf32>
        %mul3A_574 = arith.mulf %get3A_573, %gather3A_545 : vector<16xf32>
        %swap3A_575 = arith.index_cast %add3A_549 : i32 to index
        %swap3A_576 = arith.constant 32 : index
        %swap3A_577 = tpu.vector_load %arg9[%swap3A_575, %swap3A_576] {strides = array<i32>} : memref<320x64xf32, #tpu.memory_space<vmem>>, vector<1x16xf32>,
        %swap3A_578 = vector.shape_cast %swap3A_577 : vector<1x16xf32> to vector<16xf32>
        %swap3A_579 = vector.shape_cast %mul3A_574 : vector<16xf32> to vector<1x16xf32>
        tpu.vector_store %arg9[%swap3A_575, %swap3A_576], %swap3A_579 {strides = array<i32>} : memref<320x64xf32, #tpu.memory_space<vmem>>, vector<1x16xf32>,
        %get3A_580 = arith.index_cast %add3A_549 : i32 to index
        %get3A_581 = arith.constant 48 : index
        %get3A_582 = tpu.vector_load %arg7[%get3A_580, %get3A_581] {strides = array<i32>} : memref<320x64xf32, #tpu.memory_space<vmem>>, vector<1x16xf32>,
        %get3A_583 = vector.shape_cast %get3A_582 : vector<1x16xf32> to vector<16xf32>
        %mul3A_584 = arith.mulf %get3A_583, %gather3A_545 : vector<16xf32>
        %swap3A_585 = arith.index_cast %add3A_549 : i32 to index
        %swap3A_586 = arith.constant 48 : index
        %swap3A_587 = tpu.vector_load %arg9[%swap3A_585, %swap3A_586] {strides = array<i32>} : memref<320x64xf32, #tpu.memory_space<vmem>>, vector<1x16xf32>,
        %swap3A_588 = vector.shape_cast %swap3A_587 : vector<1x16xf32> to vector<16xf32>
        %swap3A_589 = vector.shape_cast %mul3A_584 : vector<16xf32> to vector<1x16xf32>
        tpu.vector_store %arg9[%swap3A_585, %swap3A_586], %swap3A_589 {strides = array<i32>} : memref<320x64xf32, #tpu.memory_space<vmem>>, vector<1x16xf32>,
        %broadcast_in_dim3A_590 = arith.constant 10 : i32
        %broadcast_in_dim3A_591 = vector.broadcast %broadcast_in_dim3A_590 : i32 to vector<16x1xi32>
        %gather3A_592 = vector.shape_cast %broadcast_in_dim3A_591 : vector<16x1xi32> to vector<16xi32>
        %gather3A_593 = tpu.dynamic_gather %mul3A_112[%gather3A_592] in [0] : vector<16xf32>, vector<16xi32> -> vector<16xf32>
        %mul3A_594 = arith.constant 16 : i32
        %mul3A_595 = arith.muli %scan3A_99, %mul3A_594 : i32
        %add3A_596 = arith.constant 10 : i32
        %add3A_597 = arith.addi %mul3A_595, %add3A_596 : i32
        %get3A_598 = arith.index_cast %add3A_597 : i32 to index
        %get3A_599 = arith.constant 0 : index
        %get3A_600 = tpu.vector_load %arg7[%get3A_598, %get3A_599] {strides = array<i32>} : memref<320x64xf32, #tpu.memory_space<vmem>>, vector<1x16xf32>,
        %get3A_601 = vector.shape_cast %get3A_600 : vector<1x16xf32> to vector<16xf32>
        %mul3A_602 = arith.mulf %get3A_601, %gather3A_593 : vector<16xf32>
        %swap3A_603 = arith.index_cast %add3A_597 : i32 to index
        %swap3A_604 = arith.constant 0 : index
        %swap3A_605 = tpu.vector_load %arg9[%swap3A_603, %swap3A_604] {strides = array<i32>} : memref<320x64xf32, #tpu.memory_space<vmem>>, vector<1x16xf32>,
        %swap3A_606 = vector.shape_cast %swap3A_605 : vector<1x16xf32> to vector<16xf32>
        %swap3A_607 = vector.shape_cast %mul3A_602 : vector<16xf32> to vector<1x16xf32>
        tpu.vector_store %arg9[%swap3A_603, %swap3A_604], %swap3A_607 {strides = array<i32>} : memref<320x64xf32, #tpu.memory_space<vmem>>, vector<1x16xf32>,
        %get3A_608 = arith.index_cast %add3A_597 : i32 to index
        %get3A_609 = arith.constant 16 : index
        %get3A_610 = tpu.vector_load %arg7[%get3A_608, %get3A_609] {strides = array<i32>} : memref<320x64xf32, #tpu.memory_space<vmem>>, vector<1x16xf32>,
        %get3A_611 = vector.shape_cast %get3A_610 : vector<1x16xf32> to vector<16xf32>
        %mul3A_612 = arith.mulf %get3A_611, %gather3A_593 : vector<16xf32>
        %swap3A_613 = arith.index_cast %add3A_597 : i32 to index
        %swap3A_614 = arith.constant 16 : index
        %swap3A_615 = tpu.vector_load %arg9[%swap3A_613, %swap3A_614] {strides = array<i32>} : memref<320x64xf32, #tpu.memory_space<vmem>>, vector<1x16xf32>,
        %swap3A_616 = vector.shape_cast %swap3A_615 : vector<1x16xf32> to vector<16xf32>
        %swap3A_617 = vector.shape_cast %mul3A_612 : vector<16xf32> to vector<1x16xf32>
        tpu.vector_store %arg9[%swap3A_613, %swap3A_614], %swap3A_617 {strides = array<i32>} : memref<320x64xf32, #tpu.memory_space<vmem>>, vector<1x16xf32>,
        %get3A_618 = arith.index_cast %add3A_597 : i32 to index
        %get3A_619 = arith.constant 32 : index
        %get3A_620 = tpu.vector_load %arg7[%get3A_618, %get3A_619] {strides = array<i32>} : memref<320x64xf32, #tpu.memory_space<vmem>>, vector<1x16xf32>,
        %get3A_621 = vector.shape_cast %get3A_620 : vector<1x16xf32> to vector<16xf32>
        %mul3A_622 = arith.mulf %get3A_621, %gather3A_593 : vector<16xf32>
        %swap3A_623 = arith.index_cast %add3A_597 : i32 to index
        %swap3A_624 = arith.constant 32 : index
        %swap3A_625 = tpu.vector_load %arg9[%swap3A_623, %swap3A_624] {strides = array<i32>} : memref<320x64xf32, #tpu.memory_space<vmem>>, vector<1x16xf32>,
        %swap3A_626 = vector.shape_cast %swap3A_625 : vector<1x16xf32> to vector<16xf32>
        %swap3A_627 = vector.shape_cast %mul3A_622 : vector<16xf32> to vector<1x16xf32>
        tpu.vector_store %arg9[%swap3A_623, %swap3A_624], %swap3A_627 {strides = array<i32>} : memref<320x64xf32, #tpu.memory_space<vmem>>, vector<1x16xf32>,
        %get3A_628 = arith.index_cast %add3A_597 : i32 to index
        %get3A_629 = arith.constant 48 : index
        %get3A_630 = tpu.vector_load %arg7[%get3A_628, %get3A_629] {strides = array<i32>} : memref<320x64xf32, #tpu.memory_space<vmem>>, vector<1x16xf32>,
        %get3A_631 = vector.shape_cast %get3A_630 : vector<1x16xf32> to vector<16xf32>
        %mul3A_632 = arith.mulf %get3A_631, %gather3A_593 : vector<16xf32>
        %swap3A_633 = arith.index_cast %add3A_597 : i32 to index
        %swap3A_634 = arith.constant 48 : index
        %swap3A_635 = tpu.vector_load %arg9[%swap3A_633, %swap3A_634] {strides = array<i32>} : memref<320x64xf32, #tpu.memory_space<vmem>>, vector<1x16xf32>,
        %swap3A_636 = vector.shape_cast %swap3A_635 : vector<1x16xf32> to vector<16xf32>
        %swap3A_637 = vector.shape_cast %mul3A_632 : vector<16xf32> to vector<1x16xf32>
        tpu.vector_store %arg9[%swap3A_633, %swap3A_634], %swap3A_637 {strides = array<i32>} : memref<320x64xf32, #tpu.memory_space<vmem>>, vector<1x16xf32>,
        %broadcast_in_dim3A_638 = arith.constant 11 : i32
        %broadcast_in_dim3A_639 = vector.broadcast %broadcast_in_dim3A_638 : i32 to vector<16x1xi32>
        %gather3A_640 = vector.shape_cast %broadcast_in_dim3A_639 : vector<16x1xi32> to vector<16xi32>
        %gather3A_641 = tpu.dynamic_gather %mul3A_112[%gather3A_640] in [0] : vector<16xf32>, vector<16xi32> -> vector<16xf32>
        %mul3A_642 = arith.constant 16 : i32
        %mul3A_643 = arith.muli %scan3A_99, %mul3A_642 : i32
        %add3A_644 = arith.constant 11 : i32
        %add3A_645 = arith.addi %mul3A_643, %add3A_644 : i32
        %get3A_646 = arith.index_cast %add3A_645 : i32 to index
        %get3A_647 = arith.constant 0 : index
        %get3A_648 = tpu.vector_load %arg7[%get3A_646, %get3A_647] {strides = array<i32>} : memref<320x64xf32, #tpu.memory_space<vmem>>, vector<1x16xf32>,
        %get3A_649 = vector.shape_cast %get3A_648 : vector<1x16xf32> to vector<16xf32>
        %mul3A_650 = arith.mulf %get3A_649, %gather3A_641 : vector<16xf32>
        %swap3A_651 = arith.index_cast %add3A_645 : i32 to index
        %swap3A_652 = arith.constant 0 : index
        %swap3A_653 = tpu.vector_load %arg9[%swap3A_651, %swap3A_652] {strides = array<i32>} : memref<320x64xf32, #tpu.memory_space<vmem>>, vector<1x16xf32>,
        %swap3A_654 = vector.shape_cast %swap3A_653 : vector<1x16xf32> to vector<16xf32>
        %swap3A_655 = vector.shape_cast %mul3A_650 : vector<16xf32> to vector<1x16xf32>
        tpu.vector_store %arg9[%swap3A_651, %swap3A_652], %swap3A_655 {strides = array<i32>} : memref<320x64xf32, #tpu.memory_space<vmem>>, vector<1x16xf32>,
        %get3A_656 = arith.index_cast %add3A_645 : i32 to index
        %get3A_657 = arith.constant 16 : index
        %get3A_658 = tpu.vector_load %arg7[%get3A_656, %get3A_657] {strides = array<i32>} : memref<320x64xf32, #tpu.memory_space<vmem>>, vector<1x16xf32>,
        %get3A_659 = vector.shape_cast %get3A_658 : vector<1x16xf32> to vector<16xf32>
        %mul3A_660 = arith.mulf %get3A_659, %gather3A_641 : vector<16xf32>
        %swap3A_661 = arith.index_cast %add3A_645 : i32 to index
        %swap3A_662 = arith.constant 16 : index
        %swap3A_663 = tpu.vector_load %arg9[%swap3A_661, %swap3A_662] {strides = array<i32>} : memref<320x64xf32, #tpu.memory_space<vmem>>, vector<1x16xf32>,
        %swap3A_664 = vector.shape_cast %swap3A_663 : vector<1x16xf32> to vector<16xf32>
        %swap3A_665 = vector.shape_cast %mul3A_660 : vector<16xf32> to vector<1x16xf32>
        tpu.vector_store %arg9[%swap3A_661, %swap3A_662], %swap3A_665 {strides = array<i32>} : memref<320x64xf32, #tpu.memory_space<vmem>>, vector<1x16xf32>,
        %get3A_666 = arith.index_cast %add3A_645 : i32 to index
        %get3A_667 = arith.constant 32 : index
        %get3A_668 = tpu.vector_load %arg7[%get3A_666, %get3A_667] {strides = array<i32>} : memref<320x64xf32, #tpu.memory_space<vmem>>, vector<1x16xf32>,
        %get3A_669 = vector.shape_cast %get3A_668 : vector<1x16xf32> to vector<16xf32>
        %mul3A_670 = arith.mulf %get3A_669, %gather3A_641 : vector<16xf32>
        %swap3A_671 = arith.index_cast %add3A_645 : i32 to index
        %swap3A_672 = arith.constant 32 : index
        %swap3A_673 = tpu.vector_load %arg9[%swap3A_671, %swap3A_672] {strides = array<i32>} : memref<320x64xf32, #tpu.memory_space<vmem>>, vector<1x16xf32>,
        %swap3A_674 = vector.shape_cast %swap3A_673 : vector<1x16xf32> to vector<16xf32>
        %swap3A_675 = vector.shape_cast %mul3A_670 : vector<16xf32> to vector<1x16xf32>
        tpu.vector_store %arg9[%swap3A_671, %swap3A_672], %swap3A_675 {strides = array<i32>} : memref<320x64xf32, #tpu.memory_space<vmem>>, vector<1x16xf32>,
        %get3A_676 = arith.index_cast %add3A_645 : i32 to index
        %get3A_677 = arith.constant 48 : index
        %get3A_678 = tpu.vector_load %arg7[%get3A_676, %get3A_677] {strides = array<i32>} : memref<320x64xf32, #tpu.memory_space<vmem>>, vector<1x16xf32>,
        %get3A_679 = vector.shape_cast %get3A_678 : vector<1x16xf32> to vector<16xf32>
        %mul3A_680 = arith.mulf %get3A_679, %gather3A_641 : vector<16xf32>
        %swap3A_681 = arith.index_cast %add3A_645 : i32 to index
        %swap3A_682 = arith.constant 48 : index
        %swap3A_683 = tpu.vector_load %arg9[%swap3A_681, %swap3A_682] {strides = array<i32>} : memref<320x64xf32, #tpu.memory_space<vmem>>, vector<1x16xf32>,
        %swap3A_684 = vector.shape_cast %swap3A_683 : vector<1x16xf32> to vector<16xf32>
        %swap3A_685 = vector.shape_cast %mul3A_680 : vector<16xf32> to vector<1x16xf32>
        tpu.vector_store %arg9[%swap3A_681, %swap3A_682], %swap3A_685 {strides = array<i32>} : memref<320x64xf32, #tpu.memory_space<vmem>>, vector<1x16xf32>,
        %broadcast_in_dim3A_686 = arith.constant 12 : i32
        %broadcast_in_dim3A_687 = vector.broadcast %broadcast_in_dim3A_686 : i32 to vector<16x1xi32>
        %gather3A_688 = vector.shape_cast %broadcast_in_dim3A_687 : vector<16x1xi32> to vector<16xi32>
        %gather3A_689 = tpu.dynamic_gather %mul3A_112[%gather3A_688] in [0] : vector<16xf32>, vector<16xi32> -> vector<16xf32>
        %mul3A_690 = arith.constant 16 : i32
        %mul3A_691 = arith.muli %scan3A_99, %mul3A_690 : i32
        %add3A_692 = arith.constant 12 : i32
        %add3A_693 = arith.addi %mul3A_691, %add3A_692 : i32
        %get3A_694 = arith.index_cast %add3A_693 : i32 to index
        %get3A_695 = arith.constant 0 : index
        %get3A_696 = tpu.vector_load %arg7[%get3A_694, %get3A_695] {strides = array<i32>} : memref<320x64xf32, #tpu.memory_space<vmem>>, vector<1x16xf32>,
        %get3A_697 = vector.shape_cast %get3A_696 : vector<1x16xf32> to vector<16xf32>
        %mul3A_698 = arith.mulf %get3A_697, %gather3A_689 : vector<16xf32>
        %swap3A_699 = arith.index_cast %add3A_693 : i32 to index
        %swap3A_700 = arith.constant 0 : index
        %swap3A_701 = tpu.vector_load %arg9[%swap3A_699, %swap3A_700] {strides = array<i32>} : memref<320x64xf32, #tpu.memory_space<vmem>>, vector<1x16xf32>,
        %swap3A_702 = vector.shape_cast %swap3A_701 : vector<1x16xf32> to vector<16xf32>
        %swap3A_703 = vector.shape_cast %mul3A_698 : vector<16xf32> to vector<1x16xf32>
        tpu.vector_store %arg9[%swap3A_699, %swap3A_700], %swap3A_703 {strides = array<i32>} : memref<320x64xf32, #tpu.memory_space<vmem>>, vector<1x16xf32>,
        %get3A_704 = arith.index_cast %add3A_693 : i32 to index
        %get3A_705 = arith.constant 16 : index
        %get3A_706 = tpu.vector_load %arg7[%get3A_704, %get3A_705] {strides = array<i32>} : memref<320x64xf32, #tpu.memory_space<vmem>>, vector<1x16xf32>,
        %get3A_707 = vector.shape_cast %get3A_706 : vector<1x16xf32> to vector<16xf32>
        %mul3A_708 = arith.mulf %get3A_707, %gather3A_689 : vector<16xf32>
        %swap3A_709 = arith.index_cast %add3A_693 : i32 to index
        %swap3A_710 = arith.constant 16 : index
        %swap3A_711 = tpu.vector_load %arg9[%swap3A_709, %swap3A_710] {strides = array<i32>} : memref<320x64xf32, #tpu.memory_space<vmem>>, vector<1x16xf32>,
        %swap3A_712 = vector.shape_cast %swap3A_711 : vector<1x16xf32> to vector<16xf32>
        %swap3A_713 = vector.shape_cast %mul3A_708 : vector<16xf32> to vector<1x16xf32>
        tpu.vector_store %arg9[%swap3A_709, %swap3A_710], %swap3A_713 {strides = array<i32>} : memref<320x64xf32, #tpu.memory_space<vmem>>, vector<1x16xf32>,
        %get3A_714 = arith.index_cast %add3A_693 : i32 to index
        %get3A_715 = arith.constant 32 : index
        %get3A_716 = tpu.vector_load %arg7[%get3A_714, %get3A_715] {strides = array<i32>} : memref<320x64xf32, #tpu.memory_space<vmem>>, vector<1x16xf32>,
        %get3A_717 = vector.shape_cast %get3A_716 : vector<1x16xf32> to vector<16xf32>
        %mul3A_718 = arith.mulf %get3A_717, %gather3A_689 : vector<16xf32>
        %swap3A_719 = arith.index_cast %add3A_693 : i32 to index
        %swap3A_720 = arith.constant 32 : index
        %swap3A_721 = tpu.vector_load %arg9[%swap3A_719, %swap3A_720] {strides = array<i32>} : memref<320x64xf32, #tpu.memory_space<vmem>>, vector<1x16xf32>,
        %swap3A_722 = vector.shape_cast %swap3A_721 : vector<1x16xf32> to vector<16xf32>
        %swap3A_723 = vector.shape_cast %mul3A_718 : vector<16xf32> to vector<1x16xf32>
        tpu.vector_store %arg9[%swap3A_719, %swap3A_720], %swap3A_723 {strides = array<i32>} : memref<320x64xf32, #tpu.memory_space<vmem>>, vector<1x16xf32>,
        %get3A_724 = arith.index_cast %add3A_693 : i32 to index
        %get3A_725 = arith.constant 48 : index
        %get3A_726 = tpu.vector_load %arg7[%get3A_724, %get3A_725] {strides = array<i32>} : memref<320x64xf32, #tpu.memory_space<vmem>>, vector<1x16xf32>,
        %get3A_727 = vector.shape_cast %get3A_726 : vector<1x16xf32> to vector<16xf32>
        %mul3A_728 = arith.mulf %get3A_727, %gather3A_689 : vector<16xf32>
        %swap3A_729 = arith.index_cast %add3A_693 : i32 to index
        %swap3A_730 = arith.constant 48 : index
        %swap3A_731 = tpu.vector_load %arg9[%swap3A_729, %swap3A_730] {strides = array<i32>} : memref<320x64xf32, #tpu.memory_space<vmem>>, vector<1x16xf32>,
        %swap3A_732 = vector.shape_cast %swap3A_731 : vector<1x16xf32> to vector<16xf32>
        %swap3A_733 = vector.shape_cast %mul3A_728 : vector<16xf32> to vector<1x16xf32>
        tpu.vector_store %arg9[%swap3A_729, %swap3A_730], %swap3A_733 {strides = array<i32>} : memref<320x64xf32, #tpu.memory_space<vmem>>, vector<1x16xf32>,
        %broadcast_in_dim3A_734 = arith.constant 13 : i32
        %broadcast_in_dim3A_735 = vector.broadcast %broadcast_in_dim3A_734 : i32 to vector<16x1xi32>
        %gather3A_736 = vector.shape_cast %broadcast_in_dim3A_735 : vector<16x1xi32> to vector<16xi32>
        %gather3A_737 = tpu.dynamic_gather %mul3A_112[%gather3A_736] in [0] : vector<16xf32>, vector<16xi32> -> vector<16xf32>
        %mul3A_738 = arith.constant 16 : i32
        %mul3A_739 = arith.muli %scan3A_99, %mul3A_738 : i32
        %add3A_740 = arith.constant 13 : i32
        %add3A_741 = arith.addi %mul3A_739, %add3A_740 : i32
        %get3A_742 = arith.index_cast %add3A_741 : i32 to index
        %get3A_743 = arith.constant 0 : index
        %get3A_744 = tpu.vector_load %arg7[%get3A_742, %get3A_743] {strides = array<i32>} : memref<320x64xf32, #tpu.memory_space<vmem>>, vector<1x16xf32>,
        %get3A_745 = vector.shape_cast %get3A_744 : vector<1x16xf32> to vector<16xf32>
        %mul3A_746 = arith.mulf %get3A_745, %gather3A_737 : vector<16xf32>
        %swap3A_747 = arith.index_cast %add3A_741 : i32 to index
        %swap3A_748 = arith.constant 0 : index
        %swap3A_749 = tpu.vector_load %arg9[%swap3A_747, %swap3A_748] {strides = array<i32>} : memref<320x64xf32, #tpu.memory_space<vmem>>, vector<1x16xf32>,
        %swap3A_750 = vector.shape_cast %swap3A_749 : vector<1x16xf32> to vector<16xf32>
        %swap3A_751 = vector.shape_cast %mul3A_746 : vector<16xf32> to vector<1x16xf32>
        tpu.vector_store %arg9[%swap3A_747, %swap3A_748], %swap3A_751 {strides = array<i32>} : memref<320x64xf32, #tpu.memory_space<vmem>>, vector<1x16xf32>,
        %get3A_752 = arith.index_cast %add3A_741 : i32 to index
        %get3A_753 = arith.constant 16 : index
        %get3A_754 = tpu.vector_load %arg7[%get3A_752, %get3A_753] {strides = array<i32>} : memref<320x64xf32, #tpu.memory_space<vmem>>, vector<1x16xf32>,
        %get3A_755 = vector.shape_cast %get3A_754 : vector<1x16xf32> to vector<16xf32>
        %mul3A_756 = arith.mulf %get3A_755, %gather3A_737 : vector<16xf32>
        %swap3A_757 = arith.index_cast %add3A_741 : i32 to index
        %swap3A_758 = arith.constant 16 : index
        %swap3A_759 = tpu.vector_load %arg9[%swap3A_757, %swap3A_758] {strides = array<i32>} : memref<320x64xf32, #tpu.memory_space<vmem>>, vector<1x16xf32>,
        %swap3A_760 = vector.shape_cast %swap3A_759 : vector<1x16xf32> to vector<16xf32>
        %swap3A_761 = vector.shape_cast %mul3A_756 : vector<16xf32> to vector<1x16xf32>
        tpu.vector_store %arg9[%swap3A_757, %swap3A_758], %swap3A_761 {strides = array<i32>} : memref<320x64xf32, #tpu.memory_space<vmem>>, vector<1x16xf32>,
        %get3A_762 = arith.index_cast %add3A_741 : i32 to index
        %get3A_763 = arith.constant 32 : index
        %get3A_764 = tpu.vector_load %arg7[%get3A_762, %get3A_763] {strides = array<i32>} : memref<320x64xf32, #tpu.memory_space<vmem>>, vector<1x16xf32>,
        %get3A_765 = vector.shape_cast %get3A_764 : vector<1x16xf32> to vector<16xf32>
        %mul3A_766 = arith.mulf %get3A_765, %gather3A_737 : vector<16xf32>
        %swap3A_767 = arith.index_cast %add3A_741 : i32 to index
        %swap3A_768 = arith.constant 32 : index
        %swap3A_769 = tpu.vector_load %arg9[%swap3A_767, %swap3A_768] {strides = array<i32>} : memref<320x64xf32, #tpu.memory_space<vmem>>, vector<1x16xf32>,
        %swap3A_770 = vector.shape_cast %swap3A_769 : vector<1x16xf32> to vector<16xf32>
        %swap3A_771 = vector.shape_cast %mul3A_766 : vector<16xf32> to vector<1x16xf32>
        tpu.vector_store %arg9[%swap3A_767, %swap3A_768], %swap3A_771 {strides = array<i32>} : memref<320x64xf32, #tpu.memory_space<vmem>>, vector<1x16xf32>,
        %get3A_772 = arith.index_cast %add3A_741 : i32 to index
        %get3A_773 = arith.constant 48 : index
        %get3A_774 = tpu.vector_load %arg7[%get3A_772, %get3A_773] {strides = array<i32>} : memref<320x64xf32, #tpu.memory_space<vmem>>, vector<1x16xf32>,
        %get3A_775 = vector.shape_cast %get3A_774 : vector<1x16xf32> to vector<16xf32>
        %mul3A_776 = arith.mulf %get3A_775, %gather3A_737 : vector<16xf32>
        %swap3A_777 = arith.index_cast %add3A_741 : i32 to index
        %swap3A_778 = arith.constant 48 : index
        %swap3A_779 = tpu.vector_load %arg9[%swap3A_777, %swap3A_778] {strides = array<i32>} : memref<320x64xf32, #tpu.memory_space<vmem>>, vector<1x16xf32>,
        %swap3A_780 = vector.shape_cast %swap3A_779 : vector<1x16xf32> to vector<16xf32>
        %swap3A_781 = vector.shape_cast %mul3A_776 : vector<16xf32> to vector<1x16xf32>
        tpu.vector_store %arg9[%swap3A_777, %swap3A_778], %swap3A_781 {strides = array<i32>} : memref<320x64xf32, #tpu.memory_space<vmem>>, vector<1x16xf32>,
        %broadcast_in_dim3A_782 = arith.constant 14 : i32
        %broadcast_in_dim3A_783 = vector.broadcast %broadcast_in_dim3A_782 : i32 to vector<16x1xi32>
        %gather3A_784 = vector.shape_cast %broadcast_in_dim3A_783 : vector<16x1xi32> to vector<16xi32>
        %gather3A_785 = tpu.dynamic_gather %mul3A_112[%gather3A_784] in [0] : vector<16xf32>, vector<16xi32> -> vector<16xf32>
        %mul3A_786 = arith.constant 16 : i32
        %mul3A_787 = arith.muli %scan3A_99, %mul3A_786 : i32
        %add3A_788 = arith.constant 14 : i32
        %add3A_789 = arith.addi %mul3A_787, %add3A_788 : i32
        %get3A_790 = arith.index_cast %add3A_789 : i32 to index
        %get3A_791 = arith.constant 0 : index
        %get3A_792 = tpu.vector_load %arg7[%get3A_790, %get3A_791] {strides = array<i32>} : memref<320x64xf32, #tpu.memory_space<vmem>>, vector<1x16xf32>,
        %get3A_793 = vector.shape_cast %get3A_792 : vector<1x16xf32> to vector<16xf32>
        %mul3A_794 = arith.mulf %get3A_793, %gather3A_785 : vector<16xf32>
        %swap3A_795 = arith.index_cast %add3A_789 : i32 to index
        %swap3A_796 = arith.constant 0 : index
        %swap3A_797 = tpu.vector_load %arg9[%swap3A_795, %swap3A_796] {strides = array<i32>} : memref<320x64xf32, #tpu.memory_space<vmem>>, vector<1x16xf32>,
        %swap3A_798 = vector.shape_cast %swap3A_797 : vector<1x16xf32> to vector<16xf32>
        %swap3A_799 = vector.shape_cast %mul3A_794 : vector<16xf32> to vector<1x16xf32>
        tpu.vector_store %arg9[%swap3A_795, %swap3A_796], %swap3A_799 {strides = array<i32>} : memref<320x64xf32, #tpu.memory_space<vmem>>, vector<1x16xf32>,
        %get3A_800 = arith.index_cast %add3A_789 : i32 to index
        %get3A_801 = arith.constant 16 : index
        %get3A_802 = tpu.vector_load %arg7[%get3A_800, %get3A_801] {strides = array<i32>} : memref<320x64xf32, #tpu.memory_space<vmem>>, vector<1x16xf32>,
        %get3A_803 = vector.shape_cast %get3A_802 : vector<1x16xf32> to vector<16xf32>
        %mul3A_804 = arith.mulf %get3A_803, %gather3A_785 : vector<16xf32>
        %swap3A_805 = arith.index_cast %add3A_789 : i32 to index
        %swap3A_806 = arith.constant 16 : index
        %swap3A_807 = tpu.vector_load %arg9[%swap3A_805, %swap3A_806] {strides = array<i32>} : memref<320x64xf32, #tpu.memory_space<vmem>>, vector<1x16xf32>,
        %swap3A_808 = vector.shape_cast %swap3A_807 : vector<1x16xf32> to vector<16xf32>
        %swap3A_809 = vector.shape_cast %mul3A_804 : vector<16xf32> to vector<1x16xf32>
        tpu.vector_store %arg9[%swap3A_805, %swap3A_806], %swap3A_809 {strides = array<i32>} : memref<320x64xf32, #tpu.memory_space<vmem>>, vector<1x16xf32>,
        %get3A_810 = arith.index_cast %add3A_789 : i32 to index
        %get3A_811 = arith.constant 32 : index
        %get3A_812 = tpu.vector_load %arg7[%get3A_810, %get3A_811] {strides = array<i32>} : memref<320x64xf32, #tpu.memory_space<vmem>>, vector<1x16xf32>,
        %get3A_813 = vector.shape_cast %get3A_812 : vector<1x16xf32> to vector<16xf32>
        %mul3A_814 = arith.mulf %get3A_813, %gather3A_785 : vector<16xf32>
        %swap3A_815 = arith.index_cast %add3A_789 : i32 to index
        %swap3A_816 = arith.constant 32 : index
        %swap3A_817 = tpu.vector_load %arg9[%swap3A_815, %swap3A_816] {strides = array<i32>} : memref<320x64xf32, #tpu.memory_space<vmem>>, vector<1x16xf32>,
        %swap3A_818 = vector.shape_cast %swap3A_817 : vector<1x16xf32> to vector<16xf32>
        %swap3A_819 = vector.shape_cast %mul3A_814 : vector<16xf32> to vector<1x16xf32>
        tpu.vector_store %arg9[%swap3A_815, %swap3A_816], %swap3A_819 {strides = array<i32>} : memref<320x64xf32, #tpu.memory_space<vmem>>, vector<1x16xf32>,
        %get3A_820 = arith.index_cast %add3A_789 : i32 to index
        %get3A_821 = arith.constant 48 : index
        %get3A_822 = tpu.vector_load %arg7[%get3A_820, %get3A_821] {strides = array<i32>} : memref<320x64xf32, #tpu.memory_space<vmem>>, vector<1x16xf32>,
        %get3A_823 = vector.shape_cast %get3A_822 : vector<1x16xf32> to vector<16xf32>
        %mul3A_824 = arith.mulf %get3A_823, %gather3A_785 : vector<16xf32>
        %swap3A_825 = arith.index_cast %add3A_789 : i32 to index
        %swap3A_826 = arith.constant 48 : index
        %swap3A_827 = tpu.vector_load %arg9[%swap3A_825, %swap3A_826] {strides = array<i32>} : memref<320x64xf32, #tpu.memory_space<vmem>>, vector<1x16xf32>,
        %swap3A_828 = vector.shape_cast %swap3A_827 : vector<1x16xf32> to vector<16xf32>
        %swap3A_829 = vector.shape_cast %mul3A_824 : vector<16xf32> to vector<1x16xf32>
        tpu.vector_store %arg9[%swap3A_825, %swap3A_826], %swap3A_829 {strides = array<i32>} : memref<320x64xf32, #tpu.memory_space<vmem>>, vector<1x16xf32>,
        %broadcast_in_dim3A_830 = arith.constant 15 : i32
        %broadcast_in_dim3A_831 = vector.broadcast %broadcast_in_dim3A_830 : i32 to vector<16x1xi32>
        %gather3A_832 = vector.shape_cast %broadcast_in_dim3A_831 : vector<16x1xi32> to vector<16xi32>
        %gather3A_833 = tpu.dynamic_gather %mul3A_112[%gather3A_832] in [0] : vector<16xf32>, vector<16xi32> -> vector<16xf32>
        %mul3A_834 = arith.constant 16 : i32
        %mul3A_835 = arith.muli %scan3A_99, %mul3A_834 : i32
        %add3A_836 = arith.constant 15 : i32
        %add3A_837 = arith.addi %mul3A_835, %add3A_836 : i32
        %get3A_838 = arith.index_cast %add3A_837 : i32 to index
        %get3A_839 = arith.constant 0 : index
        %get3A_840 = tpu.vector_load %arg7[%get3A_838, %get3A_839] {strides = array<i32>} : memref<320x64xf32, #tpu.memory_space<vmem>>, vector<1x16xf32>,
        %get3A_841 = vector.shape_cast %get3A_840 : vector<1x16xf32> to vector<16xf32>
        %mul3A_842 = arith.mulf %get3A_841, %gather3A_833 : vector<16xf32>
        %swap3A_843 = arith.index_cast %add3A_837 : i32 to index
        %swap3A_844 = arith.constant 0 : index
        %swap3A_845 = tpu.vector_load %arg9[%swap3A_843, %swap3A_844] {strides = array<i32>} : memref<320x64xf32, #tpu.memory_space<vmem>>, vector<1x16xf32>,
        %swap3A_846 = vector.shape_cast %swap3A_845 : vector<1x16xf32> to vector<16xf32>
        %swap3A_847 = vector.shape_cast %mul3A_842 : vector<16xf32> to vector<1x16xf32>
        tpu.vector_store %arg9[%swap3A_843, %swap3A_844], %swap3A_847 {strides = array<i32>} : memref<320x64xf32, #tpu.memory_space<vmem>>, vector<1x16xf32>,
        %get3A_848 = arith.index_cast %add3A_837 : i32 to index
        %get3A_849 = arith.constant 16 : index
        %get3A_850 = tpu.vector_load %arg7[%get3A_848, %get3A_849] {strides = array<i32>} : memref<320x64xf32, #tpu.memory_space<vmem>>, vector<1x16xf32>,
        %get3A_851 = vector.shape_cast %get3A_850 : vector<1x16xf32> to vector<16xf32>
        %mul3A_852 = arith.mulf %get3A_851, %gather3A_833 : vector<16xf32>
        %swap3A_853 = arith.index_cast %add3A_837 : i32 to index
        %swap3A_854 = arith.constant 16 : index
        %swap3A_855 = tpu.vector_load %arg9[%swap3A_853, %swap3A_854] {strides = array<i32>} : memref<320x64xf32, #tpu.memory_space<vmem>>, vector<1x16xf32>,
        %swap3A_856 = vector.shape_cast %swap3A_855 : vector<1x16xf32> to vector<16xf32>
        %swap3A_857 = vector.shape_cast %mul3A_852 : vector<16xf32> to vector<1x16xf32>
        tpu.vector_store %arg9[%swap3A_853, %swap3A_854], %swap3A_857 {strides = array<i32>} : memref<320x64xf32, #tpu.memory_space<vmem>>, vector<1x16xf32>,
        %get3A_858 = arith.index_cast %add3A_837 : i32 to index
        %get3A_859 = arith.constant 32 : index
        %get3A_860 = tpu.vector_load %arg7[%get3A_858, %get3A_859] {strides = array<i32>} : memref<320x64xf32, #tpu.memory_space<vmem>>, vector<1x16xf32>,
        %get3A_861 = vector.shape_cast %get3A_860 : vector<1x16xf32> to vector<16xf32>
        %mul3A_862 = arith.mulf %get3A_861, %gather3A_833 : vector<16xf32>
        %swap3A_863 = arith.index_cast %add3A_837 : i32 to index
        %swap3A_864 = arith.constant 32 : index
        %swap3A_865 = tpu.vector_load %arg9[%swap3A_863, %swap3A_864] {strides = array<i32>} : memref<320x64xf32, #tpu.memory_space<vmem>>, vector<1x16xf32>,
        %swap3A_866 = vector.shape_cast %swap3A_865 : vector<1x16xf32> to vector<16xf32>
        %swap3A_867 = vector.shape_cast %mul3A_862 : vector<16xf32> to vector<1x16xf32>
        tpu.vector_store %arg9[%swap3A_863, %swap3A_864], %swap3A_867 {strides = array<i32>} : memref<320x64xf32, #tpu.memory_space<vmem>>, vector<1x16xf32>,
        %get3A_868 = arith.index_cast %add3A_837 : i32 to index
        %get3A_869 = arith.constant 48 : index
        %get3A_870 = tpu.vector_load %arg7[%get3A_868, %get3A_869] {strides = array<i32>} : memref<320x64xf32, #tpu.memory_space<vmem>>, vector<1x16xf32>,
        %get3A_871 = vector.shape_cast %get3A_870 : vector<1x16xf32> to vector<16xf32>
        %mul3A_872 = arith.mulf %get3A_871, %gather3A_833 : vector<16xf32>
        %swap3A_873 = arith.index_cast %add3A_837 : i32 to index
        %swap3A_874 = arith.constant 48 : index
        %swap3A_875 = tpu.vector_load %arg9[%swap3A_873, %swap3A_874] {strides = array<i32>} : memref<320x64xf32, #tpu.memory_space<vmem>>, vector<1x16xf32>,
        %swap3A_876 = vector.shape_cast %swap3A_875 : vector<1x16xf32> to vector<16xf32>
        %swap3A_877 = vector.shape_cast %mul3A_872 : vector<16xf32> to vector<1x16xf32>
        tpu.vector_store %arg9[%swap3A_873, %swap3A_874], %swap3A_877 {strides = array<i32>} : memref<320x64xf32, #tpu.memory_space<vmem>>, vector<1x16xf32>,
      }
      %scan3A_83 = arith.constant 20 : i32
      %mul3A_84 = arith.constant 320 : i32
      %mul3A_85 = arith.muli %add3A_66, %mul3A_84 : i32
      %add3A_86 = arith.addi %multiple_of3A, %mul3A_85 : i32
      %multiple_of3A_87 = tpu.assume_multiple %add3A_86, 64 : i32
      %dma_start3A_88 = arith.constant 0 : i32
      %dma_start3A_89 = tpu.memref_slice %arg4[%multiple_of3A_87, %dma_start3A_88] : memref<819200x64xf32, #tpu.memory_space<hbm>> -> memref<320x64xf32, #tpu.memory_space<hbm>>
      %dma_start3A_90 = arith.constant 0 : i32
      %dma_start3A_91 = tpu.memref_slice %arg4[%multiple_of3A_87, %dma_start3A_90] : memref<819200x64xf32, #tpu.memory_space<hbm>> -> memref<320x64xf32, #tpu.memory_space<hbm>>
      tpu.enqueue_dma source(%arg9 : memref<320x64xf32, #tpu.memory_space<vmem>>) target(%dma_start3A_91 : memref<320x64xf32, #tpu.memory_space<hbm>>) target_semaphore(%arg13 : memref<!tpu.dma_semaphore, #tpu.memory_space<semaphore_mem>>)
      %add3A_92 = arith.constant 2 : i32
      %add3A_93 = arith.addi %add3A_66, %add3A_92 : i32
      %lt3A_94 = arith.constant 80 : i32
      %lt3A_95 = arith.cmpi slt, %add3A_93, %lt3A_94 : i32
      %convert_element_type3A_96 = arith.extui %lt3A_95 : i1 to i32
      %cond3A_97 = arith.constant 0 : i32
      %cond3A_98 = arith.cmpi ne, %convert_element_type3A_96, %cond3A_97 : i32
      scf.if %cond3A_98 {
        %add3A_99 = arith.constant 2 : i32
        %add3A_100 = arith.addi %add3A_66, %add3A_99 : i32
        %mul3A_101 = arith.constant 320 : i32
        %mul3A_102 = arith.muli %add3A_100, %mul3A_101 : i32
        %dma_start3A_103 = tpu.memref_slice %arg5[%mul3A_102] : memref<25600xi32, #tpu.memory_space<vmem>> -> memref<320xi32, #tpu.memory_space<vmem>>
        %dma_start3A_104 = arith.constant 0 : i32
        %dma_start3A_105 = arith.constant 0 : i32
        %dma_start3A_106 = tpu.memref_slice %arg3[%dma_start3A_104, %dma_start3A_105] : memref<1000000x64xf32, #tpu.memory_space<hbm>> -> memref<1000000x64xf32, #tpu.memory_space<hbm>>
        tpu.enqueue_indirect_dma source(%dma_start3A_106 : memref<1000000x64xf32, #tpu.memory_space<hbm>>) target(%arg7 : memref<320x64xf32, #tpu.memory_space<vmem>>) offsets(%dma_start3A_103 : memref<320xi32, #tpu.memory_space<vmem>>) semaphore(%arg11 : memref<!tpu.dma_semaphore, #tpu.memory_space<semaphore_mem>>)
      } else {
      }
    }
    %scan3A_16 = arith.constant 40 : i32
    %add3A_17 = arith.constant 24960 : i32
    %add3A_18 = arith.addi %multiple_of3A, %add3A_17 : i32
    %multiple_of3A_19 = tpu.assume_multiple %add3A_18, 64 : i32
    %dma_wait3A = arith.constant 0 : i32
    %dma_wait3A_20 = tpu.memref_slice %arg4[%multiple_of3A_19, %dma_wait3A] : memref<819200x64xf32, #tpu.memory_space<hbm>> -> memref<320x64xf32, #tpu.memory_space<hbm>>
    %dma_wait3A_21 = arith.constant 0 : i32
    %dma_wait3A_22 = tpu.memref_slice %arg4[%multiple_of3A_19, %dma_wait3A_21] : memref<819200x64xf32, #tpu.memory_space<hbm>> -> memref<320x64xf32, #tpu.memory_space<hbm>>
    tpu.wait_dma2 semaphore(%arg12 : memref<!tpu.dma_semaphore, #tpu.memory_space<semaphore_mem>>) src(%arg8 : memref<320x64xf32, #tpu.memory_space<vmem>>) dst(%dma_wait3A_22 : memref<320x64xf32, #tpu.memory_space<hbm>>)
    %add3A_23 = arith.constant 25280 : i32
    %add3A_24 = arith.addi %multiple_of3A, %add3A_23 : i32
    %multiple_of3A_25 = tpu.assume_multiple %add3A_24, 64 : i32
    %dma_wait3A_26 = arith.constant 0 : i32
    %dma_wait3A_27 = tpu.memref_slice %arg4[%multiple_of3A_25, %dma_wait3A_26] : memref<819200x64xf32, #tpu.memory_space<hbm>> -> memref<320x64xf32, #tpu.memory_space<hbm>>
    %dma_wait3A_28 = arith.constant 0 : i32
    %dma_wait3A_29 = tpu.memref_slice %arg4[%multiple_of3A_25, %dma_wait3A_28] : memref<819200x64xf32, #tpu.memory_space<hbm>> -> memref<320x64xf32, #tpu.memory_space<hbm>>
    tpu.wait_dma2 semaphore(%arg13 : memref<!tpu.dma_semaphore, #tpu.memory_space<semaphore_mem>>) src(%arg9 : memref<320x64xf32, #tpu.memory_space<vmem>>) dst(%dma_wait3A_29 : memref<320x64xf32, #tpu.memory_space<hbm>>)
    return
  }
}

</mosaic_0001>

<sc_bundles>
// kernel: _run.3.cloned.1.call-start
scs
__scs_entry_jumppad:
0x0: {  	(pc) =	sbr.rel $0x88, $3  }
0x1: {  	(tag) =	ssettag $0x0;
	lr =	simm.s32 $0x1  }
0x2: {  	[smem:$0x3F9F] =	sst lr;
	_ =	strace $0xD0000000  }
0x3: {  	_ = 	snop  }
0x4: {  	_ = 	snop  }
0x5: {  	_ = 	snop  }
0x6: {  	_ = 	snop  }
0x7: {  	_ = 	snop  }
__scs_overlays_trampoline_lowered:
0x8: {  	[smem:$0x3FAE] =	sst s0  }
0x9: {  	[smem:$0x3FAF] =	sst s1  }
0xa: {  	[smem:$0x3FB0] =	sst s2  }
0xb: {  	[smem:$0x3FB1] =	sst s3  }
0xc: {  	[smem:$0x3FB2] =	sst s4  }
0xd: {  	[smem:$0x3FB3] =	sst s5  }
0xe: {  	[smem:$0x3FB4] =	sst s6  }
0xf: {  	[smem:$0x3FB5] =	sst s7  }
0x10: {  	[smem:$0x3FB6] =	sst s8  }
0x11: {  	[smem:$0x3FB7] =	sst s9;
	s0 =	simm.s32 @!p0 $0x0  }
0x12: {  	s1 =	sld [smem:$0x3F9D];
	s0 =	simm.s32 @p0 $0x1  }
0x13: {  	[smem:$0x3FB8] =	sst s0;
	s0 =	simm.s32 @!p1 $0x0  }
0x14: {  	s2 =	sld [smem:$0x3F9C];
	s0 =	simm.s32 @p1 $0x1  }
0x15: {  	[smem:$0x3FB9] =	sst s0;
	s0 =	simm.s32 @!p2 $0x0  }
0x16: {  	s3 =	sld [smem:$0x3FDB];
	s0 =	simm.s32 @p2 $0x1  }
0x17: {  	s4 =	simm.s32 $0x1BF5;
	[smem:$0x3FBB] =	sst s0  }
0x18: {  	s0 =	sld [smem:$0x3F9E];
	_ =	swait.ge [sflag:s4], $0x0  }
0x19: {  	s7 =	sld [smem:$0x3F9F]  }
0x1a: {  	s8 =	sadd.s32 $0xFFFFE003, lr  }
0x1b: {  	s9 =	sadd.s32 $0xFFFFFEF7, lr;
	s5 =	simm.s32 $0xFFFFFFFF;
	p2 =	slt.u32 s8, $0xFFFFF086  }
0x1c: {  	p1 =	slt.u32 s9, $0xF7A;
	s5 =	simm.s32 @!p2 $0x0  }
0x1d: {  	s5 =	simm.s32 @p1 $0x1;
	p0 =	seq.s32 s7, s2  }
0x1e: {  	s7 =	smul.u32 @!p0 $0xF7A, s2;
	p2 =	seq.s32 @!p0 s5, $0x0  }
0x1f: {  	s9 =	smul.u32 $0xF7A, s1;
	s8 =	simm.s32 @!p0 $0x1BF5;
	p2 =	por !p2, p0  }
0x20: {  	[sflag:s8] =	ssyncset.s32 @!p0 $0xFFFFF086;
	s6 =	sadd.s32 @!p0 s3, s7;
	s7 =	simm.s32 @!p0 $0x108  }
0x21: {  	s3 =	sadd.s32 s3, s9;
	s6 =	sadd.s32 @!p0 $0x88, s6;
	s7 =	simm.s32 @p2 $0x1082  }
0x22: {  	[simem:s7], [sflag:s8] =	dma.local @!p0 [hbm:s6], $0xF7A  }
0x23: {  	s9 =	sor.u32 $0xD0000000, s2;
	s6 =	simm.s32 $0x108;
	_ =	swait.ge @!p0 [sflag:s8], $0x0  }
0x24: {  	s3 =	sadd.s32 $0x88, s3;
	s6 =	simm.s32 @!p1 $0x1082;
	[sflag:s4] =	ssyncset.s32 $0xFFFFF086  }
0x25: {  	[simem:s6], [sflag:s4] =	dma.local [hbm:s3], $0xF7A  }
0x26: {  	[smem:$0x3F9F] =	sst s1;
	(tag) =	ssettag s2;
	_ =	strace s9  }
0x27: {  	s1 =	sld [smem:$0x3FAF]  }
0x28: {  	s2 =	sld [smem:$0x3FB0]  }
0x29: {  	s4 =	sld [smem:$0x3FB2]  }
0x2a: {  	p0 =	seq.s32 s5, $0x0;
	s5 =	sld [smem:$0x3FB3]  }
0x2b: {  	s6 =	sld [smem:$0x3FB4]  }
0x2c: {  	s7 =	sld [smem:$0x3FB5]  }
0x2d: {  	s3 =	simm.s32 $0x108;
	s8 =	sld [smem:$0x3FB6]  }
0x2e: {  	s3 =	simm.s32 @!p0 $0x1082;
	s9 =	sld [smem:$0x3FB7]  }
0x2f: {  	lr =	sadd.s32 s0, s3;
	s0 =	sld [smem:$0x3FAE]  }
0x30: {  	s3 =	sld [smem:$0x3FB1]  }
0x31: {  	[smem:$0x3FBA] =	sst s10  }
0x32: {  	s10 =	sld [smem:$0x3FB8];
	_ =	sdelay $0x3  }
0x33: {  	p0 =	seq.s32 s10, $0x1;
	s10 =	sld [smem:$0x3FBA];
	_ =	sdelay $0x3  }
0x34: {  	[smem:$0x3FBA] =	sst s10  }
0x35: {  	s10 =	sld [smem:$0x3FB9];
	_ =	sdelay $0x3  }
0x36: {  	p1 =	seq.s32 s10, $0x1;
	s10 =	sld [smem:$0x3FBA];
	_ =	sdelay $0x3  }
0x37: {  	[smem:$0x3FBA] =	sst s10  }
0x38: {  	s10 =	sld [smem:$0x3FBB]  }
0x39: {  	_ = 	snop;
	(pc) =	sbr.ind lr, $3  }
0x3a: {  	_ = 	snop  }
0x3b: {  	_ = 	snop  }
0x3c: {  	p2 =	seq.s32 s10, $0x1;
	s10 =	sld [smem:$0x3FBA]  }
0x3d: {  	_ =	shalt  }
0x3e: {  	_ =	shalt  }
0x3f: {  	_ =	shalt  }
0x40: {  	_ =	shalt  }
0x41: {  	_ =	shalt  }
0x42: {  	_ =	shalt  }
0x43: {  	_ =	shalt  }
0x44: {  	_ =	shalt  }
0x45: {  	_ =	shalt  }
0x46: {  	_ =	shalt  }
0x47: {  	_ =	shalt  }
0x48: {  	_ =	shalt  }
0x49: {  	_ =	shalt  }
0x4a: {  	_ =	shalt  }
0x4b: {  	_ =	shalt  }
0x4c: {  	_ =	shalt  }
0x4d: {  	_ =	shalt  }
0x4e: {  	_ =	shalt  }
0x4f: {  	_ =	shalt  }
0x50: {  	_ =	shalt  }
0x51: {  	_ =	shalt  }
0x52: {  	_ =	shalt  }
0x53: {  	_ =	shalt  }
0x54: {  	_ =	shalt  }
0x55: {  	_ =	shalt  }
0x56: {  	_ =	shalt  }
0x57: {  	_ =	shalt  }
0x58: {  	_ =	shalt  }
0x59: {  	_ =	shalt  }
0x5a: {  	_ =	shalt  }
0x5b: {  	_ =	shalt  }
0x5c: {  	_ =	shalt  }
0x5d: {  	_ =	shalt  }
0x5e: {  	_ =	shalt  }
0x5f: {  	_ =	shalt  }
0x60: {  	_ =	shalt  }
0x61: {  	_ =	shalt  }
0x62: {  	_ =	shalt  }
0x63: {  	_ =	shalt  }
0x64: {  	_ =	shalt  }
0x65: {  	_ =	shalt  }
0x66: {  	_ =	shalt  }
0x67: {  	_ =	shalt  }
0x68: {  	_ =	shalt  }
0x69: {  	_ =	shalt  }
0x6a: {  	_ =	shalt  }
0x6b: {  	_ =	shalt  }
0x6c: {  	_ =	shalt  }
0x6d: {  	_ =	shalt  }
0x6e: {  	_ =	shalt  }
0x6f: {  	_ =	shalt  }
0x70: {  	_ =	shalt  }
0x71: {  	_ =	shalt  }
0x72: {  	_ =	shalt  }
0x73: {  	_ =	shalt  }
0x74: {  	_ =	shalt  }
0x75: {  	_ =	shalt  }
0x76: {  	_ =	shalt  }
0x77: {  	_ =	shalt  }
0x78: {  	_ =	shalt  }
0x79: {  	_ =	shalt  }
0x7a: {  	_ =	shalt  }
0x7b: {  	_ =	shalt  }
0x7c: {  	_ =	shalt  }
0x7d: {  	_ =	shalt  }
0x7e: {  	_ =	shalt  }
0x7f: {  	_ =	shalt  }
0x80: {  	_ =	shalt  }
0x81: {  	_ =	shalt  }
0x82: {  	_ =	shalt  }
0x83: {  	_ =	shalt  }
0x84: {  	_ =	shalt  }
0x85: {  	_ =	shalt  }
0x86: {  	_ =	shalt  }
0x87: {  	_ =	shalt  }
.Lfunc_end0:
.L_simem_size_0:
called_computation.1_lowered:
.L_overlay_start_0:
0x88: {  	s2 =	sld [smem:$0x3FD9]  }
0x89: {  	s3 =	sld [smem:$0x3FFE];
	_ =	sdelay $0x1  }
0x8a: {  	s1 =	srdreg.scid  }
0x8b: {  	s0 =	sand.u32 $0x1, s1  }
0x8c: {  	s17 =	sshll.u32 s0, $0xA;
	s2 =	sadd.s32 s3, s2  }
0x8d: {  	s2 =	sadd.s32 s2, s17  }
0x8e: {  	[smem:$0x3FC6] =	sst s2  }
0x8f: {  	_ = 	snop  }
0x90: {  	s2 =	sld [smem:$0x3FC9]  }
0x91: {  	s18 =	sld [smem:$0x3FD0];
	(tm) =	ssettm $0x1  }
0x92: {  	s4 =	sld [smem:$0x3FFB];
	_ =	sdelay $0x3  }
0x93: {  	_ =	strace s4  }
0x94: {  	s4 =	sld [smem:$0x3FFC];
	_ =	sdelay $0x3  }
0x95: {  	_ =	strace s4  }
0x96: {  	s4 =	sld [smem:$0x3FFD];
	_ =	sdelay $0x3  }
0x97: {  	_ =	strace s4  }
0x98: {  	_ =	strace $0x8FFFFFFF  }
0x99: {  	s19 =	sld [smem:$0x3FDB];
	_ =	sdelay $0x1  }
0x9a: {  	s5 =	simm.s32 $_scs_section_size  }
0x9b: {  	s6 =	simm.s32 $_size__tile_overlayer_lowered;
	s7 =	simm.s32 $_tile_overlayer_lowered  }
0x9c: {  	s22 =	simm.s32 $0x1BFF;
	s21 =	sshll.u32 s7, $0x1;
	s4 =	sadd.s32 s5, s19  }
0x9d: {  	s8 =	simm.s32 $0x0;
	s20 =	sshll.u32 s6, $0x1;
	s6 =	sadd.s32 s21, s4  }
0x9e: {  	[timem:s8], [sflag:s22] =	dma.local [hbm:s6], s20  }
0x9f: {  	_ =	swait.ge [sflag:s22], s20  }
0xa0: {  	s5 =	ssub.s32 $0x0, s20;
	[sflag:s22] =	ssyncset.done $0x0  }
0xa1: {  	[sflag:s22] =	ssyncadd.s32 s5;
	_ =	sdelay $0x1  }
0xa2: {  	s23 =	simm.s32 $0x1B8B  }
0xa3: {  	_ =	swait.ge [sflag:s23], $0x1  }
0xa4: {  	[sflag:s23] =	ssyncset.done $0x0  }
0xa5: {  	s25 =	simm.s32 $0x1B8E;
	s24 =	sld [smem:$0x3FFE];
	[sflag:s23] =	ssyncadd.s32 $0xFFFFFFFF  }
0xa6: {  	s26 =	simm.s32 $execute0_lowered;
	[smem:$0x3FD2] =	sst s25  }
0xa7: {  	s6 =	sshll.u32 s26, $0x1;
	_ =	strace $0x80000046;
	[dreg:$0x1] =	wrdreg $0xFFFFFFFF  }
0xa8: {  	s28 =	simm.s32 $_size_execute0_lowered;
	s4 =	sadd.s32 s4, s6;
	[dreg:$0x0] =	wrdreg $0x0  }
0xa9: {  	s6 =	sshll.u32 s28, $0x1;
	[dreg:$0x2] =	wrdreg s4  }
0xaa: {  	[dreg:$0x3] =	wrdreg s6  }
0xab: {  	[dreg:$0x4] =	wrdreg $0xC0  }
0xac: {  	_ =	task [dreg:s8], $0x5FFFF  }
0xad: {  	[dreg:$0x1] =	wrdreg $0xFFFFFFFF  }
0xae: {  	[dreg:$0x0] =	wrdreg $0x60  }
0xaf: {  	[dreg:$0x2] =	wrdreg s2  }
0xb0: {  	[dreg:$0x3] =	wrdreg s24  }
0xb1: {  	[dreg:$0x4] =	wrdreg s18  }
0xb2: {  	[dreg:$0x5] =	wrdreg $0x9  }
0xb3: {  	_ =	task.clear_ibuf [dreg:s8], $0x6FFFF;
	_ =	strace $0x90000046  }
0xb4: {  	s29 =	simm.s32 $0x9;
	_ =	strace $0x80000048  }
0xb5: {  	_ =	swait.ge [sflag:s29], $0x1  }
0xb6: {  	[sflag:s29] =	ssyncadd.s32 $0xFFFFFFFF  }
0xb7: {  	_ =	strace $0x90000048  }
0xb8: {  	_ =	sfence  }
0xb9: {  	s30 =	sld [smem:$0x0];
	_ =	sdelay $0x2  }
0xba: {  	s31 =	sshll.u32 s1, $0xD;
	s1 =	sshrl.u32 s1, $0x2  }
0xbb: {  	s3 =	sand.u32 $0x4000, s31;
	s1 =	sadd.s32 s1, s30  }
0xbc: {  	s0 =	sor.u32 s3, s0;
	s1 =	sshll.u32 s1, $0x11  }
0xbd: {  	s0 =	sor.u32 s1, s0  }
0xbe: {  	s0 =	sadd.s32 $0x8F2B, s0  }
0xbf: {  	[sflag:s0] =	ssyncadd.remote.s32 $0x1  }
0xc0: {  	_ =	sfence.sel $0xFFFF  }
0xc1: {  	[dreg:$0x0] =	wrdreg $0xFFFFFFFF;
	(pc) =	sbr.abs _section_cstart, $3  }
0xc2: {  	[dreg:$0x1] =	wrdreg $0xFFFFFFFF  }
0xc3: {  	_ =	task.clear_ibuf [dreg:s8], $0x2FFFF;
	_ =	strace $0x9FFFFFFF  }
0xc4: {  	(tm) =	ssettm $0x7FFFFFFF  }
0xc5: {  	_ =	shalt  }
tec
execute0_lowered:
.L_overlay_start_1:
0x0: {  	(tag) =	ssettag $0x1  }
0x1: {  	s6 =	rddreg [dreg:$0x0]  }
0x2: {  	s1 =	srdreg.scid;
	s5 =	rddreg [dreg:$0x1]  }
0x3: {  	s0 =	stileid.u32;
	s2 =	rddreg [dreg:$0x2]  }
0x4: {  	s3 =	simm.s32 $0x0;
	s10 =	simm.s32 $0xB400;
	s11 =	simm.s32 $0x1  }
0x5: {  	s12 =	simm.s32 $0x10400;
	s13 =	simm.s32 $0x2;
	s14 =	simm.s32 $0x15400  }
0x6: {  	s15 =	simm.s32 $0x3;
	s16 =	simm.s32 $0x4;
	s17 =	simm.s32 $0x140  }
0x7: {  	v0 =	vimm.s32 $0x1;
	s18 =	simm.s32 $0x0;
	s7 =	sand.u32 $0x1, s1;
	s31 =	sshll.u32 s0, $0x1  }
.Ltmp0:
0x8: {  	v1 =	vimm.s32 $0x0;
	v2 =	vimm.s32 $0x2;
	v3 =	vimm.s32 $0x3;
	s1 =	rddreg [dreg:$0x3];
	s4 =	sor.u32 s7, s31;
	(pc) =	sbr.rel .LBB2_1-.Ltmp0, $4  }
0x9: {  	v4 =	vimm.s32 $0x4;
	v5 =	vimm.s32 $0x5;
	v6 =	vimm.s32 $0x6;
	[smem:$0x7FF] =	sst s3;
	s7 =	ssub.s32 $0x2, s7;
	s4 =	smul.u32 $0x6400, s4  }
0xa: {  	v7 =	vimm.s32 $0x7;
	v8 =	vimm.s32 $0x8;
	v9 =	vimm.s32 $0x9;
	s5 =	sadd.s32 $0xF42C00, s5;
	_ =	strace $0x80000047;
	s8 =	sshrl.u32 s7, $0x1  }
0xb: {  	v10 =	vimm.s32 $0xA;
	v11 =	vimm.s32 $0xB;
	v12 =	vimm.s32 $0xC;
	s7 =	ssub.s32 s7, s8;
	s8 =	simm.s32 $0x5;
	s9 =	sshrl.u32 s4, $0x3  }
0xc: {  	v13 =	vimm.s32 $0xD;
	v14 =	vimm.s32 $0xE;
	v15 =	vimm.s32 $0xF;
	s7 =	smax.u32 s7, $0x1;
	s6 =	sadd.s32 s6, s9;
	s9 =	simm.s32 $0x6400  }
.LBB2_8:
0xd: {  	s18 =	sadd.s32 $0x1, s18  }
0xe: {  	_ =	swait.ge [sflag:s15], $0x5000;
	p0 =	sne.s32 s18, s7  }
.Ltmp1:
0xf: {  	[sflag:s15] =	ssyncset.done $0x0;
	(pc) =	sbr.rel @!p0 .LBB2_9-.Ltmp1, $4  }
0x10: {  	[sflag:s15] =	ssyncadd.s32 $0xFFFFB000  }
0x11: {  	_ =	swait.ge [sflag:s16], $0x5000  }
0x12: {  	[sflag:s16] =	ssyncset.done $0x0  }
0x13: {  	[sflag:s16] =	ssyncadd.s32 $0xFFFFB000  }
.LBB2_1:
0x14: {  	[tilespmem:s3], [sflag:$0x5] =	stream.linear.gather [hbm4b:s6+s3], $0x6400, $0x38;
	[tilespmem:$0x1A400] =	vst v63  }
0x15: {  	_ =	swait.ge [sflag:s8], $0x6400  }
0x16: {  	[sflag:s8] =	ssyncset.done $0x0  }
0x17: {  	[sflag:s8] =	ssyncadd.s32 $0xFFFF9C00  }
0x18: {  	[tilespmem:s9], [sflag:$0x1] =	stream.indirect.gather [hbm4b:s5+s17], $0x40, s3, s17, $0xb8;
	[tilespmem:$0x1A400] =	vst v63  }
0x19: {  	s19 =	simm.s32 $0x140;
	s20 =	simm.s32 $0x0;
	s21 =	simm.s32 $0x0  }
0x1a: {  	[tilespmem:s10], [sflag:$0x2] =	stream.indirect.gather [hbm4b:s5+s17], $0x40, s17, s17, $0xb8;
	[tilespmem:$0x1A400] =	vst v63  }
.LBB2_2:
0x1b: {  	_ =	swait.ge [sflag:s11], $0x5000  }
0x1c: {  	p0 =	seq.s32 s21, $0x0;
	[sflag:s11] =	ssyncset.done $0x0  }
0x1d: {  	s22 =	simm.s32 @!p0 $0x3;
	[sflag:s11] =	ssyncadd.s32 $0xFFFFB000  }
0x1e: {  	_ =	swait.ge @!p0 [sflag:s22], $0x5000  }
0x1f: {  	[sflag:s22] =	ssyncset.done @!p0 $0x0  }
0x20: {  	s24 =	simm.s32 $0x3F0;
	[sflag:s22] =	ssyncadd.s32 @!p0 $0xFFFFB000  }
0x21: {  	v34 =	vld [tilespmem:s24+$0x6010]  }
0x22: {  	v35 =	vld [tilespmem:s24+$0x6020]  }
0x23: {  	v33 =	vld [tilespmem:s24+$0x6030]  }
0x24: {  	v32 =	vld [tilespmem:s24+$0x6040]  }
0x25: {  	v30 =	vld [tilespmem:s24+$0x6050]  }
0x26: {  	v31 =	vld [tilespmem:s24+$0x6060]  }
0x27: {  	v29 =	vld [tilespmem:s24+$0x6070]  }
0x28: {  	v28 =	vld [tilespmem:s24+$0x6080]  }
0x29: {  	v26 =	vld [tilespmem:s24+$0x6090]  }
0x2a: {  	v27 =	vld [tilespmem:s24+$0x60A0]  }
0x2b: {  	v25 =	vld [tilespmem:s24+$0x60B0]  }
0x2c: {  	v24 =	vld [tilespmem:s24+$0x60C0]  }
0x2d: {  	v22 =	vld [tilespmem:s24+$0x60D0]  }
0x2e: {  	v23 =	vld [tilespmem:s24+$0x60E0]  }
0x2f: {  	v20 =	vld [tilespmem:s24+$0x60F0]  }
0x30: {  	v21 =	vld [tilespmem:s24+$0x6100]  }
0x31: {  	v17 =	vld [tilespmem:s24+$0x6110]  }
0x32: {  	s31 =	smul.u32 $0xA00, s21;
	v18 =	vld [tilespmem:s24+$0x6120]  }
0x33: {  	s23 =	sshll.u32 s21, $0x1;
	v16 =	vld [tilespmem:s24+$0x6130]  }
0x34: {  	s25 =	simm.s32 $0x1FC0;
	s26 =	smov.u32 s20;
	s22 =	sshra.s32 s31, $0x2;
	v19 =	vld [tilespmem:s20+$0x0]  }
.LBB2_3:
0x35: {  	p1 =	sne.s32 s25, $0x13FC0;
	v36 =	vld [tilespmem:s24+$0x6140]  }
0x36: {  	v37 =	vld [tilespmem:s24+$0x6150]  }
0x37: {  	v38 =	vld [tilespmem:s24+$0x6160]  }
0x38: {  	v39 =	vld [tilespmem:s24+$0x6170]  }
0x39: {  	vm0 =	vlt.s32 v19, $0x1;
	v40 =	vld [tilespmem:s24+$0x6180]  }
0x3a: {  	v19 =	vnsel vm0, $0x1, v19;
	v41 =	vld [tilespmem:s24+$0x6190]  }
0x3b: {  	v19 =	vcvt.s32.f32 v19;
	v42 =	vld [tilespmem:s24+$0x61A0]  }
0x3c: {  	v43 =	vld [tilespmem:s24+$0x61B0]  }
0x3d: {  	v19 =	vmul.f32 $8.000000000e+00, v19;
	v44 =	vld [tilespmem:s24+$0x61C0]  }
0x3e: {  	v45 =	vld [tilespmem:s24+$0x61D0]  }
0x3f: {  	v46 =	vperm.xlane v19, v1;
	v47 =	vperm.xlane v19, v0;
	v48 =	vld [tilespmem:s24+$0x61E0]  }
0x40: {  	v49 =	vperm.xlane v19, v2;
	v50 =	vperm.xlane v19, v3;
	v51 =	vld [tilespmem:s24+$0x61F0]  }
0x41: {  	v34 =	vmul.f32 v34, v46;
	v35 =	vmul.f32 v35, v46;
	v52 =	vld [tilespmem:s24+$0x6200]  }
0x42: {  	v33 =	vmul.f32 v33, v46;
	v32 =	vmul.f32 v32, v46;
	v46 =	vld [tilespmem:s24+$0x6210]  }
0x43: {  	v30 =	vmul.f32 v30, v47;
	v31 =	vmul.f32 v31, v47;
	[tilespmem:s24+$0x10010] =	vst v34;
	v34 =	vld [tilespmem:s24+$0x6220]  }
0x44: {  	v29 =	vmul.f32 v29, v47;
	v28 =	vmul.f32 v28, v47;
	[tilespmem:s24+$0x10020] =	vst v35;
	v35 =	vld [tilespmem:s24+$0x6230]  }
0x45: {  	v26 =	vmul.f32 v26, v49;
	v27 =	vmul.f32 v27, v49;
	[tilespmem:s24+$0x10030] =	vst v33;
	v33 =	vld [tilespmem:s24+$0x6240]  }
0x46: {  	v25 =	vmul.f32 v25, v49;
	v24 =	vmul.f32 v24, v49;
	[tilespmem:s24+$0x10040] =	vst v32;
	v32 =	vld [tilespmem:s24+$0x6250]  }
0x47: {  	v22 =	vmul.f32 v22, v50;
	v23 =	vmul.f32 v23, v50;
	[tilespmem:s24+$0x10050] =	vst v30;
	v30 =	vld [tilespmem:s24+$0x6260]  }
0x48: {  	v20 =	vmul.f32 v20, v50;
	v21 =	vmul.f32 v21, v50;
	[tilespmem:s24+$0x10060] =	vst v31;
	v31 =	vld [tilespmem:s24+$0x6270]  }
0x49: {  	v47 =	vperm.xlane v19, v5;
	[tilespmem:s24+$0x10070] =	vst v29;
	v29 =	vperm.xlane v19, v4;
	v49 =	vld [tilespmem:s24+$0x6280]  }
0x4a: {  	v50 =	vperm.xlane v19, v7;
	[tilespmem:s24+$0x10080] =	vst v28;
	v28 =	vperm.xlane v19, v6;
	v53 =	vld [tilespmem:s24+$0x6290]  }
0x4b: {  	[tilespmem:s24+$0x10090] =	vst v26;
	v17 =	vmul.f32 v17, v29;
	v18 =	vmul.f32 v18, v29;
	v26 =	vld [tilespmem:s24+$0x62A0]  }
0x4c: {  	v16 =	vmul.f32 v16, v29;
	[tilespmem:s24+$0x100A0] =	vst v27;
	v27 =	vmul.f32 v36, v29;
	v29 =	vld [tilespmem:s24+$0x62B0]  }
0x4d: {  	v36 =	vmul.f32 v38, v47;
	[tilespmem:s24+$0x100B0] =	vst v25;
	v25 =	vmul.f32 v37, v47;
	v37 =	vld [tilespmem:s24+$0x62C0]  }
0x4e: {  	v38 =	vmul.f32 v40, v47;
	[tilespmem:s24+$0x100C0] =	vst v24;
	v24 =	vmul.f32 v39, v47;
	v39 =	vld [tilespmem:s24+$0x62D0]  }
0x4f: {  	v40 =	vmul.f32 v42, v28;
	[tilespmem:s24+$0x100D0] =	vst v22;
	v22 =	vmul.f32 v41, v28;
	v41 =	vld [tilespmem:s24+$0x62E0]  }
0x50: {  	[tilespmem:s24+$0x100E0] =	vst v23;
	v23 =	vmul.f32 v43, v28;
	v28 =	vmul.f32 v44, v28;
	v42 =	vld [tilespmem:s24+$0x62F0]  }
0x51: {  	v43 =	vmul.f32 v48, v50;
	[tilespmem:s24+$0x100F0] =	vst v20;
	v20 =	vmul.f32 v45, v50;
	v44 =	vld [tilespmem:s24+$0x6300]  }
0x52: {  	v45 =	vmul.f32 v52, v50;
	[tilespmem:s24+$0x10100] =	vst v21;
	v21 =	vmul.f32 v51, v50;
	v47 =	vld [tilespmem:s24+$0x6310]  }
0x53: {  	v48 =	vperm.xlane v19, v9;
	[tilespmem:s24+$0x10110] =	vst v17;
	v17 =	vperm.xlane v19, v8;
	v50 =	vld [tilespmem:s24+$0x6320]  }
0x54: {  	v51 =	vperm.xlane v19, v11;
	[tilespmem:s24+$0x10120] =	vst v18;
	v18 =	vperm.xlane v19, v10;
	v52 =	vld [tilespmem:s24+$0x6330]  }
0x55: {  	[tilespmem:s24+$0x10130] =	vst v16;
	v16 =	vmul.f32 v46, v17;
	v34 =	vmul.f32 v34, v17;
	v46 =	vld [tilespmem:s24+$0x6340]  }
0x56: {  	[tilespmem:s24+$0x10140] =	vst v27;
	v27 =	vmul.f32 v35, v17;
	v17 =	vmul.f32 v33, v17;
	v33 =	vld [tilespmem:s24+$0x6350]  }
0x57: {  	v30 =	vmul.f32 v30, v48;
	[tilespmem:s24+$0x10150] =	vst v25;
	v25 =	vmul.f32 v32, v48;
	v32 =	vld [tilespmem:s24+$0x6360]  }
0x58: {  	v31 =	vmul.f32 v31, v48;
	v35 =	vmul.f32 v49, v48;
	[tilespmem:s24+$0x10160] =	vst v36;
	v36 =	vld [tilespmem:s24+$0x6370]  }
0x59: {  	v26 =	vmul.f32 v26, v18;
	[tilespmem:s24+$0x10170] =	vst v24;
	v24 =	vmul.f32 v53, v18;
	v48 =	vld [tilespmem:s24+$0x6380]  }
0x5a: {  	v29 =	vmul.f32 v29, v18;
	v18 =	vmul.f32 v37, v18;
	[tilespmem:s24+$0x10180] =	vst v38;
	v37 =	vld [tilespmem:s24+$0x6390]  }
0x5b: {  	v38 =	vmul.f32 v41, v51;
	[tilespmem:s24+$0x10190] =	vst v22;
	v22 =	vmul.f32 v39, v51;
	v39 =	vld [tilespmem:s24+$0x63A0]  }
0x5c: {  	v41 =	vmul.f32 v44, v51;
	[tilespmem:s24+$0x101A0] =	vst v40;
	v40 =	vmul.f32 v42, v51;
	v42 =	vld [tilespmem:s24+$0x63B0]  }
0x5d: {  	v44 =	vperm.xlane v19, v13;
	[tilespmem:s24+$0x101B0] =	vst v23;
	v23 =	vperm.xlane v19, v12;
	v49 =	vld [tilespmem:s24+$0x63C0]  }
0x5e: {  	[tilespmem:s24+$0x101C0] =	vst v28;
	v28 =	vperm.xlane v19, v14;
	v19 =	vperm.xlane v19, v15;
	v51 =	vld [tilespmem:s24+$0x63D0]  }
0x5f: {  	[tilespmem:s24+$0x101D0] =	vst v20;
	v20 =	vmul.f32 v47, v23;
	v47 =	vmul.f32 v50, v23;
	v50 =	vld [tilespmem:s24+$0x63E0]  }
0x60: {  	[tilespmem:s24+$0x101E0] =	vst v43;
	v43 =	vmul.f32 v52, v23;
	v23 =	vmul.f32 v46, v23;
	v46 =	vld [tilespmem:s24+$0x63F0]  }
0x61: {  	v52 =	vmul.f32 v32, v44;
	[tilespmem:s24+$0x101F0] =	vst v21;
	v21 =	vmul.f32 v33, v44;
	v32 =	vld [tilespmem:s24+$0x6400]  }
0x62: {  	v36 =	vmul.f32 v36, v44;
	v44 =	vmul.f32 v48, v44;
	[tilespmem:s24+$0x10200] =	vst v45  }
0x63: {  	[tilespmem:s24+$0x10210] =	vst v16;
	v16 =	vmul.f32 v37, v28;
	v37 =	vmul.f32 v39, v28  }
0x64: {  	v39 =	vmul.f32 v42, v28;
	v42 =	vmul.f32 v49, v28;
	[tilespmem:s24+$0x10220] =	vst v34  }
0x65: {  	v45 =	vmul.f32 v51, v19;
	v48 =	vmul.f32 v50, v19;
	[tilespmem:s24+$0x10230] =	vst v27  }
0x66: {  	v46 =	vmul.f32 v46, v19;
	[tilespmem:s24+$0x10240] =	vst v17;
	v19 =	vmul.f32 v32, v19  }
0x67: {  	[tilespmem:s24+$0x10250] =	vst v25  }
0x68: {  	[tilespmem:s24+$0x10260] =	vst v30  }
0x69: {  	[tilespmem:s24+$0x10270] =	vst v31  }
0x6a: {  	[tilespmem:s24+$0x10280] =	vst v35  }
0x6b: {  	[tilespmem:s24+$0x10290] =	vst v24  }
0x6c: {  	[tilespmem:s24+$0x102A0] =	vst v26  }
0x6d: {  	[tilespmem:s24+$0x102B0] =	vst v29  }
0x6e: {  	[tilespmem:s24+$0x102C0] =	vst v18  }
0x6f: {  	s28 =	sshra.s32 s25, $0x2;
	[tilespmem:s24+$0x102D0] =	vst v22  }
0x70: {  	v34 =	vld [tilespmem:s28+$0x6010];
	[tilespmem:s24+$0x102E0] =	vst v38  }
0x71: {  	v35 =	vld [tilespmem:s28+$0x6020];
	[tilespmem:s24+$0x102F0] =	vst v40  }
0x72: {  	v33 =	vld [tilespmem:s28+$0x6030];
	[tilespmem:s24+$0x10300] =	vst v41  }
0x73: {  	v32 =	vld [tilespmem:s28+$0x6040];
	[tilespmem:s24+$0x10310] =	vst v20  }
0x74: {  	v30 =	vld [tilespmem:s28+$0x6050];
	[tilespmem:s24+$0x10320] =	vst v47  }
0x75: {  	v31 =	vld [tilespmem:s28+$0x6060];
	[tilespmem:s24+$0x10330] =	vst v43  }
0x76: {  	v29 =	vld [tilespmem:s28+$0x6070];
	[tilespmem:s24+$0x10340] =	vst v23  }
0x77: {  	v28 =	vld [tilespmem:s28+$0x6080];
	[tilespmem:s24+$0x10350] =	vst v21  }
0x78: {  	v26 =	vld [tilespmem:s28+$0x6090];
	[tilespmem:s24+$0x10360] =	vst v52  }
0x79: {  	v27 =	vld [tilespmem:s28+$0x60A0];
	[tilespmem:s24+$0x10370] =	vst v36  }
0x7a: {  	v25 =	vld [tilespmem:s28+$0x60B0];
	[tilespmem:s24+$0x10380] =	vst v44  }
0x7b: {  	v24 =	vld [tilespmem:s28+$0x60C0];
	[tilespmem:s24+$0x10390] =	vst v16  }
0x7c: {  	v22 =	vld [tilespmem:s28+$0x60D0];
	[tilespmem:s24+$0x103A0] =	vst v37  }
0x7d: {  	v23 =	vld [tilespmem:s28+$0x60E0];
	[tilespmem:s24+$0x103B0] =	vst v39  }
0x7e: {  	v20 =	vld [tilespmem:s28+$0x60F0];
	[tilespmem:s24+$0x103C0] =	vst v42  }
.Ltmp2:
0x7f: {  	v21 =	vld [tilespmem:s28+$0x6100];
	[tilespmem:s24+$0x103D0] =	vst v45;
	(pc) =	sbr.rel @p1 .LBB2_3-.Ltmp2, $4  }
0x80: {  	v17 =	vld [tilespmem:s28+$0x6110];
	[tilespmem:s24+$0x103E0] =	vst v48  }
0x81: {  	v18 =	vld [tilespmem:s28+$0x6120];
	[tilespmem:s24+$0x103F0] =	vst v46  }
0x82: {  	s26 =	sadd.s32 $0x10, s26;
	v16 =	vld [tilespmem:s28+$0x6130];
	[tilespmem:s24+$0x10400] =	vst v19;
	s24 =	smov.u32 s28  }
0x83: {  	s25 =	sadd.s32 $0x1000, s25;
	v19 =	vld [tilespmem:s26+$0x0]  }
0x84: {  	_ =	sdelay $0x3  }
0x85: {  	vm0 =	vlt.s32 v19, $0x1  }
0x86: {  	v19 =	vnsel vm0, $0x1, v19  }
0x87: {  	v19 =	vcvt.s32.f32 v19;
	_ =	sdelay $0x1  }
0x88: {  	v19 =	vmul.f32 $8.000000000e+00, v19;
	_ =	sdelay $0x1  }
0x89: {  	v46 =	vperm.xlane v19, v1;
	_ =	sdelay $0x1  }
0x8a: {  	v34 =	vmul.f32 v34, v46  }
0x8b: {  	v35 =	vmul.f32 v35, v46  }
0x8c: {  	v51 =	vperm.xlane v19, v0;
	v33 =	vmul.f32 v33, v46;
	[tilespmem:s24+$0x10010] =	vst v34  }
0x8d: {  	v32 =	vmul.f32 v32, v46;
	[tilespmem:s24+$0x10020] =	vst v35  }
0x8e: {  	v30 =	vmul.f32 v30, v51;
	[tilespmem:s24+$0x10030] =	vst v33  }
0x8f: {  	v31 =	vmul.f32 v31, v51;
	[tilespmem:s24+$0x10040] =	vst v32  }
0x90: {  	v58 =	vperm.xlane v19, v2;
	v29 =	vmul.f32 v29, v51;
	[tilespmem:s24+$0x10050] =	vst v30  }
0x91: {  	v28 =	vmul.f32 v28, v51;
	[tilespmem:s24+$0x10060] =	vst v31  }
0x92: {  	v26 =	vmul.f32 v26, v58;
	[tilespmem:s24+$0x10070] =	vst v29  }
0x93: {  	v27 =	vmul.f32 v27, v58;
	[tilespmem:s24+$0x10080] =	vst v28  }
0x94: {  	v59 =	vperm.xlane v19, v3;
	v25 =	vmul.f32 v25, v58;
	[tilespmem:s24+$0x10090] =	vst v26  }
0x95: {  	v24 =	vmul.f32 v24, v58;
	[tilespmem:s24+$0x100A0] =	vst v27  }
0x96: {  	v22 =	vmul.f32 v22, v59;
	[tilespmem:s24+$0x100B0] =	vst v25  }
0x97: {  	v23 =	vmul.f32 v23, v59;
	[tilespmem:s24+$0x100C0] =	vst v24  }
0x98: {  	v36 =	vld [tilespmem:s24+$0x6140];
	v60 =	vperm.xlane v19, v4;
	v20 =	vmul.f32 v20, v59;
	[tilespmem:s24+$0x100D0] =	vst v22  }
0x99: {  	v37 =	vld [tilespmem:s24+$0x6150];
	v21 =	vmul.f32 v21, v59;
	[tilespmem:s24+$0x100E0] =	vst v23  }
0x9a: {  	v38 =	vld [tilespmem:s24+$0x6160];
	v17 =	vmul.f32 v17, v60;
	[tilespmem:s24+$0x100F0] =	vst v20  }
0x9b: {  	v39 =	vld [tilespmem:s24+$0x6170];
	v18 =	vmul.f32 v18, v60;
	[tilespmem:s24+$0x10100] =	vst v21  }
0x9c: {  	v40 =	vld [tilespmem:s24+$0x6180];
	v61 =	vperm.xlane v19, v5;
	v16 =	vmul.f32 v16, v60;
	[tilespmem:s24+$0x10110] =	vst v17  }
0x9d: {  	v41 =	vld [tilespmem:s24+$0x6190];
	v36 =	vmul.f32 v36, v60;
	[tilespmem:s24+$0x10120] =	vst v18  }
0x9e: {  	v42 =	vld [tilespmem:s24+$0x61A0];
	v37 =	vmul.f32 v37, v61;
	[tilespmem:s24+$0x10130] =	vst v16  }
0x9f: {  	v43 =	vld [tilespmem:s24+$0x61B0];
	v38 =	vmul.f32 v38, v61;
	[tilespmem:s24+$0x10140] =	vst v36  }
0xa0: {  	v44 =	vld [tilespmem:s24+$0x61C0];
	v62 =	vperm.xlane v19, v6;
	v39 =	vmul.f32 v39, v61;
	[tilespmem:s24+$0x10150] =	vst v37  }
0xa1: {  	v45 =	vld [tilespmem:s24+$0x61D0];
	v40 =	vmul.f32 v40, v61;
	[tilespmem:s24+$0x10160] =	vst v38  }
0xa2: {  	v47 =	vld [tilespmem:s24+$0x61E0];
	v41 =	vmul.f32 v41, v62;
	[tilespmem:s24+$0x10170] =	vst v39  }
0xa3: {  	v48 =	vld [tilespmem:s24+$0x61F0];
	v42 =	vmul.f32 v42, v62;
	[tilespmem:s24+$0x10180] =	vst v40  }
0xa4: {  	v49 =	vld [tilespmem:s24+$0x6200];
	v63 =	vperm.xlane v19, v7;
	v43 =	vmul.f32 v43, v62;
	[tilespmem:s24+$0x10190] =	vst v41  }
0xa5: {  	v50 =	vld [tilespmem:s24+$0x6210];
	v44 =	vmul.f32 v44, v62;
	[tilespmem:s24+$0x101A0] =	vst v42  }
0xa6: {  	v45 =	vmul.f32 v45, v63;
	v34 =	vld [tilespmem:s24+$0x6220];
	[tilespmem:s24+$0x101B0] =	vst v43  }
0xa7: {  	v55 =	vmul.f32 v47, v63;
	v35 =	vld [tilespmem:s24+$0x6230];
	[tilespmem:s24+$0x101C0] =	vst v44  }
0xa8: {  	v57 =	vmul.f32 v48, v63;
	v58 =	vperm.xlane v19, v8;
	v33 =	vld [tilespmem:s24+$0x6240];
	[tilespmem:s24+$0x101D0] =	vst v45  }
0xa9: {  	v49 =	vmul.f32 v49, v63;
	v32 =	vld [tilespmem:s24+$0x6250];
	[tilespmem:s24+$0x101E0] =	vst v55  }
0xaa: {  	v30 =	vld [tilespmem:s24+$0x6260];
	[tilespmem:s24+$0x101F0] =	vst v57;
	v60 =	vmul.f32 v50, v58  }
0xab: {  	v31 =	vld [tilespmem:s24+$0x6270];
	[tilespmem:s24+$0x10200] =	vst v49;
	v34 =	vmul.f32 v34, v58  }
0xac: {  	v62 =	vperm.xlane v19, v9;
	v29 =	vld [tilespmem:s24+$0x6280];
	[tilespmem:s24+$0x10210] =	vst v60;
	v35 =	vmul.f32 v35, v58  }
0xad: {  	v28 =	vld [tilespmem:s24+$0x6290];
	v33 =	vmul.f32 v33, v58;
	[tilespmem:s24+$0x10220] =	vst v34  }
0xae: {  	v26 =	vld [tilespmem:s24+$0x62A0];
	v32 =	vmul.f32 v32, v62;
	[tilespmem:s24+$0x10230] =	vst v35  }
0xaf: {  	v27 =	vld [tilespmem:s24+$0x62B0];
	v30 =	vmul.f32 v30, v62;
	[tilespmem:s24+$0x10240] =	vst v33  }
0xb0: {  	v63 =	vperm.xlane v19, v10;
	v25 =	vld [tilespmem:s24+$0x62C0];
	v31 =	vmul.f32 v31, v62;
	[tilespmem:s24+$0x10250] =	vst v32  }
0xb1: {  	v24 =	vld [tilespmem:s24+$0x62D0];
	v29 =	vmul.f32 v29, v62;
	[tilespmem:s24+$0x10260] =	vst v30  }
0xb2: {  	v22 =	vld [tilespmem:s24+$0x62E0];
	v28 =	vmul.f32 v28, v63;
	[tilespmem:s24+$0x10270] =	vst v31  }
0xb3: {  	v23 =	vld [tilespmem:s24+$0x62F0];
	v26 =	vmul.f32 v26, v63;
	[tilespmem:s24+$0x10280] =	vst v29  }
0xb4: {  	v20 =	vld [tilespmem:s24+$0x6300];
	v27 =	vmul.f32 v27, v63;
	v29 =	vperm.xlane v19, v11;
	[tilespmem:s24+$0x10290] =	vst v28  }
0xb5: {  	v21 =	vld [tilespmem:s24+$0x6310];
	v25 =	vmul.f32 v25, v63;
	[tilespmem:s24+$0x102A0] =	vst v26  }
0xb6: {  	v17 =	vld [tilespmem:s24+$0x6320];
	[tilespmem:s24+$0x102B0] =	vst v27;
	v24 =	vmul.f32 v24, v29  }
0xb7: {  	v18 =	vld [tilespmem:s24+$0x6330];
	[tilespmem:s24+$0x102C0] =	vst v25;
	v22 =	vmul.f32 v22, v29  }
0xb8: {  	v16 =	vld [tilespmem:s24+$0x6340];
	v25 =	vperm.xlane v19, v12;
	v23 =	vmul.f32 v23, v29;
	[tilespmem:s24+$0x102D0] =	vst v24  }
0xb9: {  	v36 =	vld [tilespmem:s24+$0x6350];
	v20 =	vmul.f32 v20, v29;
	[tilespmem:s24+$0x102E0] =	vst v22  }
0xba: {  	v37 =	vld [tilespmem:s24+$0x6360];
	v21 =	vmul.f32 v21, v25;
	[tilespmem:s24+$0x102F0] =	vst v23  }
0xbb: {  	v38 =	vld [tilespmem:s24+$0x6370];
	v17 =	vmul.f32 v17, v25;
	[tilespmem:s24+$0x10300] =	vst v20  }
0xbc: {  	v39 =	vld [tilespmem:s24+$0x6380];
	v18 =	vmul.f32 v18, v25;
	v20 =	vperm.xlane v19, v13;
	[tilespmem:s24+$0x10310] =	vst v21  }
0xbd: {  	v40 =	vld [tilespmem:s24+$0x6390];
	v16 =	vmul.f32 v16, v25;
	[tilespmem:s24+$0x10320] =	vst v17  }
0xbe: {  	v41 =	vld [tilespmem:s24+$0x63A0];
	[tilespmem:s24+$0x10330] =	vst v18;
	v17 =	vmul.f32 v36, v20  }
0xbf: {  	v42 =	vld [tilespmem:s24+$0x63B0];
	[tilespmem:s24+$0x10340] =	vst v16;
	v18 =	vmul.f32 v37, v20  }
0xc0: {  	v53 =	vld [tilespmem:s24+$0x63C0];
	v16 =	vperm.xlane v19, v14;
	v21 =	vmul.f32 v38, v20;
	[tilespmem:s24+$0x10350] =	vst v17  }
0xc1: {  	v54 =	vld [tilespmem:s24+$0x63D0];
	v17 =	vmul.f32 v39, v20;
	[tilespmem:s24+$0x10360] =	vst v18  }
0xc2: {  	v56 =	vld [tilespmem:s24+$0x63E0];
	v18 =	vmul.f32 v40, v16;
	[tilespmem:s24+$0x10370] =	vst v21  }
0xc3: {  	v59 =	vld [tilespmem:s24+$0x63F0];
	v20 =	vmul.f32 v41, v16;
	[tilespmem:s24+$0x10380] =	vst v17  }
0xc4: {  	v61 =	vld [tilespmem:s24+$0x6400];
	v17 =	vperm.xlane v19, v15;
	v19 =	vmul.f32 v42, v16;
	[tilespmem:s24+$0x10390] =	vst v18  }
0xc5: {  	v16 =	vmul.f32 v53, v16;
	[tilespmem:s24+$0x103A0] =	vst v20  }
0xc6: {  	v18 =	vmul.f32 v54, v17;
	[tilespmem:s24+$0x103B0] =	vst v19  }
0xc7: {  	s25 =	smul.u32 $0x280, s21;
	v19 =	vmul.f32 v56, v17;
	[tilespmem:s24+$0x103C0] =	vst v16  }
0xc8: {  	v16 =	vmul.f32 v59, v17;
	[tilespmem:s24+$0x103D0] =	vst v18  }
0xc9: {  	s25 =	sadd.s32 s4, s25;
	v17 =	vmul.f32 v61, v17;
	[tilespmem:s24+$0x103E0] =	vst v19  }
0xca: {  	s25 =	sshll.u32 s25, $0x3;
	[tilespmem:s24+$0x103F0] =	vst v16  }
0xcb: {  	p1 =	seq.s32 s21, $0x27;
	s31 =	sadd.s32 s2, s25;
	[tilespmem:s24+$0x10400] =	vst v17  }
0xcc: {  	[hbm4b:s31+s3] =	stream.linear.scatter [tilespmem:s12], [sflag:$0x3], $0x5000, $0x38;
	[tilespmem:$0x1A400] =	vst v63  }
0xcd: {  	s26 =	simm.s32 @!p1 $0x6400;
	s25 =	simm.s32 @!p1 $0x140;
	s24 =	sadd.s32 @!p1 $0x280, s22  }
0xce: {  	[tilespmem:s26], [sflag:$0x1] =	stream.indirect.gather @!p1 [hbm4b:s5+s25], $0x40, s24, s25, $0xb8;
	[tilespmem:$0x1A400] =	vst v63  }
0xcf: {  	_ =	swait.ge [sflag:s13], $0x5000  }
0xd0: {  	[sflag:s13] =	ssyncset.done $0x0  }
0xd1: {  	s24 =	simm.s32 @!p0 $0x4;
	[sflag:s13] =	ssyncadd.s32 $0xFFFFB000  }
0xd2: {  	_ =	swait.ge @!p0 [sflag:s24], $0x5000  }
0xd3: {  	[sflag:s24] =	ssyncset.done @!p0 $0x0  }
0xd4: {  	[sflag:s24] =	ssyncadd.s32 @!p0 $0xFFFFB000;
	s24 =	simm.s32 $0x3F0  }
0xd5: {  	v34 =	vld [tilespmem:s24+$0xB010]  }
0xd6: {  	v35 =	vld [tilespmem:s24+$0xB020]  }
0xd7: {  	v33 =	vld [tilespmem:s24+$0xB030]  }
0xd8: {  	v32 =	vld [tilespmem:s24+$0xB040]  }
0xd9: {  	v30 =	vld [tilespmem:s24+$0xB050]  }
0xda: {  	v31 =	vld [tilespmem:s24+$0xB060]  }
0xdb: {  	v29 =	vld [tilespmem:s24+$0xB070]  }
0xdc: {  	v28 =	vld [tilespmem:s24+$0xB080]  }
0xdd: {  	v26 =	vld [tilespmem:s24+$0xB090]  }
0xde: {  	v27 =	vld [tilespmem:s24+$0xB0A0]  }
0xdf: {  	v25 =	vld [tilespmem:s24+$0xB0B0]  }
0xe0: {  	v24 =	vld [tilespmem:s24+$0xB0C0]  }
0xe1: {  	v22 =	vld [tilespmem:s24+$0xB0D0]  }
0xe2: {  	v23 =	vld [tilespmem:s24+$0xB0E0]  }
0xe3: {  	v20 =	vld [tilespmem:s24+$0xB0F0]  }
0xe4: {  	v21 =	vld [tilespmem:s24+$0xB100]  }
0xe5: {  	v17 =	vld [tilespmem:s24+$0xB110]  }
0xe6: {  	v18 =	vld [tilespmem:s24+$0xB120]  }
0xe7: {  	v16 =	vld [tilespmem:s24+$0xB130]  }
0xe8: {  	s23 =	sor.u32 $0x1, s23;
	s25 =	simm.s32 $0x1FC0;
	s26 =	smov.u32 s19;
	v19 =	vld [tilespmem:s19+$0x0]  }
.LBB2_5:
0xe9: {  	p0 =	sne.s32 s25, $0x13FC0;
	v36 =	vld [tilespmem:s24+$0xB140]  }
0xea: {  	v37 =	vld [tilespmem:s24+$0xB150]  }
0xeb: {  	v38 =	vld [tilespmem:s24+$0xB160]  }
0xec: {  	v39 =	vld [tilespmem:s24+$0xB170]  }
0xed: {  	vm0 =	vlt.s32 v19, $0x1;
	v40 =	vld [tilespmem:s24+$0xB180]  }
0xee: {  	v19 =	vnsel vm0, $0x1, v19;
	v41 =	vld [tilespmem:s24+$0xB190]  }
0xef: {  	v19 =	vcvt.s32.f32 v19;
	v42 =	vld [tilespmem:s24+$0xB1A0]  }
0xf0: {  	v43 =	vld [tilespmem:s24+$0xB1B0]  }
0xf1: {  	v19 =	vmul.f32 $8.000000000e+00, v19;
	v44 =	vld [tilespmem:s24+$0xB1C0]  }
0xf2: {  	v45 =	vld [tilespmem:s24+$0xB1D0]  }
0xf3: {  	v46 =	vperm.xlane v19, v1;
	v47 =	vperm.xlane v19, v0;
	v48 =	vld [tilespmem:s24+$0xB1E0]  }
0xf4: {  	v49 =	vperm.xlane v19, v2;
	v50 =	vperm.xlane v19, v3;
	v51 =	vld [tilespmem:s24+$0xB1F0]  }
0xf5: {  	v34 =	vmul.f32 v34, v46;
	v35 =	vmul.f32 v35, v46;
	v52 =	vld [tilespmem:s24+$0xB200]  }
0xf6: {  	v33 =	vmul.f32 v33, v46;
	v32 =	vmul.f32 v32, v46;
	v46 =	vld [tilespmem:s24+$0xB210]  }
0xf7: {  	v30 =	vmul.f32 v30, v47;
	v31 =	vmul.f32 v31, v47;
	[tilespmem:s24+$0x15010] =	vst v34;
	v34 =	vld [tilespmem:s24+$0xB220]  }
0xf8: {  	v29 =	vmul.f32 v29, v47;
	v28 =	vmul.f32 v28, v47;
	[tilespmem:s24+$0x15020] =	vst v35;
	v35 =	vld [tilespmem:s24+$0xB230]  }
0xf9: {  	v26 =	vmul.f32 v26, v49;
	v27 =	vmul.f32 v27, v49;
	[tilespmem:s24+$0x15030] =	vst v33;
	v33 =	vld [tilespmem:s24+$0xB240]  }
0xfa: {  	v25 =	vmul.f32 v25, v49;
	v24 =	vmul.f32 v24, v49;
	[tilespmem:s24+$0x15040] =	vst v32;
	v32 =	vld [tilespmem:s24+$0xB250]  }
0xfb: {  	v22 =	vmul.f32 v22, v50;
	v23 =	vmul.f32 v23, v50;
	[tilespmem:s24+$0x15050] =	vst v30;
	v30 =	vld [tilespmem:s24+$0xB260]  }
0xfc: {  	v20 =	vmul.f32 v20, v50;
	v21 =	vmul.f32 v21, v50;
	[tilespmem:s24+$0x15060] =	vst v31;
	v31 =	vld [tilespmem:s24+$0xB270]  }
0xfd: {  	v47 =	vperm.xlane v19, v5;
	[tilespmem:s24+$0x15070] =	vst v29;
	v29 =	vperm.xlane v19, v4;
	v49 =	vld [tilespmem:s24+$0xB280]  }
0xfe: {  	v50 =	vperm.xlane v19, v7;
	[tilespmem:s24+$0x15080] =	vst v28;
	v28 =	vperm.xlane v19, v6;
	v53 =	vld [tilespmem:s24+$0xB290]  }
0xff: {  	[tilespmem:s24+$0x15090] =	vst v26;
	v17 =	vmul.f32 v17, v29;
	v18 =	vmul.f32 v18, v29;
	v26 =	vld [tilespmem:s24+$0xB2A0]  }
0x100: {  	v16 =	vmul.f32 v16, v29;
	[tilespmem:s24+$0x150A0] =	vst v27;
	v27 =	vmul.f32 v36, v29;
	v29 =	vld [tilespmem:s24+$0xB2B0]  }
0x101: {  	v36 =	vmul.f32 v38, v47;
	[tilespmem:s24+$0x150B0] =	vst v25;
	v25 =	vmul.f32 v37, v47;
	v37 =	vld [tilespmem:s24+$0xB2C0]  }
0x102: {  	v38 =	vmul.f32 v40, v47;
	[tilespmem:s24+$0x150C0] =	vst v24;
	v24 =	vmul.f32 v39, v47;
	v39 =	vld [tilespmem:s24+$0xB2D0]  }
0x103: {  	v40 =	vmul.f32 v42, v28;
	[tilespmem:s24+$0x150D0] =	vst v22;
	v22 =	vmul.f32 v41, v28;
	v41 =	vld [tilespmem:s24+$0xB2E0]  }
0x104: {  	[tilespmem:s24+$0x150E0] =	vst v23;
	v23 =	vmul.f32 v43, v28;
	v28 =	vmul.f32 v44, v28;
	v42 =	vld [tilespmem:s24+$0xB2F0]  }
0x105: {  	v43 =	vmul.f32 v48, v50;
	[tilespmem:s24+$0x150F0] =	vst v20;
	v20 =	vmul.f32 v45, v50;
	v44 =	vld [tilespmem:s24+$0xB300]  }
0x106: {  	v45 =	vmul.f32 v52, v50;
	[tilespmem:s24+$0x15100] =	vst v21;
	v21 =	vmul.f32 v51, v50;
	v47 =	vld [tilespmem:s24+$0xB310]  }
0x107: {  	v48 =	vperm.xlane v19, v9;
	[tilespmem:s24+$0x15110] =	vst v17;
	v17 =	vperm.xlane v19, v8;
	v50 =	vld [tilespmem:s24+$0xB320]  }
0x108: {  	v51 =	vperm.xlane v19, v11;
	[tilespmem:s24+$0x15120] =	vst v18;
	v18 =	vperm.xlane v19, v10;
	v52 =	vld [tilespmem:s24+$0xB330]  }
0x109: {  	[tilespmem:s24+$0x15130] =	vst v16;
	v16 =	vmul.f32 v46, v17;
	v34 =	vmul.f32 v34, v17;
	v46 =	vld [tilespmem:s24+$0xB340]  }
0x10a: {  	[tilespmem:s24+$0x15140] =	vst v27;
	v27 =	vmul.f32 v35, v17;
	v17 =	vmul.f32 v33, v17;
	v33 =	vld [tilespmem:s24+$0xB350]  }
0x10b: {  	v30 =	vmul.f32 v30, v48;
	[tilespmem:s24+$0x15150] =	vst v25;
	v25 =	vmul.f32 v32, v48;
	v32 =	vld [tilespmem:s24+$0xB360]  }
0x10c: {  	v31 =	vmul.f32 v31, v48;
	v35 =	vmul.f32 v49, v48;
	[tilespmem:s24+$0x15160] =	vst v36;
	v36 =	vld [tilespmem:s24+$0xB370]  }
0x10d: {  	v26 =	vmul.f32 v26, v18;
	[tilespmem:s24+$0x15170] =	vst v24;
	v24 =	vmul.f32 v53, v18;
	v48 =	vld [tilespmem:s24+$0xB380]  }
0x10e: {  	v29 =	vmul.f32 v29, v18;
	v18 =	vmul.f32 v37, v18;
	[tilespmem:s24+$0x15180] =	vst v38;
	v37 =	vld [tilespmem:s24+$0xB390]  }
0x10f: {  	v38 =	vmul.f32 v41, v51;
	[tilespmem:s24+$0x15190] =	vst v22;
	v22 =	vmul.f32 v39, v51;
	v39 =	vld [tilespmem:s24+$0xB3A0]  }
0x110: {  	v41 =	vmul.f32 v44, v51;
	[tilespmem:s24+$0x151A0] =	vst v40;
	v40 =	vmul.f32 v42, v51;
	v42 =	vld [tilespmem:s24+$0xB3B0]  }
0x111: {  	v44 =	vperm.xlane v19, v13;
	[tilespmem:s24+$0x151B0] =	vst v23;
	v23 =	vperm.xlane v19, v12;
	v49 =	vld [tilespmem:s24+$0xB3C0]  }
0x112: {  	[tilespmem:s24+$0x151C0] =	vst v28;
	v28 =	vperm.xlane v19, v14;
	v19 =	vperm.xlane v19, v15;
	v51 =	vld [tilespmem:s24+$0xB3D0]  }
0x113: {  	[tilespmem:s24+$0x151D0] =	vst v20;
	v20 =	vmul.f32 v47, v23;
	v47 =	vmul.f32 v50, v23;
	v50 =	vld [tilespmem:s24+$0xB3E0]  }
0x114: {  	[tilespmem:s24+$0x151E0] =	vst v43;
	v43 =	vmul.f32 v52, v23;
	v23 =	vmul.f32 v46, v23;
	v46 =	vld [tilespmem:s24+$0xB3F0]  }
0x115: {  	v52 =	vmul.f32 v32, v44;
	[tilespmem:s24+$0x151F0] =	vst v21;
	v21 =	vmul.f32 v33, v44;
	v32 =	vld [tilespmem:s24+$0xB400]  }
0x116: {  	v36 =	vmul.f32 v36, v44;
	v44 =	vmul.f32 v48, v44;
	[tilespmem:s24+$0x15200] =	vst v45  }
0x117: {  	[tilespmem:s24+$0x15210] =	vst v16;
	v16 =	vmul.f32 v37, v28;
	v37 =	vmul.f32 v39, v28  }
0x118: {  	v39 =	vmul.f32 v42, v28;
	v42 =	vmul.f32 v49, v28;
	[tilespmem:s24+$0x15220] =	vst v34  }
0x119: {  	v45 =	vmul.f32 v51, v19;
	v48 =	vmul.f32 v50, v19;
	[tilespmem:s24+$0x15230] =	vst v27  }
0x11a: {  	v46 =	vmul.f32 v46, v19;
	[tilespmem:s24+$0x15240] =	vst v17;
	v19 =	vmul.f32 v32, v19  }
0x11b: {  	[tilespmem:s24+$0x15250] =	vst v25  }
0x11c: {  	[tilespmem:s24+$0x15260] =	vst v30  }
0x11d: {  	[tilespmem:s24+$0x15270] =	vst v31  }
0x11e: {  	[tilespmem:s24+$0x15280] =	vst v35  }
0x11f: {  	[tilespmem:s24+$0x15290] =	vst v24  }
0x120: {  	[tilespmem:s24+$0x152A0] =	vst v26  }
0x121: {  	[tilespmem:s24+$0x152B0] =	vst v29  }
0x122: {  	[tilespmem:s24+$0x152C0] =	vst v18  }
0x123: {  	s28 =	sshra.s32 s25, $0x2;
	[tilespmem:s24+$0x152D0] =	vst v22  }
0x124: {  	v34 =	vld [tilespmem:s28+$0xB010];
	[tilespmem:s24+$0x152E0] =	vst v38  }
0x125: {  	v35 =	vld [tilespmem:s28+$0xB020];
	[tilespmem:s24+$0x152F0] =	vst v40  }
0x126: {  	v33 =	vld [tilespmem:s28+$0xB030];
	[tilespmem:s24+$0x15300] =	vst v41  }
0x127: {  	v32 =	vld [tilespmem:s28+$0xB040];
	[tilespmem:s24+$0x15310] =	vst v20  }
0x128: {  	v30 =	vld [tilespmem:s28+$0xB050];
	[tilespmem:s24+$0x15320] =	vst v47  }
0x129: {  	v31 =	vld [tilespmem:s28+$0xB060];
	[tilespmem:s24+$0x15330] =	vst v43  }
0x12a: {  	v29 =	vld [tilespmem:s28+$0xB070];
	[tilespmem:s24+$0x15340] =	vst v23  }
0x12b: {  	v28 =	vld [tilespmem:s28+$0xB080];
	[tilespmem:s24+$0x15350] =	vst v21  }
0x12c: {  	v26 =	vld [tilespmem:s28+$0xB090];
	[tilespmem:s24+$0x15360] =	vst v52  }
0x12d: {  	v27 =	vld [tilespmem:s28+$0xB0A0];
	[tilespmem:s24+$0x15370] =	vst v36  }
0x12e: {  	v25 =	vld [tilespmem:s28+$0xB0B0];
	[tilespmem:s24+$0x15380] =	vst v44  }
0x12f: {  	v24 =	vld [tilespmem:s28+$0xB0C0];
	[tilespmem:s24+$0x15390] =	vst v16  }
0x130: {  	v22 =	vld [tilespmem:s28+$0xB0D0];
	[tilespmem:s24+$0x153A0] =	vst v37  }
0x131: {  	v23 =	vld [tilespmem:s28+$0xB0E0];
	[tilespmem:s24+$0x153B0] =	vst v39  }
0x132: {  	v20 =	vld [tilespmem:s28+$0xB0F0];
	[tilespmem:s24+$0x153C0] =	vst v42  }
.Ltmp3:
0x133: {  	v21 =	vld [tilespmem:s28+$0xB100];
	[tilespmem:s24+$0x153D0] =	vst v45;
	(pc) =	sbr.rel @p0 .LBB2_5-.Ltmp3, $4  }
0x134: {  	v17 =	vld [tilespmem:s28+$0xB110];
	[tilespmem:s24+$0x153E0] =	vst v48  }
0x135: {  	v18 =	vld [tilespmem:s28+$0xB120];
	[tilespmem:s24+$0x153F0] =	vst v46  }
0x136: {  	s26 =	sadd.s32 $0x10, s26;
	v16 =	vld [tilespmem:s28+$0xB130];
	[tilespmem:s24+$0x15400] =	vst v19;
	s24 =	smov.u32 s28  }
0x137: {  	s25 =	sadd.s32 $0x1000, s25;
	v19 =	vld [tilespmem:s26+$0x0]  }
0x138: {  	_ =	sdelay $0x3  }
0x139: {  	vm0 =	vlt.s32 v19, $0x1  }
0x13a: {  	v19 =	vnsel vm0, $0x1, v19  }
0x13b: {  	v19 =	vcvt.s32.f32 v19;
	_ =	sdelay $0x1  }
0x13c: {  	v19 =	vmul.f32 $8.000000000e+00, v19;
	_ =	sdelay $0x1  }
0x13d: {  	v46 =	vperm.xlane v19, v1;
	_ =	sdelay $0x1  }
0x13e: {  	v34 =	vmul.f32 v34, v46  }
0x13f: {  	v35 =	vmul.f32 v35, v46  }
0x140: {  	v51 =	vperm.xlane v19, v0;
	v33 =	vmul.f32 v33, v46;
	[tilespmem:s24+$0x15010] =	vst v34  }
0x141: {  	v32 =	vmul.f32 v32, v46;
	[tilespmem:s24+$0x15020] =	vst v35  }
0x142: {  	v30 =	vmul.f32 v30, v51;
	[tilespmem:s24+$0x15030] =	vst v33  }
0x143: {  	v31 =	vmul.f32 v31, v51;
	[tilespmem:s24+$0x15040] =	vst v32  }
0x144: {  	v63 =	vperm.xlane v19, v2;
	v29 =	vmul.f32 v29, v51;
	[tilespmem:s24+$0x15050] =	vst v30  }
0x145: {  	v28 =	vmul.f32 v28, v51;
	[tilespmem:s24+$0x15060] =	vst v31  }
0x146: {  	v26 =	vmul.f32 v26, v63;
	[tilespmem:s24+$0x15070] =	vst v29  }
0x147: {  	v27 =	vmul.f32 v27, v63;
	[tilespmem:s24+$0x15080] =	vst v28  }
0x148: {  	v54 =	vperm.xlane v19, v3;
	v25 =	vmul.f32 v25, v63;
	[tilespmem:s24+$0x15090] =	vst v26  }
0x149: {  	v24 =	vmul.f32 v24, v63;
	[tilespmem:s24+$0x150A0] =	vst v27  }
0x14a: {  	v22 =	vmul.f32 v22, v54;
	[tilespmem:s24+$0x150B0] =	vst v25  }
0x14b: {  	v23 =	vmul.f32 v23, v54;
	[tilespmem:s24+$0x150C0] =	vst v24  }
0x14c: {  	v36 =	vld [tilespmem:s24+$0xB140];
	v55 =	vperm.xlane v19, v4;
	v20 =	vmul.f32 v20, v54;
	[tilespmem:s24+$0x150D0] =	vst v22  }
0x14d: {  	v37 =	vld [tilespmem:s24+$0xB150];
	v21 =	vmul.f32 v21, v54;
	[tilespmem:s24+$0x150E0] =	vst v23  }
0x14e: {  	v38 =	vld [tilespmem:s24+$0xB160];
	v17 =	vmul.f32 v17, v55;
	[tilespmem:s24+$0x150F0] =	vst v20  }
0x14f: {  	v39 =	vld [tilespmem:s24+$0xB170];
	v18 =	vmul.f32 v18, v55;
	[tilespmem:s24+$0x15100] =	vst v21  }
0x150: {  	v40 =	vld [tilespmem:s24+$0xB180];
	v56 =	vperm.xlane v19, v5;
	v16 =	vmul.f32 v16, v55;
	[tilespmem:s24+$0x15110] =	vst v17  }
0x151: {  	v41 =	vld [tilespmem:s24+$0xB190];
	v36 =	vmul.f32 v36, v55;
	[tilespmem:s24+$0x15120] =	vst v18  }
0x152: {  	v42 =	vld [tilespmem:s24+$0xB1A0];
	v37 =	vmul.f32 v37, v56;
	[tilespmem:s24+$0x15130] =	vst v16  }
0x153: {  	v43 =	vld [tilespmem:s24+$0xB1B0];
	v38 =	vmul.f32 v38, v56;
	[tilespmem:s24+$0x15140] =	vst v36  }
0x154: {  	v44 =	vld [tilespmem:s24+$0xB1C0];
	v58 =	vperm.xlane v19, v6;
	v39 =	vmul.f32 v39, v56;
	[tilespmem:s24+$0x15150] =	vst v37  }
0x155: {  	v45 =	vld [tilespmem:s24+$0xB1D0];
	v40 =	vmul.f32 v40, v56;
	[tilespmem:s24+$0x15160] =	vst v38  }
0x156: {  	v47 =	vld [tilespmem:s24+$0xB1E0];
	v41 =	vmul.f32 v41, v58;
	[tilespmem:s24+$0x15170] =	vst v39  }
0x157: {  	v48 =	vld [tilespmem:s24+$0xB1F0];
	v42 =	vmul.f32 v42, v58;
	[tilespmem:s24+$0x15180] =	vst v40  }
0x158: {  	v49 =	vld [tilespmem:s24+$0xB200];
	v59 =	vperm.xlane v19, v7;
	v43 =	vmul.f32 v43, v58;
	[tilespmem:s24+$0x15190] =	vst v41  }
0x159: {  	v50 =	vld [tilespmem:s24+$0xB210];
	v44 =	vmul.f32 v44, v58;
	[tilespmem:s24+$0x151A0] =	vst v42  }
0x15a: {  	v57 =	vld [tilespmem:s24+$0xB360];
	v45 =	vmul.f32 v45, v59;
	[tilespmem:s24+$0x151B0] =	vst v43  }
0x15b: {  	v60 =	vmul.f32 v47, v59;
	v34 =	vld [tilespmem:s24+$0xB220];
	[tilespmem:s24+$0x151C0] =	vst v44  }
0x15c: {  	v62 =	vperm.xlane v19, v8;
	v61 =	vmul.f32 v48, v59;
	v35 =	vld [tilespmem:s24+$0xB230];
	[tilespmem:s24+$0x151D0] =	vst v45  }
0x15d: {  	v49 =	vmul.f32 v49, v59;
	v56 =	vperm.xlane v19, v13;
	v33 =	vld [tilespmem:s24+$0xB240];
	[tilespmem:s24+$0x151E0] =	vst v60  }
0x15e: {  	v63 =	vmul.f32 v50, v62;
	v32 =	vld [tilespmem:s24+$0xB250];
	[tilespmem:s24+$0x151F0] =	vst v61  }
0x15f: {  	v30 =	vld [tilespmem:s24+$0xB260];
	[tilespmem:s24+$0x15200] =	vst v49;
	v57 =	vmul.f32 v57, v56  }
0x160: {  	v31 =	vld [tilespmem:s24+$0xB270];
	[tilespmem:s24+$0x15210] =	vst v63;
	v34 =	vmul.f32 v34, v62  }
0x161: {  	v52 =	vperm.xlane v19, v9;
	v29 =	vld [tilespmem:s24+$0xB280];
	[tilespmem:s24+$0x15360] =	vst v57;
	v35 =	vmul.f32 v35, v62  }
0x162: {  	v28 =	vld [tilespmem:s24+$0xB290];
	v33 =	vmul.f32 v33, v62;
	[tilespmem:s24+$0x15220] =	vst v34  }
0x163: {  	v26 =	vld [tilespmem:s24+$0xB2A0];
	v32 =	vmul.f32 v32, v52;
	[tilespmem:s24+$0x15230] =	vst v35  }
0x164: {  	v27 =	vld [tilespmem:s24+$0xB2B0];
	v30 =	vmul.f32 v30, v52;
	[tilespmem:s24+$0x15240] =	vst v33  }
0x165: {  	v53 =	vperm.xlane v19, v10;
	v25 =	vld [tilespmem:s24+$0xB2C0];
	v31 =	vmul.f32 v31, v52;
	[tilespmem:s24+$0x15250] =	vst v32  }
0x166: {  	v24 =	vld [tilespmem:s24+$0xB2D0];
	v29 =	vmul.f32 v29, v52;
	[tilespmem:s24+$0x15260] =	vst v30  }
0x167: {  	v22 =	vld [tilespmem:s24+$0xB2E0];
	v28 =	vmul.f32 v28, v53;
	[tilespmem:s24+$0x15270] =	vst v31  }
0x168: {  	v23 =	vld [tilespmem:s24+$0xB2F0];
	v26 =	vmul.f32 v26, v53;
	[tilespmem:s24+$0x15280] =	vst v29  }
0x169: {  	v54 =	vperm.xlane v19, v11;
	v20 =	vld [tilespmem:s24+$0xB300];
	v27 =	vmul.f32 v27, v53;
	[tilespmem:s24+$0x15290] =	vst v28  }
0x16a: {  	v21 =	vld [tilespmem:s24+$0xB310];
	v25 =	vmul.f32 v25, v53;
	[tilespmem:s24+$0x152A0] =	vst v26  }
0x16b: {  	v17 =	vld [tilespmem:s24+$0xB320];
	v24 =	vmul.f32 v24, v54;
	[tilespmem:s24+$0x152B0] =	vst v27  }
0x16c: {  	v18 =	vld [tilespmem:s24+$0xB330];
	v22 =	vmul.f32 v22, v54;
	[tilespmem:s24+$0x152C0] =	vst v25  }
0x16d: {  	v55 =	vperm.xlane v19, v12;
	v16 =	vld [tilespmem:s24+$0xB340];
	v23 =	vmul.f32 v23, v54;
	[tilespmem:s24+$0x152D0] =	vst v24  }
0x16e: {  	v36 =	vld [tilespmem:s24+$0xB350];
	v20 =	vmul.f32 v20, v54;
	[tilespmem:s24+$0x152E0] =	vst v22  }
0x16f: {  	v38 =	vld [tilespmem:s24+$0xB370];
	v21 =	vmul.f32 v21, v55;
	[tilespmem:s24+$0x152F0] =	vst v23  }
0x170: {  	v39 =	vld [tilespmem:s24+$0xB380];
	v17 =	vmul.f32 v17, v55;
	[tilespmem:s24+$0x15300] =	vst v20  }
0x171: {  	v40 =	vld [tilespmem:s24+$0xB390];
	v18 =	vmul.f32 v18, v55;
	[tilespmem:s24+$0x15310] =	vst v21  }
0x172: {  	v41 =	vld [tilespmem:s24+$0xB3A0];
	v16 =	vmul.f32 v16, v55;
	[tilespmem:s24+$0x15320] =	vst v17  }
0x173: {  	v42 =	vld [tilespmem:s24+$0xB3B0];
	v17 =	vmul.f32 v36, v56;
	[tilespmem:s24+$0x15330] =	vst v18  }
0x174: {  	v43 =	vld [tilespmem:s24+$0xB3C0];
	v58 =	vmul.f32 v38, v56;
	[tilespmem:s24+$0x15340] =	vst v16;
	v16 =	vperm.xlane v19, v14  }
0x175: {  	v44 =	vld [tilespmem:s24+$0xB3D0];
	[tilespmem:s24+$0x15350] =	vst v17;
	v17 =	vmul.f32 v39, v56  }
0x176: {  	v45 =	vld [tilespmem:s24+$0xB3E0];
	[tilespmem:s24+$0x15370] =	vst v58;
	v59 =	vmul.f32 v40, v16  }
0x177: {  	v48 =	vld [tilespmem:s24+$0xB3F0];
	v60 =	vmul.f32 v41, v16;
	[tilespmem:s24+$0x15380] =	vst v17  }
0x178: {  	v50 =	vld [tilespmem:s24+$0xB400];
	v61 =	vmul.f32 v42, v16;
	v17 =	vperm.xlane v19, v15;
	[tilespmem:s24+$0x15390] =	vst v59  }
0x179: {  	v16 =	vmul.f32 v43, v16;
	[tilespmem:s24+$0x153A0] =	vst v60  }
0x17a: {  	s23 =	smul.u32 $0x140, s23;
	[tilespmem:s24+$0x153B0] =	vst v61;
	v62 =	vmul.f32 v44, v17  }
0x17b: {  	[tilespmem:s24+$0x153C0] =	vst v16;
	v63 =	vmul.f32 v45, v17  }
.Ltmp4:
0x17c: {  	s23 =	sadd.s32 s4, s23;
	v16 =	vmul.f32 v48, v17;
	[tilespmem:s24+$0x153D0] =	vst v62;
	(pc) =	sbr.rel @p1 .LBB2_8-.Ltmp4, $4  }
0x17d: {  	s23 =	sshll.u32 s23, $0x3;
	v17 =	vmul.f32 v50, v17;
	[tilespmem:s24+$0x153E0] =	vst v63  }
0x17e: {  	s23 =	sand.u32 $0x1FFFFE00, s23;
	[tilespmem:s24+$0x153F0] =	vst v16  }
0x17f: {  	s23 =	sadd.s32 s2, s23;
	[tilespmem:s24+$0x15400] =	vst v17  }
0x180: {  	[hbm4b:s23+s3] =	stream.linear.scatter [tilespmem:s14], [sflag:$0x4], $0x5000, $0x38;
	[tilespmem:$0x1A400] =	vst v63  }
.Ltmp5:
0x181: {  	(pc) =	sbr.rel .LBB2_2-.Ltmp5, $4  }
0x182: {  	_ = 	snop  }
0x183: {  	s22 =	sadd.s32 $0x3C0, s22  }
0x184: {  	s21 =	sadd.s32 $0x1, s21;
	s20 =	sadd.s32 $0x280, s20;
	s19 =	sadd.s32 $0x280, s19  }
0x185: {  	[tilespmem:s10], [sflag:$0x2] =	stream.indirect.gather [hbm4b:s5+s17], $0x40, s22, s17, $0xb8;
	[tilespmem:$0x1A400] =	vst v63  }
.LBB2_9:
0x186: {  	_ =	sfence.sel $0x180000  }
0x187: {  	[bflag:$0x0] =	sbarrier.arrive $0xFFFF  }
0x188: {  	p0 =	sne.s32 s0, $0x0;
	_ =	strace $0x90000047  }
0x189: {  	s0 =	sadd.s32 @!p0 $0x100000, s1;
	[bflag:$0x2] =	sbarrier.arrive $0xFFFF  }
0x18a: {  	[sflag:s0] =	ssyncadd.tile.s32 @!p0 $0x1;
	_ =	shalt  }
.Lfunc_end2:
_tile_overlayer_lowered:
.L_overlay_start_2:
0x18b: {  	(tag) =	ssettag $0x2  }
0x18c: {  	s0 =	rddreg [dreg:$0x0];
	s2 =	stileid.u32  }
0x18d: {  	s1 =	rddreg [dreg:$0x1];
	p0 =	sne.s32 s2, $0x0  }
0x18e: {  	s3 =	rddreg [dreg:$0x2];
	[bflag:$0x3] =	sbarrier.arrive $0xFFFF;
	s2 =	simm.s32 @!p0 $0x1C05  }
0x18f: {  	[timem:s3], [sflag:s2] =	dma.local @!p0 [hbm:s0], s1  }
0x190: {  	s0 =	simm.s32 @!p0 $0x5  }
0x191: {  	_ =	swait.ge @!p0 [sflag:s0], s1  }
0x192: {  	s1 =	ssub.s32 @!p0 $0x0, s1;
	[sflag:s0] =	ssyncset.done @!p0 $0x0  }
0x193: {  	[sflag:s0] =	ssyncadd.s32 @!p0 s1  }
0x194: {  	[bflag:$0x3] =	sbarrier.arrive $0xFFFF  }
0x195: {  	_ =	shalt  }

// kernel: sparse-core-data-format-call.cloned.1.call-start
scs
called_computation_lowered:
.L_overlay_start_0:
0x0: {  	s2 =	sld [smem:$0x3FD9]  }
0x1: {  	s3 =	sld [smem:$0x3FFE];
	_ =	sdelay $0x1  }
0x2: {  	s1 =	srdreg.scid  }
0x3: {  	s0 =	sand.u32 $0x1, s1  }
0x4: {  	s18 =	sshll.u32 s0, $0xA;
	s2 =	sadd.s32 s3, s2  }
0x5: {  	s2 =	sadd.s32 s2, s18  }
0x6: {  	[smem:$0x3FC6] =	sst s2  }
0x7: {  	_ = 	snop  }
0x8: {  	s2 =	sld [smem:$0x3FD0];
	(tm) =	ssettm $0x1  }
0x9: {  	s19 =	sld [smem:$0x3FFB];
	_ =	sdelay $0x3  }
0xa: {  	_ =	strace s19  }
0xb: {  	s3 =	sld [smem:$0x3FFC];
	_ =	sdelay $0x3  }
0xc: {  	_ =	strace s3  }
0xd: {  	s3 =	sld [smem:$0x3FFD];
	_ =	sdelay $0x3  }
0xe: {  	_ =	strace s3  }
0xf: {  	_ =	strace $0x8FFFFFFF  }
0x10: {  	s20 =	sld [smem:$0x3FDB];
	_ =	sdelay $0x1  }
0x11: {  	s4 =	simm.s32 $_scs_section_size  }
0x12: {  	s5 =	simm.s32 $_size__tile_overlayer_lowered;
	s6 =	simm.s32 $_tile_overlayer_lowered  }
0x13: {  	s23 =	simm.s32 $0x1BFF;
	s22 =	sshll.u32 s6, $0x1;
	s3 =	sadd.s32 s4, s20  }
0x14: {  	s7 =	simm.s32 $0x0;
	s21 =	sshll.u32 s5, $0x1;
	s5 =	sadd.s32 s22, s3  }
0x15: {  	[timem:s7], [sflag:s23] =	dma.local [hbm:s5], s21  }
0x16: {  	_ =	swait.ge [sflag:s23], s21  }
0x17: {  	s4 =	ssub.s32 $0x0, s21;
	[sflag:s23] =	ssyncset.done $0x0  }
0x18: {  	[sflag:s23] =	ssyncadd.s32 s4;
	_ =	sdelay $0x1  }
0x19: {  	s24 =	simm.s32 $0x1B8B  }
0x1a: {  	_ =	swait.ge [sflag:s24], $0x1  }
0x1b: {  	[sflag:s24] =	ssyncset.done $0x0  }
0x1c: {  	s26 =	simm.s32 $0x1B8E;
	s25 =	sld [smem:$0x3FFE];
	[sflag:s24] =	ssyncadd.s32 $0xFFFFFFFF  }
0x1d: {  	s27 =	simm.s32 $execute0_lowered;
	[smem:$0x3FD2] =	sst s26  }
0x1e: {  	s5 =	sshll.u32 s27, $0x1;
	_ =	strace $0x80000049;
	[dreg:$0x1] =	wrdreg $0xFFFFFFFF  }
0x1f: {  	s28 =	simm.s32 $_size_execute0_lowered;
	s3 =	sadd.s32 s3, s5;
	[dreg:$0x0] =	wrdreg $0x0  }
0x20: {  	s5 =	sshll.u32 s28, $0x1;
	[dreg:$0x2] =	wrdreg s3  }
0x21: {  	[dreg:$0x3] =	wrdreg s5  }
0x22: {  	[dreg:$0x4] =	wrdreg $0xC0  }
0x23: {  	_ =	task [dreg:s7], $0x5FFFF  }
0x24: {  	[dreg:$0x1] =	wrdreg $0xFFFFFFFF  }
0x25: {  	[dreg:$0x0] =	wrdreg $0x60  }
0x26: {  	[dreg:$0x2] =	wrdreg s25  }
0x27: {  	[dreg:$0x3] =	wrdreg s2  }
0x28: {  	[dreg:$0x4] =	wrdreg $0x9  }
0x29: {  	_ =	task.clear_ibuf [dreg:s7], $0x5FFFF;
	_ =	strace $0x90000049  }
0x2a: {  	s29 =	simm.s32 $0x9;
	_ =	strace $0x8000004B  }
0x2b: {  	_ =	swait.ge [sflag:s29], $0x1  }
0x2c: {  	[sflag:s29] =	ssyncadd.s32 $0xFFFFFFFF  }
0x2d: {  	_ =	strace $0x9000004B  }
0x2e: {  	_ =	sfence  }
0x2f: {  	s30 =	sld [smem:$0x0];
	_ =	sdelay $0x2  }
0x30: {  	s31 =	sshll.u32 s1, $0xD;
	s1 =	sshrl.u32 s1, $0x2  }
0x31: {  	s3 =	sand.u32 $0x4000, s31;
	s1 =	sadd.s32 s1, s30  }
0x32: {  	s0 =	sor.u32 s3, s0;
	s1 =	sshll.u32 s1, $0x11  }
0x33: {  	s0 =	sor.u32 s1, s0  }
0x34: {  	s0 =	sadd.s32 $0x8F2B, s0  }
0x35: {  	[sflag:s0] =	ssyncadd.remote.s32 $0x1  }
0x36: {  	_ =	sfence.sel $0xFFFF  }
0x37: {  	[dreg:$0x0] =	wrdreg $0xFFFFFFFF;
	(pc) =	sbr.abs _section_cstart, $3  }
0x38: {  	[dreg:$0x1] =	wrdreg $0xFFFFFFFF  }
0x39: {  	_ =	task.clear_ibuf [dreg:s7], $0x2FFFF;
	_ =	strace $0x9FFFFFFF  }
0x3a: {  	(tm) =	ssettm $0x7FFFFFFF  }
0x3b: {  	_ =	shalt  }
tec
execute0_lowered:
.L_overlay_start_1:
0x0: {  	(tag) =	ssettag $0x1  }
0x1: {  	s0 =	srdreg.scid  }
0x2: {  	s1 =	sshll.u32 s0, $0x4  }
0x3: {  	s4 =	rddreg [dreg:$0x0];
	s0 =	stileid.u32;
	s1 =	sand.u32 $0x10, s1  }
0x4: {  	s2 =	rddreg [dreg:$0x1];
	s7 =	simm.s32 $0x1;
	s1 =	sor.u32 s0, s1  }
0x5: {  	s8 =	simm.s32 $0x2;
	s11 =	simm.s32 $0x0;
	s3 =	sshll.u32 s1, $0x7  }
0x6: {  	s10 =	simm.s32 $0x0;
	s4 =	sadd.s32 $0x800, s4;
	s6 =	ssub.s32 $0xC8000, s3  }
.Ltmp0:
0x7: {  	s1 =	rddreg [dreg:$0x2];
	s5 =	sand.u32 $0xF80, s6;
	(pc) =	sbr.rel .LBB1_1-.Ltmp0, $4  }
0x8: {  	_ =	strace $0x8000004A;
	s9 =	smov.u32 s3;
	p0 =	sne.s32 s5, $0x0  }
0x9: {  	s6 =	sshrl.u32 s6, $0xC;
	s5 =	simm.s32 $0x1;
	s7 =	simm.s32 @!p0 $0x0  }
0xa: {  	[sflag:s5] =	ssyncpa.u1 $0x0;
	p0 =	por $0x0, $0x0;
	s6 =	sadd.s32 s7, s6  }
0xb: {  	[sflag:s8] =	ssyncpa.u1 $0x0;
	s8 =	simm.s32 $0x640000;
	s7 =	sadd.s32 $0x1, s6  }
.LBB1_4:
0xc: {  	s14 =	sshll.u32 s11, $0x3  }
0xd: {  	s30 =	sand.u32 $0x7F, s11;
	s15 =	sand.u32 $0xFFFFFC00, s14  }
0xe: {  	s11 =	sor.u32 s30, s15  }
0xf: {  	s15 =	smulhi.u32 $0x51EB851F, s11  }
0x10: {  	s14 =	smulhi.u32 $0x51EB851F, s14  }
0x11: {  	s15 =	sshrl.u32 s15, $0x12  }
0x12: {  	s14 =	sshrl.u32 s14, $0x12;
	s15 =	smul.u32 $0xC8000, s15  }
0x13: {  	s14 =	sand.u32 $0x3F, s14  }
0x14: {  	s14 =	smul.u32 $0x19000, s14;
	s11 =	ssub.s32 s11, s15  }
0x15: {  	[tilespmem:s13+$0x810 ss:$0x81] =	vst.msk $0xffff, v2;
	s15 =	sand.u32 $0x7, s11  }
0x16: {  	[tilespmem:s13+$0x1020 ss:$0x81] =	vst.msk $0xffff, v0;
	s14 =	sadd.s32 s2, s14;
	s11 =	sshrl.u32 s11, $0x3;
	s15 =	sshll.u32 s15, $0x12  }
0x17: {  	[tilespmem:s13+$0x0 ss:$0x81] =	vst.msk $0xffff, v1;
	s11 =	sadd.s32 s11, s14;
	s31 =	sor.u32 $0x400, s15  }
0x18: {  	[hbm4b:s11+s31] =	stream.strided.scatter [tilespmem:s12], [sflag:$0x2], $0x2000, s8, s31, $0x20;
	[tilespmem:$0x8080] =	vst v63  }
.LBB1_5:
0x19: {  	s13 =	sadd.s32 $0x1000, s9  }
0x1a: {  	p2 =	sgt.s32 s13, $0xC7FFF  }
0x1b: {  	s13 =	smov.u32 @p2 s3;
	p2 =	sne.s32 s10, s7  }
.Ltmp1:
0x1c: {  	p1 =	slt.u32 s10, $0x2;
	(pc) =	sbr.rel @!p2 .LBB1_6-.Ltmp1, $4  }
0x1d: {  	s12 =	simm.s32 @!p1 $0x2  }
0x1e: {  	s14 =	sadd.s32 $0x1, s10;
	_ =	swait.ge @!p1 [sflag:s12], $0x2000  }
0x1f: {  	s11 =	smov.u32 s9;
	p0 =	por !p0, !p0;
	[sflag:s12] =	ssyncset.done @!p1 $0x0  }
0x20: {  	s10 =	smov.u32 s14;
	s9 =	smov.u32 s13;
	[sflag:s12] =	ssyncadd.s32 @!p1 $0xFFFFE000  }
.LBB1_1:
0x21: {  	p1 =	sge.u32 s10, s6  }
0x22: {  	s12 =	sand.u32 @!p1 $0x1FFFFFF, s9  }
0x23: {  	s13 =	smulhi.u32 @!p1 $0x147AE15, s12;
	_ =	sdelay $0x1  }
0x24: {  	s13 =	sshrl.u32 @!p1 s13, $0xC  }
0x25: {  	s13 =	smul.u32 @!p1 $0xC8000, s13;
	_ =	sdelay $0x1  }
0x26: {  	s31 =	sadd.s32 $0xFFFFFFFF, s10;
	s14 =	sxor.u32 @!p1 $0xFFFFFFFF, s10;
	s12 =	ssub.s32 @!p1 s12, s13  }
0x27: {  	s15 =	simm.s32 @!p1 $0x80;
	s14 =	sshll.u32 @!p1 s14, $0xD;
	s12 =	sshll.u32 @!p1 s12, $0x4  }
0x28: {  	s13 =	sand.u32 @!p1 $0x2000, s14;
	s14 =	simm.s32 @!p1 $0x40;
	s12 =	sadd.s32 @!p1 s4, s12  }
0x29: {  	[tilespmem:s13], [sflag:$0x1] =	stream.strided.gather @!p1 [hbm4b:s12+s14], $0x2000, s15, s14, $0x38;
	[tilespmem:$0x8080] =	vst v63  }
0x2a: {  	p1 =	sge.u32 s31, s6  }
.Ltmp2:
0x2b: {  	_ = 	snop;
	(pc) =	sbr.rel @p1 .LBB1_5-.Ltmp2, $1  }
0x2c: {  	_ =	sdelay $0x3  }
0x2d: {  	s12 =	simm.s32 $0x1  }
0x2e: {  	_ =	swait.ge [sflag:s5], $0x2000;
	s12 =	simm.s32 @!p0 $0x0  }
0x2f: {  	[sflag:s5] =	ssyncset.done $0x0;
	s13 =	sshll.u32 s12, $0xD  }
0x30: {  	[sflag:s5] =	ssyncadd.s32 $0xFFFFE000;
	s16 =	sor.u32 $0x20, s13  }
0x31: {  	s12 =	smul.u32 $0x8100, s12;
	v3 =	vld [tilespmem:s16+$0x10]  }
0x32: {  	s30 =	sand.u32 $0x1, s10;
	v2 =	vld [tilespmem:s16+$0xFFFFFFF0]  }
0x33: {  	s13 =	smul.u32 $0x8100, s30;
	s12 =	sshrl.u32 s12, $0x2;
	v0 =	vld [tilespmem:s16+$0x0]  }
0x34: {  	v1 =	vld [tilespmem:s16+$0xFFFFFFE0];
	s14 =	sor.u32 $0x4000, s12  }
0x35: {  	s31 =	sshrl.u32 s13, $0x2;
	s13 =	sadd.s32 $0x0, s14  }
0x36: {  	s15 =	simm.s32 $0x4;
	s16 =	sadd.s32 $0x40, s16;
	s12 =	sor.u32 $0x4000, s31;
	[tilespmem:s13+$0x1830 ss:$0x81] =	vst.msk $0xffff, v3  }
.LBB1_3:
0x37: {  	v3 =	vld [tilespmem:s16+$0x10];
	p1 =	sne.s32 s15, $0x1FC;
	[tilespmem:s13+$0x810 ss:$0x81] =	vst.msk $0xffff, v2;
	s17 =	smov.u32 s15;
	s15 =	sadd.s32 $0x4, s15  }
.Ltmp3:
0x38: {  	v2 =	vld [tilespmem:s16+$0xFFFFFFF0];
	[tilespmem:s13+$0x1020 ss:$0x81] =	vst.msk $0xffff, v0;
	(pc) =	sbr.rel @p1 .LBB1_3-.Ltmp3, $4  }
0x39: {  	v0 =	vld [tilespmem:s16+$0x0];
	[tilespmem:s13+$0x0 ss:$0x81] =	vst.msk $0xffff, v1  }
0x3a: {  	s13 =	sshra.s32 s17, $0x2;
	v1 =	vld [tilespmem:s16+$0xFFFFFFE0]  }
0x3b: {  	s13 =	sadd.s32 s13, s14  }
0x3c: {  	s16 =	sadd.s32 $0x40, s16;
	[tilespmem:s13+$0x1830 ss:$0x81] =	vst.msk $0xffff, v3  }
.Ltmp4:
0x3d: {  	_ = 	snop;
	(pc) =	sbr.rel .LBB1_4-.Ltmp4, $1  }
0x3e: {  	_ =	sdelay $0x3  }
.LBB1_6:
0x3f: {  	_ =	sfence.sel $0x180000  }
0x40: {  	s2 =	simm.s32 $0x1;
	[bflag:$0x0] =	sbarrier.arrive $0xFFFF  }
0x41: {  	s31 =	simm.s32 $0x2;
	[sflag:s2] =	ssyncpa.u1 $0x1  }
0x42: {  	[sflag:s31] =	ssyncpa.u1 $0x1  }
0x43: {  	p0 =	sne.s32 s0, $0x0;
	_ =	strace $0x9000004A  }
0x44: {  	s0 =	sadd.s32 @!p0 $0x100000, s1;
	[bflag:$0x2] =	sbarrier.arrive $0xFFFF  }
0x45: {  	[sflag:s0] =	ssyncadd.tile.s32 @!p0 $0x1;
	_ =	shalt  }
.Lfunc_end1:
_tile_overlayer_lowered:
.L_overlay_start_2:
0x46: {  	(tag) =	ssettag $0x2  }
0x47: {  	s0 =	rddreg [dreg:$0x0];
	s2 =	stileid.u32  }
0x48: {  	s1 =	rddreg [dreg:$0x1];
	p0 =	sne.s32 s2, $0x0  }
0x49: {  	s3 =	rddreg [dreg:$0x2];
	[bflag:$0x3] =	sbarrier.arrive $0xFFFF;
	s2 =	simm.s32 @!p0 $0x1C01  }
0x4a: {  	[timem:s3], [sflag:s2] =	dma.local @!p0 [hbm:s0], s1  }
0x4b: {  	s0 =	simm.s32 @!p0 $0x1  }
0x4c: {  	_ =	swait.ge @!p0 [sflag:s0], s1  }
0x4d: {  	s1 =	ssub.s32 @!p0 $0x0, s1;
	[sflag:s0] =	ssyncset.done @!p0 $0x0  }
0x4e: {  	[sflag:s0] =	ssyncadd.s32 @!p0 s1  }
0x4f: {  	[bflag:$0x3] =	sbarrier.arrive $0xFFFF  }
0x50: {  	_ =	shalt  }

</sc_bundles>
